<compile_context>
chip_gen: v7x
topology: tpu7x:2x2x1
jax: 0.10.2.dev20260603
libtpu: 0.0.44.dev20260713+nightly
codegen_flags: <defaults>
</compile_context>

<pallas_src>
import functools

import jax
import jax.numpy as jnp
from jax import lax
from jax.experimental import pallas as pl
from jax.experimental.pallas import tpu as pltpu
from jax.experimental.pallas import tpu_sc as plsc

NC = 2
NS = 16
LN = 16
KE = 128
def _n_pad(n):
    return ((n + NS * 8 - 1) // (NS * 8)) * (NS * 8)


def _fill_loop(ref, rows, cols, value):
    def body(i, _):
        for j in range(cols // LN):
            ref[i, pl.ds(j * LN, LN)] = jnp.full((LN,), value, jnp.float32)
        return 0
    lax.fori_loop(0, rows, body, 0)


def _make_sc_agg(n_nodes, nchunk, dc, groups, with_count=False):
    npad = _n_pad(n_nodes)
    zrows = npad // NS
    zb = 158
    opt = npad // NS
    mesh = plsc.VectorSubcoreMesh(core_axis_name="c", subcore_axis_name="s",
                                  num_cores=NC, num_subcores=NS)

    out_type = [jax.ShapeDtypeStruct((2 * groups * npad, dc), jnp.float32)]
    scratch = [
        pltpu.VMEM((nchunk, KE), jnp.int32),
        pltpu.VMEM((nchunk, KE), jnp.int32),
        pltpu.VMEM((KE, dc), jnp.float32),
        pltpu.VMEM((KE, dc), jnp.float32),
        pltpu.VMEM((zb, dc), jnp.float32),
        pltpu.VMEM_SHARED((npad, dc), jnp.float32),
        pltpu.SemaphoreType.DMA,
        pltpu.SemaphoreType.DMA,
    ]
    if with_count:
        assert groups == 1
        out_type.append(jax.ShapeDtypeStruct((2 * npad, LN), jnp.float32))
        scratch += [
            pltpu.VMEM((KE, LN), jnp.float32),
            pltpu.VMEM((zb, LN), jnp.float32),
            pltpu.VMEM_SHARED((npad, LN), jnp.float32),
        ]

    @functools.partial(
        pl.kernel, mesh=mesh,
        out_type=tuple(out_type) if with_count else out_type[0],
        compiler_params=pltpu.CompilerParams(use_tc_tiling_on_sc=False),
        scratch_types=scratch,
    )
    def agg(src_hbm, dst_hbm, h_hbm, *rest):
        if with_count:
            (out_hbm, cnt_hbm, srcb, dstb, rows0, rows1, zbuf, acc, sem0,
             sem1, ones, zbuf2, acc_cnt) = rest
        else:
            out_hbm, srcb, dstb, rows0, rows1, zbuf, acc, sem0, sem1 = rest
        c = lax.axis_index("c")
        s = lax.axis_index("s")
        npairs = nchunk // 2
        _fill_loop(zbuf, zb, dc, 0.0)
        if with_count:
            _fill_loop(ones, KE, LN, 1.0)
            _fill_loop(zbuf2, zb, LN, 0.0)
            for t in range(zrows // zb):
                pltpu.sync_copy(zbuf2, acc_cnt.at[pl.ds(s * zrows + t * zb, zb)])
        pltpu.sync_copy(dst_hbm.at[s], dstb)
        for g in range(groups):
            q = 2 * g + c
            for t in range(zrows // zb):
                pltpu.sync_copy(zbuf, acc.at[pl.ds(s * zrows + t * zb, zb)])
            pltpu.sync_copy(src_hbm.at[q, s], srcb)
            plsc.subcore_barrier()

            pltpu.async_copy(h_hbm.at[srcb.at[0]], rows0, sem0)

            def chunk(j, _):
                i0 = 2 * j
                i1 = 2 * j + 1
                pltpu.make_async_copy(h_hbm.at[srcb.at[i0]], rows0, sem0).wait()
                pltpu.async_copy(h_hbm.at[srcb.at[i1]], rows1, sem1)
                pltpu.sync_copy(rows0, acc.at[dstb.at[i0]], add=True)
                if with_count:
                    pltpu.sync_copy(ones, acc_cnt.at[dstb.at[i0]], add=True)
                pltpu.make_async_copy(h_hbm.at[srcb.at[i1]], rows1, sem1).wait()

                @pl.when(j + 1 < npairs)
                def _():
                    pltpu.async_copy(h_hbm.at[srcb.at[i0 + 2]], rows0, sem0)
                pltpu.sync_copy(rows1, acc.at[dstb.at[i1]], add=True)
                if with_count:
                    pltpu.sync_copy(ones, acc_cnt.at[dstb.at[i1]], add=True)
                return 0
            lax.fori_loop(0, npairs, chunk, 0)
            plsc.subcore_barrier()
            pltpu.sync_copy(acc.at[pl.ds(s * opt, opt)],
                            out_hbm.at[pl.ds(q * npad + s * opt, opt)])
            if with_count:
                pltpu.sync_copy(acc_cnt.at[pl.ds(s * opt, opt)],
                                cnt_hbm.at[pl.ds(c * npad + s * opt, opt)])
            plsc.subcore_barrier()

    return agg


def _dot(a, b):
    return jnp.dot(a, b, preferred_element_type=jnp.float32)


def _tc_self(x, ws, b):
    n, d_in = x.shape
    d_out = ws.shape[1]
    rt = 1000
    grid = (n // rt,)

    def body(x_ref, ws_ref, b_ref, o_ref):
        o_ref[...] = _dot(x_ref[...], ws_ref[...]) + b_ref[...]

    return pl.pallas_call(
        body,
        grid=grid,
        in_specs=[
            pl.BlockSpec((rt, d_in), lambda i: (i, 0)),
            pl.BlockSpec(ws.shape, lambda i: (0, 0)),
            pl.BlockSpec((1, d_out), lambda i: (0, 0)),
        ],
        out_specs=pl.BlockSpec((rt, d_out), lambda i: (i, 0)),
        out_shape=jax.ShapeDtypeStruct((n, d_out), jnp.float32),
    )(x, ws, b.reshape(1, -1))


def _tc_combine(s, aggq, deg, wn, *, relu, split_h, wn_next=None,
                split_next=0, add_direct=False, sum_parts=False):
    n, d_out = s.shape
    q_in, npad, dcq = aggq.shape
    rt = 1000
    grid = (n // rt,)
    outs = [jax.ShapeDtypeStruct((n, d_out), jnp.float32)]
    if split_h:
        outs.append(jax.ShapeDtypeStruct((split_h, n, d_out // split_h),
                                         jnp.float32))
    if wn_next is not None:
        outs.append(jax.ShapeDtypeStruct((split_next, n,
                                          wn_next.shape[1] // split_next),
                                         jnp.float32))

    def body(s_ref, agg_ref, deg_ref, wn_ref, wnx_ref, h_ref, *rest):
        if sum_parts:
            hn = agg_ref[0]
            for q in range(1, q_in):
                hn = hn + agg_ref[q]
        else:
            hn = jnp.concatenate([agg_ref[q] for q in range(q_in)], axis=1)
        invd = 1.0 / jnp.maximum(deg_ref[...], 1.0)
        if add_direct:
            h = s_ref[...] + hn * invd
        else:
            h = s_ref[...] + _dot(hn * invd, wn_ref[...])
        if relu:
            h = jnp.maximum(h, 0.0)
        h_ref[...] = h
        rest = list(rest)
        if split_h:
            hs_ref = rest.pop(0)
            w = d_out // split_h
            for q in range(split_h):
                hs_ref[q] = h[:, q * w:(q + 1) * w]
        if wn_next is not None:
            ps_ref = rest.pop(0)
            p = _dot(h, wnx_ref[...])
            w = p.shape[1] // split_next
            for q in range(split_next):
                ps_ref[q] = p[:, q * w:(q + 1) * w]

    wn_ = wn if wn is not None else jnp.zeros((2, d_out), jnp.float32)
    wnx = wn_next if wn_next is not None else jnp.zeros((d_out, 2), jnp.float32)
    out_specs = [pl.BlockSpec((rt, d_out), lambda i: (i, 0))]
    if split_h:
        out_specs.append(pl.BlockSpec((split_h, rt, d_out // split_h),
                                      lambda i: (0, i, 0)))
    if wn_next is not None:
        out_specs.append(pl.BlockSpec((split_next, rt,
                                       wn_next.shape[1] // split_next),
                                      lambda i: (0, i, 0)))
    return pl.pallas_call(
        body,
        grid=grid,
        in_specs=[
            pl.BlockSpec((rt, d_out), lambda i: (i, 0)),
            pl.BlockSpec((q_in, rt, dcq), lambda i: (0, i, 0)),
            pl.BlockSpec((rt, 1), lambda i: (i, 0)),
            pl.BlockSpec(wn_.shape, lambda i: (0, 0)),
            pl.BlockSpec(wnx.shape, lambda i: (0, 0)),
        ],
        out_specs=out_specs,
        out_shape=outs,
    )(s, aggq, deg, wn_, wnx)



def _split_stack(h, parts):
    n, d = h.shape
    w = d // parts
    return jnp.transpose(h.reshape(n, parts, w), (1, 0, 2)).reshape(parts * n, w)


def kernel(inputs, edge_index, W_self0, W_neigh0, b0, W_self1, W_neigh1, b1,
           W_self2, W_neigh2, b2):
    x = inputs
    n, d_in = x.shape
    e = edge_index.shape[1]
    e_pad = ((e + 2 * NS * KE - 1) // (2 * NS * KE)) * (2 * NS * KE)
    nchunk = e_pad // (NS * KE)
    npad = _n_pad(n)

    src = edge_index[0]
    dst = edge_index[1]
    pad = e_pad - e
    srcp = jnp.concatenate([src, jnp.zeros((pad,), jnp.int32)])
    dstp = jnp.concatenate([dst, jnp.full((pad,), n, jnp.int32)])
    dst3 = dstp.reshape(NS, nchunk, KE)

    offs = jnp.arange(4, dtype=jnp.int32)[:, None] * n
    src_q4 = (srcp[None, :] + offs).reshape(4, NS, nchunk, KE)

    s0 = _tc_self(x, W_self0, b0)

    agg0, cnt = _make_sc_agg(n, nchunk, d_in // 2, 1, with_count=True)(
        src_q4, dst3, _split_stack(x, 2))
    deg = cnt[:n, 0:1]
    h0, h0q = _tc_combine(s0, agg0.reshape(2, npad, d_in // 2), deg,
                          W_neigh0, relu=True, split_h=4)

    dh = h0.shape[1]
    s1 = _tc_self(h0, W_self1, b1)
    agg1 = _make_sc_agg(n, nchunk, dh // 4, 2)(src_q4, dst3,
                                               h0q.reshape(4 * n, dh // 4))
    h1, p2q = _tc_combine(s1, agg1.reshape(4, npad, dh // 4), deg,
                          W_neigh1, relu=True, split_h=0,
                          wn_next=W_neigh2, split_next=2)

    d2 = W_neigh2.shape[1]
    s2 = _tc_self(h1, W_self2, b2)
    agg2 = _make_sc_agg(n, nchunk, d2 // 2, 1)(src_q4, dst3,
                                               p2q.reshape(2 * n, d2 // 2))
    h2, = _tc_combine(s2, agg2.reshape(2, npad, d2 // 2), deg, None,
                      relu=False, split_h=0, add_direct=True)

    return (h2, h0, h1)

# --- scband reference (transcript-rebuilt; emitter-appended) ---
"""Pipeline reference for scband-graph-sage-2491081032172 (READ-ONLY COPY).

The authoritative reference and input builder live on the scoring server;
editing this copy changes nothing except your own understanding.
"""

import jax, jax.numpy as jnp
import numpy as np

N = 10000
E = 320000
D_IN = 128
D_H = 256
D_OUT = 64


def _sage_conv(x, edge_index, W_self, W_neigh, b):
    # DGL-style SAGEConv with mean aggregator:
    #   h_neigh = mean_{j in N(i)} x_j ; out = x @ W_self + h_neigh @ W_neigh + b
    src = edge_index[0]
    dst = edge_index[1]
    msgs = jnp.take(x, src, axis=0)
    agg = jax.ops.segment_sum(msgs, dst, num_segments=N)
    deg = jax.ops.segment_sum(jnp.ones((msgs.shape[0], 1), dtype=x.dtype), dst, num_segments=N)
    h_neigh = agg / jnp.maximum(deg, 1.0)
    return x @ W_self + h_neigh @ W_neigh + b


def setup_inputs(seed: int = 0) -> dict:
    key = jax.random.key(seed)
    ks = jax.random.split(key, 12)
    x = jax.random.normal(ks[0], (N, D_IN), dtype=jnp.float32)
    edge_index = jax.random.randint(ks[1], (2, E), 0, N, dtype=jnp.int32)
    s0 = 1.0 / np.sqrt(D_IN)
    s1 = 1.0 / np.sqrt(D_H)
    W_self0 = jax.random.uniform(ks[2], (D_IN, D_H), jnp.float32, -s0, s0)
    W_neigh0 = jax.random.uniform(ks[3], (D_IN, D_H), jnp.float32, -s0, s0)
    b0 = jnp.zeros((D_H,), jnp.float32)
    W_self1 = jax.random.uniform(ks[4], (D_H, D_H), jnp.float32, -s1, s1)
    W_neigh1 = jax.random.uniform(ks[5], (D_H, D_H), jnp.float32, -s1, s1)
    b1 = jnp.zeros((D_H,), jnp.float32)
    W_self2 = jax.random.uniform(ks[6], (D_H, D_OUT), jnp.float32, -s1, s1)
    W_neigh2 = jax.random.uniform(ks[7], (D_H, D_OUT), jnp.float32, -s1, s1)
    b2 = jnp.zeros((D_OUT,), jnp.float32)
    return {"inputs": x, "edge_index": edge_index,
            "W_self0": W_self0, "W_neigh0": W_neigh0, "b0": b0,
            "W_self1": W_self1, "W_neigh1": W_neigh1, "b1": b1,
            "W_self2": W_self2, "W_neigh2": W_neigh2, "b2": b2}


def reference(inputs, edge_index, W_self0, W_neigh0, b0, W_self1, W_neigh1, b1, W_self2, W_neigh2, b2):
    # dropout p=0 -> identity
    h = _sage_conv(inputs, edge_index, W_self0, W_neigh0, b0)
    h = jax.nn.relu(h)
    m0 = h
    h = _sage_conv(h, edge_index, W_self1, W_neigh1, b1)
    h = jax.nn.relu(h)
    m1 = h
    h = _sage_conv(h, edge_index, W_self2, W_neigh2, b2)
    return (h, m0, m1)

if __name__ == "__main__":
    import jax
    _d = setup_inputs()
    print(jax.jit(kernel)(*tuple(_d.values())))

</pallas_src>

<mosaic_0001>
#map = affine_map<(d0, d1) -> (0, 0, 0, 0)>
#map1 = affine_map<(d0, d1) -> (0, 0, 0)>
#map2 = affine_map<(d0, d1) -> (0, 0)>
module attributes {stable_mosaic.version = 14 : i64} {
  func.func @agg(%arg0: i32, %arg1: i32, %arg2: memref<4x16x158x128xi32, #tpu.memory_space<hbm>>, %arg3: memref<16x158x128xi32, #tpu.memory_space<hbm>>, %arg4: memref<20000x64xf32, #tpu.memory_space<hbm>>, %arg5: memref<20224x64xf32, #tpu.memory_space<hbm>>, %arg6: memref<20224x16xf32, #tpu.memory_space<hbm>>, %arg7: memref<158x128xi32, #tpu.memory_space<vmem>>, %arg8: memref<158x128xi32, #tpu.memory_space<vmem>>, %arg9: memref<128x64xf32, #tpu.memory_space<vmem>>, %arg10: memref<128x64xf32, #tpu.memory_space<vmem>>, %arg11: memref<158x64xf32, #tpu.memory_space<vmem>>, %arg12: memref<10112x64xf32, #tpu.memory_space<vmem_shared>>, %arg13: memref<!tpu.dma_semaphore, #tpu.memory_space<semaphore_mem>>, %arg14: memref<!tpu.dma_semaphore, #tpu.memory_space<semaphore_mem>>, %arg15: memref<128x16xf32, #tpu.memory_space<vmem>>, %arg16: memref<158x16xf32, #tpu.memory_space<vmem>>, %arg17: memref<10112x16xf32, #tpu.memory_space<vmem_shared>>) attributes {dimension_semantics = [#tpu.dimension_semantics<core_parallel>, #tpu.dimension_semantics<subcore_parallel>], iteration_bounds = array<i64: 2, 16>, scalar_prefetch = 0 : i64, scratch_operands = 11 : i64, tpu.core_type = #tpu.core_type<sc_vector_subcore>, window_params = [{transform_indices = #map}, {transform_indices = #map1}, {transform_indices = #map2}, {transform_indices = #map2}, {transform_indices = #map2}]} {
    %scan3A = arith.constant 0 : i32
    %scan3A_0 = arith.constant 0 : i32
    %scan3A_1 = arith.constant 158 : i32
    %scan3A_2 = arith.addi %scan3A_0, %scan3A_1 : i32
    %scan3A_3 = arith.constant 1 : i32
    %scan3A_4 = scf.for %scan3A_81 = %scan3A_0 to %scan3A_2 step %scan3A_3 iter_args(%scan3A_82 = %scan3A) -> (i32)  : i32 {
      %broadcast_in_dim3A = arith.constant 0.000000e+00 : f32
      %broadcast_in_dim3A_83 = vector.broadcast %broadcast_in_dim3A : f32 to vector<16xf32>
      %swap3A = arith.index_cast %scan3A_81 : i32 to index
      %swap3A_84 = arith.constant 0 : index
      %swap3A_85 = tpu.vector_load %arg11[%swap3A, %swap3A_84] {strides = array<i32>} : memref<158x64xf32, #tpu.memory_space<vmem>>, vector<1x16xf32>,
      %swap3A_86 = vector.shape_cast %swap3A_85 : vector<1x16xf32> to vector<16xf32>
      %swap3A_87 = vector.shape_cast %broadcast_in_dim3A_83 : vector<16xf32> to vector<1x16xf32>
      tpu.vector_store %arg11[%swap3A, %swap3A_84], %swap3A_87 {strides = array<i32>} : memref<158x64xf32, #tpu.memory_space<vmem>>, vector<1x16xf32>,
      %broadcast_in_dim3A_88 = arith.constant 0.000000e+00 : f32
      %broadcast_in_dim3A_89 = vector.broadcast %broadcast_in_dim3A_88 : f32 to vector<16xf32>
      %swap3A_90 = arith.index_cast %scan3A_81 : i32 to index
      %swap3A_91 = arith.constant 16 : index
      %swap3A_92 = tpu.vector_load %arg11[%swap3A_90, %swap3A_91] {strides = array<i32>} : memref<158x64xf32, #tpu.memory_space<vmem>>, vector<1x16xf32>,
      %swap3A_93 = vector.shape_cast %swap3A_92 : vector<1x16xf32> to vector<16xf32>
      %swap3A_94 = vector.shape_cast %broadcast_in_dim3A_89 : vector<16xf32> to vector<1x16xf32>
      tpu.vector_store %arg11[%swap3A_90, %swap3A_91], %swap3A_94 {strides = array<i32>} : memref<158x64xf32, #tpu.memory_space<vmem>>, vector<1x16xf32>,
      %broadcast_in_dim3A_95 = arith.constant 0.000000e+00 : f32
      %broadcast_in_dim3A_96 = vector.broadcast %broadcast_in_dim3A_95 : f32 to vector<16xf32>
      %swap3A_97 = arith.index_cast %scan3A_81 : i32 to index
      %swap3A_98 = arith.constant 32 : index
      %swap3A_99 = tpu.vector_load %arg11[%swap3A_97, %swap3A_98] {strides = array<i32>} : memref<158x64xf32, #tpu.memory_space<vmem>>, vector<1x16xf32>,
      %swap3A_100 = vector.shape_cast %swap3A_99 : vector<1x16xf32> to vector<16xf32>
      %swap3A_101 = vector.shape_cast %broadcast_in_dim3A_96 : vector<16xf32> to vector<1x16xf32>
      tpu.vector_store %arg11[%swap3A_97, %swap3A_98], %swap3A_101 {strides = array<i32>} : memref<158x64xf32, #tpu.memory_space<vmem>>, vector<1x16xf32>,
      %broadcast_in_dim3A_102 = arith.constant 0.000000e+00 : f32
      %broadcast_in_dim3A_103 = vector.broadcast %broadcast_in_dim3A_102 : f32 to vector<16xf32>
      %swap3A_104 = arith.index_cast %scan3A_81 : i32 to index
      %swap3A_105 = arith.constant 48 : index
      %swap3A_106 = tpu.vector_load %arg11[%swap3A_104, %swap3A_105] {strides = array<i32>} : memref<158x64xf32, #tpu.memory_space<vmem>>, vector<1x16xf32>,
      %swap3A_107 = vector.shape_cast %swap3A_106 : vector<1x16xf32> to vector<16xf32>
      %swap3A_108 = vector.shape_cast %broadcast_in_dim3A_103 : vector<16xf32> to vector<1x16xf32>
      tpu.vector_store %arg11[%swap3A_104, %swap3A_105], %swap3A_108 {strides = array<i32>} : memref<158x64xf32, #tpu.memory_space<vmem>>, vector<1x16xf32>,
      %scan3A_109 = arith.constant 0 : i32
      scf.yield %scan3A_109 : i32
    }
    %scan3A_5 = arith.constant 158 : i32
    %scan3A_6 = arith.constant 0 : i32
    %scan3A_7 = arith.constant 0 : i32
    %scan3A_8 = arith.constant 128 : i32
    %scan3A_9 = arith.addi %scan3A_7, %scan3A_8 : i32
    %scan3A_10 = arith.constant 1 : i32
    %scan3A_11 = scf.for %scan3A_81 = %scan3A_7 to %scan3A_9 step %scan3A_10 iter_args(%scan3A_82 = %scan3A_6) -> (i32)  : i32 {
      %broadcast_in_dim3A = arith.constant 1.000000e+00 : f32
      %broadcast_in_dim3A_83 = vector.broadcast %broadcast_in_dim3A : f32 to vector<16xf32>
      %swap3A = arith.index_cast %scan3A_81 : i32 to index
      %swap3A_84 = arith.constant 0 : index
      %swap3A_85 = tpu.vector_load %arg15[%swap3A, %swap3A_84] {strides = array<i32>} : memref<128x16xf32, #tpu.memory_space<vmem>>, vector<1x16xf32>,
      %swap3A_86 = vector.shape_cast %swap3A_85 : vector<1x16xf32> to vector<16xf32>
      %swap3A_87 = vector.shape_cast %broadcast_in_dim3A_83 : vector<16xf32> to vector<1x16xf32>
      tpu.vector_store %arg15[%swap3A, %swap3A_84], %swap3A_87 {strides = array<i32>} : memref<128x16xf32, #tpu.memory_space<vmem>>, vector<1x16xf32>,
      %scan3A_88 = arith.constant 0 : i32
      scf.yield %scan3A_88 : i32
    }
    %scan3A_12 = arith.constant 128 : i32
    %scan3A_13 = arith.constant 0 : i32
    %scan3A_14 = arith.constant 0 : i32
    %scan3A_15 = arith.constant 158 : i32
    %scan3A_16 = arith.addi %scan3A_14, %scan3A_15 : i32
    %scan3A_17 = arith.constant 1 : i32
    %scan3A_18 = scf.for %scan3A_81 = %scan3A_14 to %scan3A_16 step %scan3A_17 iter_args(%scan3A_82 = %scan3A_13) -> (i32)  : i32 {
      %broadcast_in_dim3A = arith.constant 0.000000e+00 : f32
      %broadcast_in_dim3A_83 = vector.broadcast %broadcast_in_dim3A : f32 to vector<16xf32>
      %swap3A = arith.index_cast %scan3A_81 : i32 to index
      %swap3A_84 = arith.constant 0 : index
      %swap3A_85 = tpu.vector_load %arg16[%swap3A, %swap3A_84] {strides = array<i32>} : memref<158x16xf32, #tpu.memory_space<vmem>>, vector<1x16xf32>,
      %swap3A_86 = vector.shape_cast %swap3A_85 : vector<1x16xf32> to vector<16xf32>
      %swap3A_87 = vector.shape_cast %broadcast_in_dim3A_83 : vector<16xf32> to vector<1x16xf32>
      tpu.vector_store %arg16[%swap3A, %swap3A_84], %swap3A_87 {strides = array<i32>} : memref<158x16xf32, #tpu.memory_space<vmem>>, vector<1x16xf32>,
      %scan3A_88 = arith.constant 0 : i32
      scf.yield %scan3A_88 : i32
    }
    %scan3A_19 = arith.constant 158 : i32
    %mul3A = arith.constant 632 : i32
    %mul3A_20 = arith.muli %arg1, %mul3A : i32
    %add3A = arith.constant 0 : i32
    %add3A_21 = arith.addi %mul3A_20, %add3A : i32
    "tpu.region"() ({
      %run_scoped3A = tpu.sem_alloc : memref<!tpu.dma_semaphore, #tpu.memory_space<semaphore_mem>>
      %dma_start3A_81 = arith.constant 0 : i32
      %dma_start3A_82 = tpu.memref_slice %arg17[%add3A_21, %dma_start3A_81] : memref<10112x16xf32, #tpu.memory_space<vmem_shared>> -> memref<158x16xf32, #tpu.memory_space<vmem_shared>>
      %dma_start3A_83 = arith.constant 0 : i32
      %dma_start3A_84 = tpu.memref_slice %arg17[%add3A_21, %dma_start3A_83] : memref<10112x16xf32, #tpu.memory_space<vmem_shared>> -> memref<158x16xf32, #tpu.memory_space<vmem_shared>>
      tpu.enqueue_dma source(%arg16 : memref<158x16xf32, #tpu.memory_space<vmem>>) target(%dma_start3A_84 : memref<158x16xf32, #tpu.memory_space<vmem_shared>>) target_semaphore(%run_scoped3A : memref<!tpu.dma_semaphore, #tpu.memory_space<semaphore_mem>>)
      %dma_wait3A = arith.constant 0 : i32
      %dma_wait3A_85 = tpu.memref_slice %arg17[%add3A_21, %dma_wait3A] : memref<10112x16xf32, #tpu.memory_space<vmem_shared>> -> memref<158x16xf32, #tpu.memory_space<vmem_shared>>
      %dma_wait3A_86 = arith.constant 0 : i32
      %dma_wait3A_87 = tpu.memref_slice %arg17[%add3A_21, %dma_wait3A_86] : memref<10112x16xf32, #tpu.memory_space<vmem_shared>> -> memref<158x16xf32, #tpu.memory_space<vmem_shared>>
      tpu.wait_dma2 semaphore(%run_scoped3A : memref<!tpu.dma_semaphore, #tpu.memory_space<semaphore_mem>>) src(%arg16 : memref<158x16xf32, #tpu.memory_space<vmem>>) dst(%dma_wait3A_87 : memref<158x16xf32, #tpu.memory_space<vmem_shared>>)
      tpu.yield
    }) : () -> ()
    %mul3A_22 = arith.constant 632 : i32
    %mul3A_23 = arith.muli %arg1, %mul3A_22 : i32
    %add3A_24 = arith.constant 158 : i32
    %add3A_25 = arith.addi %mul3A_23, %add3A_24 : i32
    "tpu.region"() ({
      %run_scoped3A = tpu.sem_alloc : memref<!tpu.dma_semaphore, #tpu.memory_space<semaphore_mem>>
      %dma_start3A_81 = arith.constant 0 : i32
      %dma_start3A_82 = tpu.memref_slice %arg17[%add3A_25, %dma_start3A_81] : memref<10112x16xf32, #tpu.memory_space<vmem_shared>> -> memref<158x16xf32, #tpu.memory_space<vmem_shared>>
      %dma_start3A_83 = arith.constant 0 : i32
      %dma_start3A_84 = tpu.memref_slice %arg17[%add3A_25, %dma_start3A_83] : memref<10112x16xf32, #tpu.memory_space<vmem_shared>> -> memref<158x16xf32, #tpu.memory_space<vmem_shared>>
      tpu.enqueue_dma source(%arg16 : memref<158x16xf32, #tpu.memory_space<vmem>>) target(%dma_start3A_84 : memref<158x16xf32, #tpu.memory_space<vmem_shared>>) target_semaphore(%run_scoped3A : memref<!tpu.dma_semaphore, #tpu.memory_space<semaphore_mem>>)
      %dma_wait3A = arith.constant 0 : i32
      %dma_wait3A_85 = tpu.memref_slice %arg17[%add3A_25, %dma_wait3A] : memref<10112x16xf32, #tpu.memory_space<vmem_shared>> -> memref<158x16xf32, #tpu.memory_space<vmem_shared>>
      %dma_wait3A_86 = arith.constant 0 : i32
      %dma_wait3A_87 = tpu.memref_slice %arg17[%add3A_25, %dma_wait3A_86] : memref<10112x16xf32, #tpu.memory_space<vmem_shared>> -> memref<158x16xf32, #tpu.memory_space<vmem_shared>>
      tpu.wait_dma2 semaphore(%run_scoped3A : memref<!tpu.dma_semaphore, #tpu.memory_space<semaphore_mem>>) src(%arg16 : memref<158x16xf32, #tpu.memory_space<vmem>>) dst(%dma_wait3A_87 : memref<158x16xf32, #tpu.memory_space<vmem_shared>>)
      tpu.yield
    }) : () -> ()
    %mul3A_26 = arith.constant 632 : i32
    %mul3A_27 = arith.muli %arg1, %mul3A_26 : i32
    %add3A_28 = arith.constant 316 : i32
    %add3A_29 = arith.addi %mul3A_27, %add3A_28 : i32
    "tpu.region"() ({
      %run_scoped3A = tpu.sem_alloc : memref<!tpu.dma_semaphore, #tpu.memory_space<semaphore_mem>>
      %dma_start3A_81 = arith.constant 0 : i32
      %dma_start3A_82 = tpu.memref_slice %arg17[%add3A_29, %dma_start3A_81] : memref<10112x16xf32, #tpu.memory_space<vmem_shared>> -> memref<158x16xf32, #tpu.memory_space<vmem_shared>>
      %dma_start3A_83 = arith.constant 0 : i32
      %dma_start3A_84 = tpu.memref_slice %arg17[%add3A_29, %dma_start3A_83] : memref<10112x16xf32, #tpu.memory_space<vmem_shared>> -> memref<158x16xf32, #tpu.memory_space<vmem_shared>>
      tpu.enqueue_dma source(%arg16 : memref<158x16xf32, #tpu.memory_space<vmem>>) target(%dma_start3A_84 : memref<158x16xf32, #tpu.memory_space<vmem_shared>>) target_semaphore(%run_scoped3A : memref<!tpu.dma_semaphore, #tpu.memory_space<semaphore_mem>>)
      %dma_wait3A = arith.constant 0 : i32
      %dma_wait3A_85 = tpu.memref_slice %arg17[%add3A_29, %dma_wait3A] : memref<10112x16xf32, #tpu.memory_space<vmem_shared>> -> memref<158x16xf32, #tpu.memory_space<vmem_shared>>
      %dma_wait3A_86 = arith.constant 0 : i32
      %dma_wait3A_87 = tpu.memref_slice %arg17[%add3A_29, %dma_wait3A_86] : memref<10112x16xf32, #tpu.memory_space<vmem_shared>> -> memref<158x16xf32, #tpu.memory_space<vmem_shared>>
      tpu.wait_dma2 semaphore(%run_scoped3A : memref<!tpu.dma_semaphore, #tpu.memory_space<semaphore_mem>>) src(%arg16 : memref<158x16xf32, #tpu.memory_space<vmem>>) dst(%dma_wait3A_87 : memref<158x16xf32, #tpu.memory_space<vmem_shared>>)
      tpu.yield
    }) : () -> ()
    %mul3A_30 = arith.constant 632 : i32
    %mul3A_31 = arith.muli %arg1, %mul3A_30 : i32
    %add3A_32 = arith.constant 474 : i32
    %add3A_33 = arith.addi %mul3A_31, %add3A_32 : i32
    "tpu.region"() ({
      %run_scoped3A = tpu.sem_alloc : memref<!tpu.dma_semaphore, #tpu.memory_space<semaphore_mem>>
      %dma_start3A_81 = arith.constant 0 : i32
      %dma_start3A_82 = tpu.memref_slice %arg17[%add3A_33, %dma_start3A_81] : memref<10112x16xf32, #tpu.memory_space<vmem_shared>> -> memref<158x16xf32, #tpu.memory_space<vmem_shared>>
      %dma_start3A_83 = arith.constant 0 : i32
      %dma_start3A_84 = tpu.memref_slice %arg17[%add3A_33, %dma_start3A_83] : memref<10112x16xf32, #tpu.memory_space<vmem_shared>> -> memref<158x16xf32, #tpu.memory_space<vmem_shared>>
      tpu.enqueue_dma source(%arg16 : memref<158x16xf32, #tpu.memory_space<vmem>>) target(%dma_start3A_84 : memref<158x16xf32, #tpu.memory_space<vmem_shared>>) target_semaphore(%run_scoped3A : memref<!tpu.dma_semaphore, #tpu.memory_space<semaphore_mem>>)
      %dma_wait3A = arith.constant 0 : i32
      %dma_wait3A_85 = tpu.memref_slice %arg17[%add3A_33, %dma_wait3A] : memref<10112x16xf32, #tpu.memory_space<vmem_shared>> -> memref<158x16xf32, #tpu.memory_space<vmem_shared>>
      %dma_wait3A_86 = arith.constant 0 : i32
      %dma_wait3A_87 = tpu.memref_slice %arg17[%add3A_33, %dma_wait3A_86] : memref<10112x16xf32, #tpu.memory_space<vmem_shared>> -> memref<158x16xf32, #tpu.memory_space<vmem_shared>>
      tpu.wait_dma2 semaphore(%run_scoped3A : memref<!tpu.dma_semaphore, #tpu.memory_space<semaphore_mem>>) src(%arg16 : memref<158x16xf32, #tpu.memory_space<vmem>>) dst(%dma_wait3A_87 : memref<158x16xf32, #tpu.memory_space<vmem_shared>>)
      tpu.yield
    }) : () -> ()
    "tpu.region"() ({
      %run_scoped3A = tpu.sem_alloc : memref<!tpu.dma_semaphore, #tpu.memory_space<semaphore_mem>>
      %dma_start3A_81 = arith.constant 0 : i32
      %dma_start3A_82 = arith.constant 0 : i32
      %dma_start3A_83 = tpu.memref_slice %arg3[%arg1, %dma_start3A_81, %dma_start3A_82] : memref<16x158x128xi32, #tpu.memory_space<hbm>> -> memref<1x158x128xi32, #tpu.memory_space<hbm>>
      %dma_start3A_84 = tpu.memref_squeeze %dma_start3A_83 : memref<1x158x128xi32, #tpu.memory_space<hbm>> -> memref<158x128xi32, #tpu.memory_space<hbm>>
      %dma_start3A_85 = arith.constant 0 : i32
      %dma_start3A_86 = arith.constant 0 : i32
      %dma_start3A_87 = tpu.memref_slice %arg3[%arg1, %dma_start3A_85, %dma_start3A_86] : memref<16x158x128xi32, #tpu.memory_space<hbm>> -> memref<1x158x128xi32, #tpu.memory_space<hbm>>
      %dma_start3A_88 = tpu.memref_squeeze %dma_start3A_87 : memref<1x158x128xi32, #tpu.memory_space<hbm>> -> memref<158x128xi32, #tpu.memory_space<hbm>>
      tpu.enqueue_dma source(%dma_start3A_88 : memref<158x128xi32, #tpu.memory_space<hbm>>) target(%arg8 : memref<158x128xi32, #tpu.memory_space<vmem>>) target_semaphore(%run_scoped3A : memref<!tpu.dma_semaphore, #tpu.memory_space<semaphore_mem>>)
      %dma_wait3A = arith.constant 0 : i32
      %dma_wait3A_89 = arith.constant 0 : i32
      %dma_wait3A_90 = tpu.memref_slice %arg3[%arg1, %dma_wait3A, %dma_wait3A_89] : memref<16x158x128xi32, #tpu.memory_space<hbm>> -> memref<1x158x128xi32, #tpu.memory_space<hbm>>
      %dma_wait3A_91 = tpu.memref_squeeze %dma_wait3A_90 : memref<1x158x128xi32, #tpu.memory_space<hbm>> -> memref<158x128xi32, #tpu.memory_space<hbm>>
      %dma_wait3A_92 = arith.constant 0 : i32
      %dma_wait3A_93 = arith.constant 0 : i32
      %dma_wait3A_94 = tpu.memref_slice %arg3[%arg1, %dma_wait3A_92, %dma_wait3A_93] : memref<16x158x128xi32, #tpu.memory_space<hbm>> -> memref<1x158x128xi32, #tpu.memory_space<hbm>>
      %dma_wait3A_95 = tpu.memref_squeeze %dma_wait3A_94 : memref<1x158x128xi32, #tpu.memory_space<hbm>> -> memref<158x128xi32, #tpu.memory_space<hbm>>
      tpu.wait_dma2 semaphore(%run_scoped3A : memref<!tpu.dma_semaphore, #tpu.memory_space<semaphore_mem>>) src(%dma_wait3A_95 : memref<158x128xi32, #tpu.memory_space<hbm>>) dst(%arg8 : memref<158x128xi32, #tpu.memory_space<vmem>>)
      tpu.yield
    }) : () -> ()
    %add3A_34 = arith.constant 0 : i32
    %add3A_35 = arith.addi %add3A_34, %arg0 : i32
    %mul3A_36 = arith.constant 632 : i32
    %mul3A_37 = arith.muli %arg1, %mul3A_36 : i32
    %add3A_38 = arith.constant 0 : i32
    %add3A_39 = arith.addi %mul3A_37, %add3A_38 : i32
    "tpu.region"() ({
      %run_scoped3A = tpu.sem_alloc : memref<!tpu.dma_semaphore, #tpu.memory_space<semaphore_mem>>
      %dma_start3A_81 = arith.constant 0 : i32
      %dma_start3A_82 = tpu.memref_slice %arg12[%add3A_39, %dma_start3A_81] : memref<10112x64xf32, #tpu.memory_space<vmem_shared>> -> memref<158x64xf32, #tpu.memory_space<vmem_shared>>
      %dma_start3A_83 = arith.constant 0 : i32
      %dma_start3A_84 = tpu.memref_slice %arg12[%add3A_39, %dma_start3A_83] : memref<10112x64xf32, #tpu.memory_space<vmem_shared>> -> memref<158x64xf32, #tpu.memory_space<vmem_shared>>
      tpu.enqueue_dma source(%arg11 : memref<158x64xf32, #tpu.memory_space<vmem>>) target(%dma_start3A_84 : memref<158x64xf32, #tpu.memory_space<vmem_shared>>) target_semaphore(%run_scoped3A : memref<!tpu.dma_semaphore, #tpu.memory_space<semaphore_mem>>)
      %dma_wait3A = arith.constant 0 : i32
      %dma_wait3A_85 = tpu.memref_slice %arg12[%add3A_39, %dma_wait3A] : memref<10112x64xf32, #tpu.memory_space<vmem_shared>> -> memref<158x64xf32, #tpu.memory_space<vmem_shared>>
      %dma_wait3A_86 = arith.constant 0 : i32
      %dma_wait3A_87 = tpu.memref_slice %arg12[%add3A_39, %dma_wait3A_86] : memref<10112x64xf32, #tpu.memory_space<vmem_shared>> -> memref<158x64xf32, #tpu.memory_space<vmem_shared>>
      tpu.wait_dma2 semaphore(%run_scoped3A : memref<!tpu.dma_semaphore, #tpu.memory_space<semaphore_mem>>) src(%arg11 : memref<158x64xf32, #tpu.memory_space<vmem>>) dst(%dma_wait3A_87 : memref<158x64xf32, #tpu.memory_space<vmem_shared>>)
      tpu.yield
    }) : () -> ()
    %mul3A_40 = arith.constant 632 : i32
    %mul3A_41 = arith.muli %arg1, %mul3A_40 : i32
    %add3A_42 = arith.constant 158 : i32
    %add3A_43 = arith.addi %mul3A_41, %add3A_42 : i32
    "tpu.region"() ({
      %run_scoped3A = tpu.sem_alloc : memref<!tpu.dma_semaphore, #tpu.memory_space<semaphore_mem>>
      %dma_start3A_81 = arith.constant 0 : i32
      %dma_start3A_82 = tpu.memref_slice %arg12[%add3A_43, %dma_start3A_81] : memref<10112x64xf32, #tpu.memory_space<vmem_shared>> -> memref<158x64xf32, #tpu.memory_space<vmem_shared>>
      %dma_start3A_83 = arith.constant 0 : i32
      %dma_start3A_84 = tpu.memref_slice %arg12[%add3A_43, %dma_start3A_83] : memref<10112x64xf32, #tpu.memory_space<vmem_shared>> -> memref<158x64xf32, #tpu.memory_space<vmem_shared>>
      tpu.enqueue_dma source(%arg11 : memref<158x64xf32, #tpu.memory_space<vmem>>) target(%dma_start3A_84 : memref<158x64xf32, #tpu.memory_space<vmem_shared>>) target_semaphore(%run_scoped3A : memref<!tpu.dma_semaphore, #tpu.memory_space<semaphore_mem>>)
      %dma_wait3A = arith.constant 0 : i32
      %dma_wait3A_85 = tpu.memref_slice %arg12[%add3A_43, %dma_wait3A] : memref<10112x64xf32, #tpu.memory_space<vmem_shared>> -> memref<158x64xf32, #tpu.memory_space<vmem_shared>>
      %dma_wait3A_86 = arith.constant 0 : i32
      %dma_wait3A_87 = tpu.memref_slice %arg12[%add3A_43, %dma_wait3A_86] : memref<10112x64xf32, #tpu.memory_space<vmem_shared>> -> memref<158x64xf32, #tpu.memory_space<vmem_shared>>
      tpu.wait_dma2 semaphore(%run_scoped3A : memref<!tpu.dma_semaphore, #tpu.memory_space<semaphore_mem>>) src(%arg11 : memref<158x64xf32, #tpu.memory_space<vmem>>) dst(%dma_wait3A_87 : memref<158x64xf32, #tpu.memory_space<vmem_shared>>)
      tpu.yield
    }) : () -> ()
    %mul3A_44 = arith.constant 632 : i32
    %mul3A_45 = arith.muli %arg1, %mul3A_44 : i32
    %add3A_46 = arith.constant 316 : i32
    %add3A_47 = arith.addi %mul3A_45, %add3A_46 : i32
    "tpu.region"() ({
      %run_scoped3A = tpu.sem_alloc : memref<!tpu.dma_semaphore, #tpu.memory_space<semaphore_mem>>
      %dma_start3A_81 = arith.constant 0 : i32
      %dma_start3A_82 = tpu.memref_slice %arg12[%add3A_47, %dma_start3A_81] : memref<10112x64xf32, #tpu.memory_space<vmem_shared>> -> memref<158x64xf32, #tpu.memory_space<vmem_shared>>
      %dma_start3A_83 = arith.constant 0 : i32
      %dma_start3A_84 = tpu.memref_slice %arg12[%add3A_47, %dma_start3A_83] : memref<10112x64xf32, #tpu.memory_space<vmem_shared>> -> memref<158x64xf32, #tpu.memory_space<vmem_shared>>
      tpu.enqueue_dma source(%arg11 : memref<158x64xf32, #tpu.memory_space<vmem>>) target(%dma_start3A_84 : memref<158x64xf32, #tpu.memory_space<vmem_shared>>) target_semaphore(%run_scoped3A : memref<!tpu.dma_semaphore, #tpu.memory_space<semaphore_mem>>)
      %dma_wait3A = arith.constant 0 : i32
      %dma_wait3A_85 = tpu.memref_slice %arg12[%add3A_47, %dma_wait3A] : memref<10112x64xf32, #tpu.memory_space<vmem_shared>> -> memref<158x64xf32, #tpu.memory_space<vmem_shared>>
      %dma_wait3A_86 = arith.constant 0 : i32
      %dma_wait3A_87 = tpu.memref_slice %arg12[%add3A_47, %dma_wait3A_86] : memref<10112x64xf32, #tpu.memory_space<vmem_shared>> -> memref<158x64xf32, #tpu.memory_space<vmem_shared>>
      tpu.wait_dma2 semaphore(%run_scoped3A : memref<!tpu.dma_semaphore, #tpu.memory_space<semaphore_mem>>) src(%arg11 : memref<158x64xf32, #tpu.memory_space<vmem>>) dst(%dma_wait3A_87 : memref<158x64xf32, #tpu.memory_space<vmem_shared>>)
      tpu.yield
    }) : () -> ()
    %mul3A_48 = arith.constant 632 : i32
    %mul3A_49 = arith.muli %arg1, %mul3A_48 : i32
    %add3A_50 = arith.constant 474 : i32
    %add3A_51 = arith.addi %mul3A_49, %add3A_50 : i32
    "tpu.region"() ({
      %run_scoped3A = tpu.sem_alloc : memref<!tpu.dma_semaphore, #tpu.memory_space<semaphore_mem>>
      %dma_start3A_81 = arith.constant 0 : i32
      %dma_start3A_82 = tpu.memref_slice %arg12[%add3A_51, %dma_start3A_81] : memref<10112x64xf32, #tpu.memory_space<vmem_shared>> -> memref<158x64xf32, #tpu.memory_space<vmem_shared>>
      %dma_start3A_83 = arith.constant 0 : i32
      %dma_start3A_84 = tpu.memref_slice %arg12[%add3A_51, %dma_start3A_83] : memref<10112x64xf32, #tpu.memory_space<vmem_shared>> -> memref<158x64xf32, #tpu.memory_space<vmem_shared>>
      tpu.enqueue_dma source(%arg11 : memref<158x64xf32, #tpu.memory_space<vmem>>) target(%dma_start3A_84 : memref<158x64xf32, #tpu.memory_space<vmem_shared>>) target_semaphore(%run_scoped3A : memref<!tpu.dma_semaphore, #tpu.memory_space<semaphore_mem>>)
      %dma_wait3A = arith.constant 0 : i32
      %dma_wait3A_85 = tpu.memref_slice %arg12[%add3A_51, %dma_wait3A] : memref<10112x64xf32, #tpu.memory_space<vmem_shared>> -> memref<158x64xf32, #tpu.memory_space<vmem_shared>>
      %dma_wait3A_86 = arith.constant 0 : i32
      %dma_wait3A_87 = tpu.memref_slice %arg12[%add3A_51, %dma_wait3A_86] : memref<10112x64xf32, #tpu.memory_space<vmem_shared>> -> memref<158x64xf32, #tpu.memory_space<vmem_shared>>
      tpu.wait_dma2 semaphore(%run_scoped3A : memref<!tpu.dma_semaphore, #tpu.memory_space<semaphore_mem>>) src(%arg11 : memref<158x64xf32, #tpu.memory_space<vmem>>) dst(%dma_wait3A_87 : memref<158x64xf32, #tpu.memory_space<vmem_shared>>)
      tpu.yield
    }) : () -> ()
    "tpu.region"() ({
      %run_scoped3A = tpu.sem_alloc : memref<!tpu.dma_semaphore, #tpu.memory_space<semaphore_mem>>
      %dma_start3A_81 = arith.constant 0 : i32
      %dma_start3A_82 = arith.constant 0 : i32
      %dma_start3A_83 = tpu.memref_slice %arg2[%add3A_35, %arg1, %dma_start3A_81, %dma_start3A_82] : memref<4x16x158x128xi32, #tpu.memory_space<hbm>> -> memref<1x1x158x128xi32, #tpu.memory_space<hbm>>
      %dma_start3A_84 = tpu.memref_squeeze %dma_start3A_83 : memref<1x1x158x128xi32, #tpu.memory_space<hbm>> -> memref<158x128xi32, #tpu.memory_space<hbm>>
      %dma_start3A_85 = arith.constant 0 : i32
      %dma_start3A_86 = arith.constant 0 : i32
      %dma_start3A_87 = tpu.memref_slice %arg2[%add3A_35, %arg1, %dma_start3A_85, %dma_start3A_86] : memref<4x16x158x128xi32, #tpu.memory_space<hbm>> -> memref<1x1x158x128xi32, #tpu.memory_space<hbm>>
      %dma_start3A_88 = tpu.memref_squeeze %dma_start3A_87 : memref<1x1x158x128xi32, #tpu.memory_space<hbm>> -> memref<158x128xi32, #tpu.memory_space<hbm>>
      tpu.enqueue_dma source(%dma_start3A_88 : memref<158x128xi32, #tpu.memory_space<hbm>>) target(%arg7 : memref<158x128xi32, #tpu.memory_space<vmem>>) target_semaphore(%run_scoped3A : memref<!tpu.dma_semaphore, #tpu.memory_space<semaphore_mem>>)
      %dma_wait3A = arith.constant 0 : i32
      %dma_wait3A_89 = arith.constant 0 : i32
      %dma_wait3A_90 = tpu.memref_slice %arg2[%add3A_35, %arg1, %dma_wait3A, %dma_wait3A_89] : memref<4x16x158x128xi32, #tpu.memory_space<hbm>> -> memref<1x1x158x128xi32, #tpu.memory_space<hbm>>
      %dma_wait3A_91 = tpu.memref_squeeze %dma_wait3A_90 : memref<1x1x158x128xi32, #tpu.memory_space<hbm>> -> memref<158x128xi32, #tpu.memory_space<hbm>>
      %dma_wait3A_92 = arith.constant 0 : i32
      %dma_wait3A_93 = arith.constant 0 : i32
      %dma_wait3A_94 = tpu.memref_slice %arg2[%add3A_35, %arg1, %dma_wait3A_92, %dma_wait3A_93] : memref<4x16x158x128xi32, #tpu.memory_space<hbm>> -> memref<1x1x158x128xi32, #tpu.memory_space<hbm>>
      %dma_wait3A_95 = tpu.memref_squeeze %dma_wait3A_94 : memref<1x1x158x128xi32, #tpu.memory_space<hbm>> -> memref<158x128xi32, #tpu.memory_space<hbm>>
      tpu.wait_dma2 semaphore(%run_scoped3A : memref<!tpu.dma_semaphore, #tpu.memory_space<semaphore_mem>>) src(%dma_wait3A_95 : memref<158x128xi32, #tpu.memory_space<hbm>>) dst(%arg7 : memref<158x128xi32, #tpu.memory_space<vmem>>)
      tpu.yield
    }) : () -> ()
    %barrier3A = arith.constant 0 : index
    tpu.barrier barrier_id(%barrier3A)
    %dma_start3A = arith.constant 0 : i32
    %dma_start3A_52 = arith.constant 0 : i32
    %dma_start3A_53 = tpu.memref_slice %arg7[%dma_start3A, %dma_start3A_52] : memref<158x128xi32, #tpu.memory_space<vmem>> -> memref<1x128xi32, #tpu.memory_space<vmem>>
    %dma_start3A_54 = tpu.memref_squeeze %dma_start3A_53 : memref<1x128xi32, #tpu.memory_space<vmem>> -> memref<128xi32, #tpu.memory_space<vmem>>
    %dma_start3A_55 = arith.constant 0 : i32
    %dma_start3A_56 = arith.constant 0 : i32
    %dma_start3A_57 = tpu.memref_slice %arg4[%dma_start3A_55, %dma_start3A_56] : memref<20000x64xf32, #tpu.memory_space<hbm>> -> memref<20000x64xf32, #tpu.memory_space<hbm>>
    tpu.enqueue_indirect_dma source(%dma_start3A_57 : memref<20000x64xf32, #tpu.memory_space<hbm>>) target(%arg9 : memref<128x64xf32, #tpu.memory_space<vmem>>) offsets(%dma_start3A_54 : memref<128xi32, #tpu.memory_space<vmem>>) semaphore(%arg13 : memref<!tpu.dma_semaphore, #tpu.memory_space<semaphore_mem>>)
    %scan3A_58 = arith.constant 0 : i32
    %scan3A_59 = arith.constant 0 : i32
    %scan3A_60 = arith.constant 79 : i32
    %scan3A_61 = arith.addi %scan3A_59, %scan3A_60 : i32
    %scan3A_62 = arith.constant 1 : i32
    %scan3A_63 = scf.for %scan3A_81 = %scan3A_59 to %scan3A_61 step %scan3A_62 iter_args(%scan3A_82 = %scan3A_58) -> (i32)  : i32 {
      %mul3A_83 = arith.constant 2 : i32
      %mul3A_84 = arith.muli %mul3A_83, %scan3A_81 : i32
      %mul3A_85 = arith.constant 2 : i32
      %mul3A_86 = arith.muli %mul3A_85, %scan3A_81 : i32
      %add3A_87 = arith.constant 1 : i32
      %add3A_88 = arith.addi %mul3A_86, %add3A_87 : i32
      %dma_wait3A = arith.constant 0 : i32
      %dma_wait3A_89 = tpu.memref_slice %arg7[%mul3A_84, %dma_wait3A] : memref<158x128xi32, #tpu.memory_space<vmem>> -> memref<1x128xi32, #tpu.memory_space<vmem>>
      %dma_wait3A_90 = tpu.memref_squeeze %dma_wait3A_89 : memref<1x128xi32, #tpu.memory_space<vmem>> -> memref<128xi32, #tpu.memory_space<vmem>>
      %dma_wait3A_91 = arith.constant 0 : i32
      %dma_wait3A_92 = arith.constant 0 : i32
      %dma_wait3A_93 = tpu.memref_slice %arg4[%dma_wait3A_91, %dma_wait3A_92] : memref<20000x64xf32, #tpu.memory_space<hbm>> -> memref<20000x64xf32, #tpu.memory_space<hbm>>
      tpu.wait_indirect_dma semaphore(%arg13 : memref<!tpu.dma_semaphore, #tpu.memory_space<semaphore_mem>>) src(%dma_wait3A_93 : memref<20000x64xf32, #tpu.memory_space<hbm>>) dst(%arg9 : memref<128x64xf32, #tpu.memory_space<vmem>>)
      %dma_start3A_94 = arith.constant 0 : i32
      %dma_start3A_95 = tpu.memref_slice %arg7[%add3A_88, %dma_start3A_94] : memref<158x128xi32, #tpu.memory_space<vmem>> -> memref<1x128xi32, #tpu.memory_space<vmem>>
      %dma_start3A_96 = tpu.memref_squeeze %dma_start3A_95 : memref<1x128xi32, #tpu.memory_space<vmem>> -> memref<128xi32, #tpu.memory_space<vmem>>
      %dma_start3A_97 = arith.constant 0 : i32
      %dma_start3A_98 = arith.constant 0 : i32
      %dma_start3A_99 = tpu.memref_slice %arg4[%dma_start3A_97, %dma_start3A_98] : memref<20000x64xf32, #tpu.memory_space<hbm>> -> memref<20000x64xf32, #tpu.memory_space<hbm>>
      tpu.enqueue_indirect_dma source(%dma_start3A_99 : memref<20000x64xf32, #tpu.memory_space<hbm>>) target(%arg10 : memref<128x64xf32, #tpu.memory_space<vmem>>) offsets(%dma_start3A_96 : memref<128xi32, #tpu.memory_space<vmem>>) semaphore(%arg14 : memref<!tpu.dma_semaphore, #tpu.memory_space<semaphore_mem>>)
      "tpu.region"() ({
        %run_scoped3A = tpu.sem_alloc : memref<!tpu.dma_semaphore, #tpu.memory_space<semaphore_mem>>
        %dma_start3A_111 = arith.constant 0 : i32
        %dma_start3A_112 = tpu.memref_slice %arg8[%mul3A_84, %dma_start3A_111] : memref<158x128xi32, #tpu.memory_space<vmem>> -> memref<1x128xi32, #tpu.memory_space<vmem>>
        %dma_start3A_113 = tpu.memref_squeeze %dma_start3A_112 : memref<1x128xi32, #tpu.memory_space<vmem>> -> memref<128xi32, #tpu.memory_space<vmem>>
        %dma_start3A_114 = arith.constant 0 : i32
        %dma_start3A_115 = arith.constant 0 : i32
        %dma_start3A_116 = tpu.memref_slice %arg12[%dma_start3A_114, %dma_start3A_115] : memref<10112x64xf32, #tpu.memory_space<vmem_shared>> -> memref<10112x64xf32, #tpu.memory_space<vmem_shared>>
        tpu.enqueue_indirect_dma source(%arg9 : memref<128x64xf32, #tpu.memory_space<vmem>>) target(%dma_start3A_116 : memref<10112x64xf32, #tpu.memory_space<vmem_shared>>) offsets(%dma_start3A_113 : memref<128xi32, #tpu.memory_space<vmem>>) semaphore(%run_scoped3A : memref<!tpu.dma_semaphore, #tpu.memory_space<semaphore_mem>>) {add = true}
        %dma_wait3A_117 = arith.constant 0 : i32
        %dma_wait3A_118 = tpu.memref_slice %arg8[%mul3A_84, %dma_wait3A_117] : memref<158x128xi32, #tpu.memory_space<vmem>> -> memref<1x128xi32, #tpu.memory_space<vmem>>
        %dma_wait3A_119 = tpu.memref_squeeze %dma_wait3A_118 : memref<1x128xi32, #tpu.memory_space<vmem>> -> memref<128xi32, #tpu.memory_space<vmem>>
        %dma_wait3A_120 = arith.constant 0 : i32
        %dma_wait3A_121 = arith.constant 0 : i32
        %dma_wait3A_122 = tpu.memref_slice %arg12[%dma_wait3A_120, %dma_wait3A_121] : memref<10112x64xf32, #tpu.memory_space<vmem_shared>> -> memref<10112x64xf32, #tpu.memory_space<vmem_shared>>
        tpu.wait_indirect_dma semaphore(%run_scoped3A : memref<!tpu.dma_semaphore, #tpu.memory_space<semaphore_mem>>) src(%arg9 : memref<128x64xf32, #tpu.memory_space<vmem>>) dst(%dma_wait3A_122 : memref<10112x64xf32, #tpu.memory_space<vmem_shared>>)
        tpu.yield
      }) : () -> ()
      "tpu.region"() ({
        %run_scoped3A = tpu.sem_alloc : memref<!tpu.dma_semaphore, #tpu.memory_space<semaphore_mem>>
        %dma_start3A_111 = arith.constant 0 : i32
        %dma_start3A_112 = tpu.memref_slice %arg8[%mul3A_84, %dma_start3A_111] : memref<158x128xi32, #tpu.memory_space<vmem>> -> memref<1x128xi32, #tpu.memory_space<vmem>>
        %dma_start3A_113 = tpu.memref_squeeze %dma_start3A_112 : memref<1x128xi32, #tpu.memory_space<vmem>> -> memref<128xi32, #tpu.memory_space<vmem>>
        %dma_start3A_114 = arith.constant 0 : i32
        %dma_start3A_115 = arith.constant 0 : i32
        %dma_start3A_116 = tpu.memref_slice %arg17[%dma_start3A_114, %dma_start3A_115] : memref<10112x16xf32, #tpu.memory_space<vmem_shared>> -> memref<10112x16xf32, #tpu.memory_space<vmem_shared>>
        tpu.enqueue_indirect_dma source(%arg15 : memref<128x16xf32, #tpu.memory_space<vmem>>) target(%dma_start3A_116 : memref<10112x16xf32, #tpu.memory_space<vmem_shared>>) offsets(%dma_start3A_113 : memref<128xi32, #tpu.memory_space<vmem>>) semaphore(%run_scoped3A : memref<!tpu.dma_semaphore, #tpu.memory_space<semaphore_mem>>) {add = true}
        %dma_wait3A_117 = arith.constant 0 : i32
        %dma_wait3A_118 = tpu.memref_slice %arg8[%mul3A_84, %dma_wait3A_117] : memref<158x128xi32, #tpu.memory_space<vmem>> -> memref<1x128xi32, #tpu.memory_space<vmem>>
        %dma_wait3A_119 = tpu.memref_squeeze %dma_wait3A_118 : memref<1x128xi32, #tpu.memory_space<vmem>> -> memref<128xi32, #tpu.memory_space<vmem>>
        %dma_wait3A_120 = arith.constant 0 : i32
        %dma_wait3A_121 = arith.constant 0 : i32
        %dma_wait3A_122 = tpu.memref_slice %arg17[%dma_wait3A_120, %dma_wait3A_121] : memref<10112x16xf32, #tpu.memory_space<vmem_shared>> -> memref<10112x16xf32, #tpu.memory_space<vmem_shared>>
        tpu.wait_indirect_dma semaphore(%run_scoped3A : memref<!tpu.dma_semaphore, #tpu.memory_space<semaphore_mem>>) src(%arg15 : memref<128x16xf32, #tpu.memory_space<vmem>>) dst(%dma_wait3A_122 : memref<10112x16xf32, #tpu.memory_space<vmem_shared>>)
        tpu.yield
      }) : () -> ()
      %dma_wait3A_100 = arith.constant 0 : i32
      %dma_wait3A_101 = tpu.memref_slice %arg7[%add3A_88, %dma_wait3A_100] : memref<158x128xi32, #tpu.memory_space<vmem>> -> memref<1x128xi32, #tpu.memory_space<vmem>>
      %dma_wait3A_102 = tpu.memref_squeeze %dma_wait3A_101 : memref<1x128xi32, #tpu.memory_space<vmem>> -> memref<128xi32, #tpu.memory_space<vmem>>
      %dma_wait3A_103 = arith.constant 0 : i32
      %dma_wait3A_104 = arith.constant 0 : i32
      %dma_wait3A_105 = tpu.memref_slice %arg4[%dma_wait3A_103, %dma_wait3A_104] : memref<20000x64xf32, #tpu.memory_space<hbm>> -> memref<20000x64xf32, #tpu.memory_space<hbm>>
      tpu.wait_indirect_dma semaphore(%arg14 : memref<!tpu.dma_semaphore, #tpu.memory_space<semaphore_mem>>) src(%dma_wait3A_105 : memref<20000x64xf32, #tpu.memory_space<hbm>>) dst(%arg10 : memref<128x64xf32, #tpu.memory_space<vmem>>)
      %add3A_106 = arith.constant 1 : i32
      %add3A_107 = arith.addi %scan3A_81, %add3A_106 : i32
      %lt3A = arith.constant 79 : i32
      %lt3A_108 = arith.cmpi slt, %add3A_107, %lt3A : i32
      %convert_element_type3A = arith.extui %lt3A_108 : i1 to i32
      %cond3A = arith.constant 0 : i32
      %cond3A_109 = arith.cmpi ne, %convert_element_type3A, %cond3A : i32
      scf.if %cond3A_109 {
        %add3A_111 = arith.constant 2 : i32
        %add3A_112 = arith.addi %mul3A_84, %add3A_111 : i32
        %dma_start3A_113 = arith.constant 0 : i32
        %dma_start3A_114 = tpu.memref_slice %arg7[%add3A_112, %dma_start3A_113] : memref<158x128xi32, #tpu.memory_space<vmem>> -> memref<1x128xi32, #tpu.memory_space<vmem>>
        %dma_start3A_115 = tpu.memref_squeeze %dma_start3A_114 : memref<1x128xi32, #tpu.memory_space<vmem>> -> memref<128xi32, #tpu.memory_space<vmem>>
        %dma_start3A_116 = arith.constant 0 : i32
        %dma_start3A_117 = arith.constant 0 : i32
        %dma_start3A_118 = tpu.memref_slice %arg4[%dma_start3A_116, %dma_start3A_117] : memref<20000x64xf32, #tpu.memory_space<hbm>> -> memref<20000x64xf32, #tpu.memory_space<hbm>>
        tpu.enqueue_indirect_dma source(%dma_start3A_118 : memref<20000x64xf32, #tpu.memory_space<hbm>>) target(%arg9 : memref<128x64xf32, #tpu.memory_space<vmem>>) offsets(%dma_start3A_115 : memref<128xi32, #tpu.memory_space<vmem>>) semaphore(%arg13 : memref<!tpu.dma_semaphore, #tpu.memory_space<semaphore_mem>>)
      } else {
      }
      "tpu.region"() ({
        %run_scoped3A = tpu.sem_alloc : memref<!tpu.dma_semaphore, #tpu.memory_space<semaphore_mem>>
        %dma_start3A_111 = arith.constant 0 : i32
        %dma_start3A_112 = tpu.memref_slice %arg8[%add3A_88, %dma_start3A_111] : memref<158x128xi32, #tpu.memory_space<vmem>> -> memref<1x128xi32, #tpu.memory_space<vmem>>
        %dma_start3A_113 = tpu.memref_squeeze %dma_start3A_112 : memref<1x128xi32, #tpu.memory_space<vmem>> -> memref<128xi32, #tpu.memory_space<vmem>>
        %dma_start3A_114 = arith.constant 0 : i32
        %dma_start3A_115 = arith.constant 0 : i32
        %dma_start3A_116 = tpu.memref_slice %arg12[%dma_start3A_114, %dma_start3A_115] : memref<10112x64xf32, #tpu.memory_space<vmem_shared>> -> memref<10112x64xf32, #tpu.memory_space<vmem_shared>>
        tpu.enqueue_indirect_dma source(%arg10 : memref<128x64xf32, #tpu.memory_space<vmem>>) target(%dma_start3A_116 : memref<10112x64xf32, #tpu.memory_space<vmem_shared>>) offsets(%dma_start3A_113 : memref<128xi32, #tpu.memory_space<vmem>>) semaphore(%run_scoped3A : memref<!tpu.dma_semaphore, #tpu.memory_space<semaphore_mem>>) {add = true}
        %dma_wait3A_117 = arith.constant 0 : i32
        %dma_wait3A_118 = tpu.memref_slice %arg8[%add3A_88, %dma_wait3A_117] : memref<158x128xi32, #tpu.memory_space<vmem>> -> memref<1x128xi32, #tpu.memory_space<vmem>>
        %dma_wait3A_119 = tpu.memref_squeeze %dma_wait3A_118 : memref<1x128xi32, #tpu.memory_space<vmem>> -> memref<128xi32, #tpu.memory_space<vmem>>
        %dma_wait3A_120 = arith.constant 0 : i32
        %dma_wait3A_121 = arith.constant 0 : i32
        %dma_wait3A_122 = tpu.memref_slice %arg12[%dma_wait3A_120, %dma_wait3A_121] : memref<10112x64xf32, #tpu.memory_space<vmem_shared>> -> memref<10112x64xf32, #tpu.memory_space<vmem_shared>>
        tpu.wait_indirect_dma semaphore(%run_scoped3A : memref<!tpu.dma_semaphore, #tpu.memory_space<semaphore_mem>>) src(%arg10 : memref<128x64xf32, #tpu.memory_space<vmem>>) dst(%dma_wait3A_122 : memref<10112x64xf32, #tpu.memory_space<vmem_shared>>)
        tpu.yield
      }) : () -> ()
      "tpu.region"() ({
        %run_scoped3A = tpu.sem_alloc : memref<!tpu.dma_semaphore, #tpu.memory_space<semaphore_mem>>
        %dma_start3A_111 = arith.constant 0 : i32
        %dma_start3A_112 = tpu.memref_slice %arg8[%add3A_88, %dma_start3A_111] : memref<158x128xi32, #tpu.memory_space<vmem>> -> memref<1x128xi32, #tpu.memory_space<vmem>>
        %dma_start3A_113 = tpu.memref_squeeze %dma_start3A_112 : memref<1x128xi32, #tpu.memory_space<vmem>> -> memref<128xi32, #tpu.memory_space<vmem>>
        %dma_start3A_114 = arith.constant 0 : i32
        %dma_start3A_115 = arith.constant 0 : i32
        %dma_start3A_116 = tpu.memref_slice %arg17[%dma_start3A_114, %dma_start3A_115] : memref<10112x16xf32, #tpu.memory_space<vmem_shared>> -> memref<10112x16xf32, #tpu.memory_space<vmem_shared>>
        tpu.enqueue_indirect_dma source(%arg15 : memref<128x16xf32, #tpu.memory_space<vmem>>) target(%dma_start3A_116 : memref<10112x16xf32, #tpu.memory_space<vmem_shared>>) offsets(%dma_start3A_113 : memref<128xi32, #tpu.memory_space<vmem>>) semaphore(%run_scoped3A : memref<!tpu.dma_semaphore, #tpu.memory_space<semaphore_mem>>) {add = true}
        %dma_wait3A_117 = arith.constant 0 : i32
        %dma_wait3A_118 = tpu.memref_slice %arg8[%add3A_88, %dma_wait3A_117] : memref<158x128xi32, #tpu.memory_space<vmem>> -> memref<1x128xi32, #tpu.memory_space<vmem>>
        %dma_wait3A_119 = tpu.memref_squeeze %dma_wait3A_118 : memref<1x128xi32, #tpu.memory_space<vmem>> -> memref<128xi32, #tpu.memory_space<vmem>>
        %dma_wait3A_120 = arith.constant 0 : i32
        %dma_wait3A_121 = arith.constant 0 : i32
        %dma_wait3A_122 = tpu.memref_slice %arg17[%dma_wait3A_120, %dma_wait3A_121] : memref<10112x16xf32, #tpu.memory_space<vmem_shared>> -> memref<10112x16xf32, #tpu.memory_space<vmem_shared>>
        tpu.wait_indirect_dma semaphore(%run_scoped3A : memref<!tpu.dma_semaphore, #tpu.memory_space<semaphore_mem>>) src(%arg15 : memref<128x16xf32, #tpu.memory_space<vmem>>) dst(%dma_wait3A_122 : memref<10112x16xf32, #tpu.memory_space<vmem_shared>>)
        tpu.yield
      }) : () -> ()
      %scan3A_110 = arith.constant 0 : i32
      scf.yield %scan3A_110 : i32
    }
    %scan3A_64 = arith.constant 79 : i32
    %barrier3A_65 = arith.constant 0 : index
    tpu.barrier barrier_id(%barrier3A_65)
    %mul3A_66 = arith.constant 632 : i32
    %mul3A_67 = arith.muli %arg1, %mul3A_66 : i32
    %mul3A_68 = arith.constant 10112 : i32
    %mul3A_69 = arith.muli %add3A_35, %mul3A_68 : i32
    %mul3A_70 = arith.constant 632 : i32
    %mul3A_71 = arith.muli %arg1, %mul3A_70 : i32
    %add3A_72 = arith.addi %mul3A_69, %mul3A_71 : i32
    "tpu.region"() ({
      %run_scoped3A = tpu.sem_alloc : memref<!tpu.dma_semaphore, #tpu.memory_space<semaphore_mem>>
      %dma_start3A_81 = arith.constant 0 : i32
      %dma_start3A_82 = tpu.memref_slice %arg5[%add3A_72, %dma_start3A_81] : memref<20224x64xf32, #tpu.memory_space<hbm>> -> memref<632x64xf32, #tpu.memory_space<hbm>>
      %dma_start3A_83 = arith.constant 0 : i32
      %dma_start3A_84 = tpu.memref_slice %arg12[%mul3A_67, %dma_start3A_83] : memref<10112x64xf32, #tpu.memory_space<vmem_shared>> -> memref<632x64xf32, #tpu.memory_space<vmem_shared>>
      tpu.enqueue_dma source(%dma_start3A_84 : memref<632x64xf32, #tpu.memory_space<vmem_shared>>) target(%dma_start3A_82 : memref<632x64xf32, #tpu.memory_space<hbm>>) target_semaphore(%run_scoped3A : memref<!tpu.dma_semaphore, #tpu.memory_space<semaphore_mem>>)
      %dma_wait3A = arith.constant 0 : i32
      %dma_wait3A_85 = tpu.memref_slice %arg5[%add3A_72, %dma_wait3A] : memref<20224x64xf32, #tpu.memory_space<hbm>> -> memref<632x64xf32, #tpu.memory_space<hbm>>
      %dma_wait3A_86 = arith.constant 0 : i32
      %dma_wait3A_87 = tpu.memref_slice %arg12[%mul3A_67, %dma_wait3A_86] : memref<10112x64xf32, #tpu.memory_space<vmem_shared>> -> memref<632x64xf32, #tpu.memory_space<vmem_shared>>
      tpu.wait_dma2 semaphore(%run_scoped3A : memref<!tpu.dma_semaphore, #tpu.memory_space<semaphore_mem>>) src(%dma_wait3A_87 : memref<632x64xf32, #tpu.memory_space<vmem_shared>>) dst(%dma_wait3A_85 : memref<632x64xf32, #tpu.memory_space<hbm>>)
      tpu.yield
    }) : () -> ()
    %mul3A_73 = arith.constant 632 : i32
    %mul3A_74 = arith.muli %arg1, %mul3A_73 : i32
    %mul3A_75 = arith.constant 10112 : i32
    %mul3A_76 = arith.muli %arg0, %mul3A_75 : i32
    %mul3A_77 = arith.constant 632 : i32
    %mul3A_78 = arith.muli %arg1, %mul3A_77 : i32
    %add3A_79 = arith.addi %mul3A_76, %mul3A_78 : i32
    "tpu.region"() ({
      %run_scoped3A = tpu.sem_alloc : memref<!tpu.dma_semaphore, #tpu.memory_space<semaphore_mem>>
      %dma_start3A_81 = arith.constant 0 : i32
      %dma_start3A_82 = tpu.memref_slice %arg6[%add3A_79, %dma_start3A_81] : memref<20224x16xf32, #tpu.memory_space<hbm>> -> memref<632x16xf32, #tpu.memory_space<hbm>>
      %dma_start3A_83 = arith.constant 0 : i32
      %dma_start3A_84 = tpu.memref_slice %arg17[%mul3A_74, %dma_start3A_83] : memref<10112x16xf32, #tpu.memory_space<vmem_shared>> -> memref<632x16xf32, #tpu.memory_space<vmem_shared>>
      tpu.enqueue_dma source(%dma_start3A_84 : memref<632x16xf32, #tpu.memory_space<vmem_shared>>) target(%dma_start3A_82 : memref<632x16xf32, #tpu.memory_space<hbm>>) target_semaphore(%run_scoped3A : memref<!tpu.dma_semaphore, #tpu.memory_space<semaphore_mem>>)
      %dma_wait3A = arith.constant 0 : i32
      %dma_wait3A_85 = tpu.memref_slice %arg6[%add3A_79, %dma_wait3A] : memref<20224x16xf32, #tpu.memory_space<hbm>> -> memref<632x16xf32, #tpu.memory_space<hbm>>
      %dma_wait3A_86 = arith.constant 0 : i32
      %dma_wait3A_87 = tpu.memref_slice %arg17[%mul3A_74, %dma_wait3A_86] : memref<10112x16xf32, #tpu.memory_space<vmem_shared>> -> memref<632x16xf32, #tpu.memory_space<vmem_shared>>
      tpu.wait_dma2 semaphore(%run_scoped3A : memref<!tpu.dma_semaphore, #tpu.memory_space<semaphore_mem>>) src(%dma_wait3A_87 : memref<632x16xf32, #tpu.memory_space<vmem_shared>>) dst(%dma_wait3A_85 : memref<632x16xf32, #tpu.memory_space<hbm>>)
      tpu.yield
    }) : () -> ()
    %barrier3A_80 = arith.constant 0 : index
    tpu.barrier barrier_id(%barrier3A_80)
    return
  }
}

#map = affine_map<(d0, d1) -> (0, 0, 0, 0)>
#map1 = affine_map<(d0, d1) -> (0, 0, 0)>
#map2 = affine_map<(d0, d1) -> (0, 0)>
module attributes {stable_mosaic.version = 14 : i64} {
  func.func @agg(%arg0: i32, %arg1: i32, %arg2: memref<4x16x158x128xi32, #tpu.memory_space<hbm>>, %arg3: memref<16x158x128xi32, #tpu.memory_space<hbm>>, %arg4: memref<40000x64xf32, #tpu.memory_space<hbm>>, %arg5: memref<40448x64xf32, #tpu.memory_space<hbm>>, %arg6: memref<158x128xi32, #tpu.memory_space<vmem>>, %arg7: memref<158x128xi32, #tpu.memory_space<vmem>>, %arg8: memref<128x64xf32, #tpu.memory_space<vmem>>, %arg9: memref<128x64xf32, #tpu.memory_space<vmem>>, %arg10: memref<158x64xf32, #tpu.memory_space<vmem>>, %arg11: memref<10112x64xf32, #tpu.memory_space<vmem_shared>>, %arg12: memref<!tpu.dma_semaphore, #tpu.memory_space<semaphore_mem>>, %arg13: memref<!tpu.dma_semaphore, #tpu.memory_space<semaphore_mem>>) attributes {dimension_semantics = [#tpu.dimension_semantics<core_parallel>, #tpu.dimension_semantics<subcore_parallel>], iteration_bounds = array<i64: 2, 16>, scalar_prefetch = 0 : i64, scratch_operands = 8 : i64, tpu.core_type = #tpu.core_type<sc_vector_subcore>, window_params = [{transform_indices = #map}, {transform_indices = #map1}, {transform_indices = #map2}, {transform_indices = #map2}]} {
    %scan3A = arith.constant 0 : i32
    %scan3A_0 = arith.constant 0 : i32
    %scan3A_1 = arith.constant 158 : i32
    %scan3A_2 = arith.addi %scan3A_0, %scan3A_1 : i32
    %scan3A_3 = arith.constant 1 : i32
    %scan3A_4 = scf.for %scan3A_86 = %scan3A_0 to %scan3A_2 step %scan3A_3 iter_args(%scan3A_87 = %scan3A) -> (i32)  : i32 {
      %broadcast_in_dim3A = arith.constant 0.000000e+00 : f32
      %broadcast_in_dim3A_88 = vector.broadcast %broadcast_in_dim3A : f32 to vector<16xf32>
      %swap3A = arith.index_cast %scan3A_86 : i32 to index
      %swap3A_89 = arith.constant 0 : index
      %swap3A_90 = tpu.vector_load %arg10[%swap3A, %swap3A_89] {strides = array<i32>} : memref<158x64xf32, #tpu.memory_space<vmem>>, vector<1x16xf32>,
      %swap3A_91 = vector.shape_cast %swap3A_90 : vector<1x16xf32> to vector<16xf32>
      %swap3A_92 = vector.shape_cast %broadcast_in_dim3A_88 : vector<16xf32> to vector<1x16xf32>
      tpu.vector_store %arg10[%swap3A, %swap3A_89], %swap3A_92 {strides = array<i32>} : memref<158x64xf32, #tpu.memory_space<vmem>>, vector<1x16xf32>,
      %broadcast_in_dim3A_93 = arith.constant 0.000000e+00 : f32
      %broadcast_in_dim3A_94 = vector.broadcast %broadcast_in_dim3A_93 : f32 to vector<16xf32>
      %swap3A_95 = arith.index_cast %scan3A_86 : i32 to index
      %swap3A_96 = arith.constant 16 : index
      %swap3A_97 = tpu.vector_load %arg10[%swap3A_95, %swap3A_96] {strides = array<i32>} : memref<158x64xf32, #tpu.memory_space<vmem>>, vector<1x16xf32>,
      %swap3A_98 = vector.shape_cast %swap3A_97 : vector<1x16xf32> to vector<16xf32>
      %swap3A_99 = vector.shape_cast %broadcast_in_dim3A_94 : vector<16xf32> to vector<1x16xf32>
      tpu.vector_store %arg10[%swap3A_95, %swap3A_96], %swap3A_99 {strides = array<i32>} : memref<158x64xf32, #tpu.memory_space<vmem>>, vector<1x16xf32>,
      %broadcast_in_dim3A_100 = arith.constant 0.000000e+00 : f32
      %broadcast_in_dim3A_101 = vector.broadcast %broadcast_in_dim3A_100 : f32 to vector<16xf32>
      %swap3A_102 = arith.index_cast %scan3A_86 : i32 to index
      %swap3A_103 = arith.constant 32 : index
      %swap3A_104 = tpu.vector_load %arg10[%swap3A_102, %swap3A_103] {strides = array<i32>} : memref<158x64xf32, #tpu.memory_space<vmem>>, vector<1x16xf32>,
      %swap3A_105 = vector.shape_cast %swap3A_104 : vector<1x16xf32> to vector<16xf32>
      %swap3A_106 = vector.shape_cast %broadcast_in_dim3A_101 : vector<16xf32> to vector<1x16xf32>
      tpu.vector_store %arg10[%swap3A_102, %swap3A_103], %swap3A_106 {strides = array<i32>} : memref<158x64xf32, #tpu.memory_space<vmem>>, vector<1x16xf32>,
      %broadcast_in_dim3A_107 = arith.constant 0.000000e+00 : f32
      %broadcast_in_dim3A_108 = vector.broadcast %broadcast_in_dim3A_107 : f32 to vector<16xf32>
      %swap3A_109 = arith.index_cast %scan3A_86 : i32 to index
      %swap3A_110 = arith.constant 48 : index
      %swap3A_111 = tpu.vector_load %arg10[%swap3A_109, %swap3A_110] {strides = array<i32>} : memref<158x64xf32, #tpu.memory_space<vmem>>, vector<1x16xf32>,
      %swap3A_112 = vector.shape_cast %swap3A_111 : vector<1x16xf32> to vector<16xf32>
      %swap3A_113 = vector.shape_cast %broadcast_in_dim3A_108 : vector<16xf32> to vector<1x16xf32>
      tpu.vector_store %arg10[%swap3A_109, %swap3A_110], %swap3A_113 {strides = array<i32>} : memref<158x64xf32, #tpu.memory_space<vmem>>, vector<1x16xf32>,
      %scan3A_114 = arith.constant 0 : i32
      scf.yield %scan3A_114 : i32
    }
    %scan3A_5 = arith.constant 158 : i32
    "tpu.region"() ({
      %run_scoped3A = tpu.sem_alloc : memref<!tpu.dma_semaphore, #tpu.memory_space<semaphore_mem>>
      %dma_start3A_86 = arith.constant 0 : i32
      %dma_start3A_87 = arith.constant 0 : i32
      %dma_start3A_88 = tpu.memref_slice %arg3[%arg1, %dma_start3A_86, %dma_start3A_87] : memref<16x158x128xi32, #tpu.memory_space<hbm>> -> memref<1x158x128xi32, #tpu.memory_space<hbm>>
      %dma_start3A_89 = tpu.memref_squeeze %dma_start3A_88 : memref<1x158x128xi32, #tpu.memory_space<hbm>> -> memref<158x128xi32, #tpu.memory_space<hbm>>
      %dma_start3A_90 = arith.constant 0 : i32
      %dma_start3A_91 = arith.constant 0 : i32
      %dma_start3A_92 = tpu.memref_slice %arg3[%arg1, %dma_start3A_90, %dma_start3A_91] : memref<16x158x128xi32, #tpu.memory_space<hbm>> -> memref<1x158x128xi32, #tpu.memory_space<hbm>>
      %dma_start3A_93 = tpu.memref_squeeze %dma_start3A_92 : memref<1x158x128xi32, #tpu.memory_space<hbm>> -> memref<158x128xi32, #tpu.memory_space<hbm>>
      tpu.enqueue_dma source(%dma_start3A_93 : memref<158x128xi32, #tpu.memory_space<hbm>>) target(%arg7 : memref<158x128xi32, #tpu.memory_space<vmem>>) target_semaphore(%run_scoped3A : memref<!tpu.dma_semaphore, #tpu.memory_space<semaphore_mem>>)
      %dma_wait3A = arith.constant 0 : i32
      %dma_wait3A_94 = arith.constant 0 : i32
      %dma_wait3A_95 = tpu.memref_slice %arg3[%arg1, %dma_wait3A, %dma_wait3A_94] : memref<16x158x128xi32, #tpu.memory_space<hbm>> -> memref<1x158x128xi32, #tpu.memory_space<hbm>>
      %dma_wait3A_96 = tpu.memref_squeeze %dma_wait3A_95 : memref<1x158x128xi32, #tpu.memory_space<hbm>> -> memref<158x128xi32, #tpu.memory_space<hbm>>
      %dma_wait3A_97 = arith.constant 0 : i32
      %dma_wait3A_98 = arith.constant 0 : i32
      %dma_wait3A_99 = tpu.memref_slice %arg3[%arg1, %dma_wait3A_97, %dma_wait3A_98] : memref<16x158x128xi32, #tpu.memory_space<hbm>> -> memref<1x158x128xi32, #tpu.memory_space<hbm>>
      %dma_wait3A_100 = tpu.memref_squeeze %dma_wait3A_99 : memref<1x158x128xi32, #tpu.memory_space<hbm>> -> memref<158x128xi32, #tpu.memory_space<hbm>>
      tpu.wait_dma2 semaphore(%run_scoped3A : memref<!tpu.dma_semaphore, #tpu.memory_space<semaphore_mem>>) src(%dma_wait3A_100 : memref<158x128xi32, #tpu.memory_space<hbm>>) dst(%arg7 : memref<158x128xi32, #tpu.memory_space<vmem>>)
      tpu.yield
    }) : () -> ()
    %add3A = arith.constant 0 : i32
    %add3A_6 = arith.addi %add3A, %arg0 : i32
    %mul3A = arith.constant 632 : i32
    %mul3A_7 = arith.muli %arg1, %mul3A : i32
    %add3A_8 = arith.constant 0 : i32
    %add3A_9 = arith.addi %mul3A_7, %add3A_8 : i32
    "tpu.region"() ({
      %run_scoped3A = tpu.sem_alloc : memref<!tpu.dma_semaphore, #tpu.memory_space<semaphore_mem>>
      %dma_start3A_86 = arith.constant 0 : i32
      %dma_start3A_87 = tpu.memref_slice %arg11[%add3A_9, %dma_start3A_86] : memref<10112x64xf32, #tpu.memory_space<vmem_shared>> -> memref<158x64xf32, #tpu.memory_space<vmem_shared>>
      %dma_start3A_88 = arith.constant 0 : i32
      %dma_start3A_89 = tpu.memref_slice %arg11[%add3A_9, %dma_start3A_88] : memref<10112x64xf32, #tpu.memory_space<vmem_shared>> -> memref<158x64xf32, #tpu.memory_space<vmem_shared>>
      tpu.enqueue_dma source(%arg10 : memref<158x64xf32, #tpu.memory_space<vmem>>) target(%dma_start3A_89 : memref<158x64xf32, #tpu.memory_space<vmem_shared>>) target_semaphore(%run_scoped3A : memref<!tpu.dma_semaphore, #tpu.memory_space<semaphore_mem>>)
      %dma_wait3A = arith.constant 0 : i32
      %dma_wait3A_90 = tpu.memref_slice %arg11[%add3A_9, %dma_wait3A] : memref<10112x64xf32, #tpu.memory_space<vmem_shared>> -> memref<158x64xf32, #tpu.memory_space<vmem_shared>>
      %dma_wait3A_91 = arith.constant 0 : i32
      %dma_wait3A_92 = tpu.memref_slice %arg11[%add3A_9, %dma_wait3A_91] : memref<10112x64xf32, #tpu.memory_space<vmem_shared>> -> memref<158x64xf32, #tpu.memory_space<vmem_shared>>
      tpu.wait_dma2 semaphore(%run_scoped3A : memref<!tpu.dma_semaphore, #tpu.memory_space<semaphore_mem>>) src(%arg10 : memref<158x64xf32, #tpu.memory_space<vmem>>) dst(%dma_wait3A_92 : memref<158x64xf32, #tpu.memory_space<vmem_shared>>)
      tpu.yield
    }) : () -> ()
    %mul3A_10 = arith.constant 632 : i32
    %mul3A_11 = arith.muli %arg1, %mul3A_10 : i32
    %add3A_12 = arith.constant 158 : i32
    %add3A_13 = arith.addi %mul3A_11, %add3A_12 : i32
    "tpu.region"() ({
      %run_scoped3A = tpu.sem_alloc : memref<!tpu.dma_semaphore, #tpu.memory_space<semaphore_mem>>
      %dma_start3A_86 = arith.constant 0 : i32
      %dma_start3A_87 = tpu.memref_slice %arg11[%add3A_13, %dma_start3A_86] : memref<10112x64xf32, #tpu.memory_space<vmem_shared>> -> memref<158x64xf32, #tpu.memory_space<vmem_shared>>
      %dma_start3A_88 = arith.constant 0 : i32
      %dma_start3A_89 = tpu.memref_slice %arg11[%add3A_13, %dma_start3A_88] : memref<10112x64xf32, #tpu.memory_space<vmem_shared>> -> memref<158x64xf32, #tpu.memory_space<vmem_shared>>
      tpu.enqueue_dma source(%arg10 : memref<158x64xf32, #tpu.memory_space<vmem>>) target(%dma_start3A_89 : memref<158x64xf32, #tpu.memory_space<vmem_shared>>) target_semaphore(%run_scoped3A : memref<!tpu.dma_semaphore, #tpu.memory_space<semaphore_mem>>)
      %dma_wait3A = arith.constant 0 : i32
      %dma_wait3A_90 = tpu.memref_slice %arg11[%add3A_13, %dma_wait3A] : memref<10112x64xf32, #tpu.memory_space<vmem_shared>> -> memref<158x64xf32, #tpu.memory_space<vmem_shared>>
      %dma_wait3A_91 = arith.constant 0 : i32
      %dma_wait3A_92 = tpu.memref_slice %arg11[%add3A_13, %dma_wait3A_91] : memref<10112x64xf32, #tpu.memory_space<vmem_shared>> -> memref<158x64xf32, #tpu.memory_space<vmem_shared>>
      tpu.wait_dma2 semaphore(%run_scoped3A : memref<!tpu.dma_semaphore, #tpu.memory_space<semaphore_mem>>) src(%arg10 : memref<158x64xf32, #tpu.memory_space<vmem>>) dst(%dma_wait3A_92 : memref<158x64xf32, #tpu.memory_space<vmem_shared>>)
      tpu.yield
    }) : () -> ()
    %mul3A_14 = arith.constant 632 : i32
    %mul3A_15 = arith.muli %arg1, %mul3A_14 : i32
    %add3A_16 = arith.constant 316 : i32
    %add3A_17 = arith.addi %mul3A_15, %add3A_16 : i32
    "tpu.region"() ({
      %run_scoped3A = tpu.sem_alloc : memref<!tpu.dma_semaphore, #tpu.memory_space<semaphore_mem>>
      %dma_start3A_86 = arith.constant 0 : i32
      %dma_start3A_87 = tpu.memref_slice %arg11[%add3A_17, %dma_start3A_86] : memref<10112x64xf32, #tpu.memory_space<vmem_shared>> -> memref<158x64xf32, #tpu.memory_space<vmem_shared>>
      %dma_start3A_88 = arith.constant 0 : i32
      %dma_start3A_89 = tpu.memref_slice %arg11[%add3A_17, %dma_start3A_88] : memref<10112x64xf32, #tpu.memory_space<vmem_shared>> -> memref<158x64xf32, #tpu.memory_space<vmem_shared>>
      tpu.enqueue_dma source(%arg10 : memref<158x64xf32, #tpu.memory_space<vmem>>) target(%dma_start3A_89 : memref<158x64xf32, #tpu.memory_space<vmem_shared>>) target_semaphore(%run_scoped3A : memref<!tpu.dma_semaphore, #tpu.memory_space<semaphore_mem>>)
      %dma_wait3A = arith.constant 0 : i32
      %dma_wait3A_90 = tpu.memref_slice %arg11[%add3A_17, %dma_wait3A] : memref<10112x64xf32, #tpu.memory_space<vmem_shared>> -> memref<158x64xf32, #tpu.memory_space<vmem_shared>>
      %dma_wait3A_91 = arith.constant 0 : i32
      %dma_wait3A_92 = tpu.memref_slice %arg11[%add3A_17, %dma_wait3A_91] : memref<10112x64xf32, #tpu.memory_space<vmem_shared>> -> memref<158x64xf32, #tpu.memory_space<vmem_shared>>
      tpu.wait_dma2 semaphore(%run_scoped3A : memref<!tpu.dma_semaphore, #tpu.memory_space<semaphore_mem>>) src(%arg10 : memref<158x64xf32, #tpu.memory_space<vmem>>) dst(%dma_wait3A_92 : memref<158x64xf32, #tpu.memory_space<vmem_shared>>)
      tpu.yield
    }) : () -> ()
    %mul3A_18 = arith.constant 632 : i32
    %mul3A_19 = arith.muli %arg1, %mul3A_18 : i32
    %add3A_20 = arith.constant 474 : i32
    %add3A_21 = arith.addi %mul3A_19, %add3A_20 : i32
    "tpu.region"() ({
      %run_scoped3A = tpu.sem_alloc : memref<!tpu.dma_semaphore, #tpu.memory_space<semaphore_mem>>
      %dma_start3A_86 = arith.constant 0 : i32
      %dma_start3A_87 = tpu.memref_slice %arg11[%add3A_21, %dma_start3A_86] : memref<10112x64xf32, #tpu.memory_space<vmem_shared>> -> memref<158x64xf32, #tpu.memory_space<vmem_shared>>
      %dma_start3A_88 = arith.constant 0 : i32
      %dma_start3A_89 = tpu.memref_slice %arg11[%add3A_21, %dma_start3A_88] : memref<10112x64xf32, #tpu.memory_space<vmem_shared>> -> memref<158x64xf32, #tpu.memory_space<vmem_shared>>
      tpu.enqueue_dma source(%arg10 : memref<158x64xf32, #tpu.memory_space<vmem>>) target(%dma_start3A_89 : memref<158x64xf32, #tpu.memory_space<vmem_shared>>) target_semaphore(%run_scoped3A : memref<!tpu.dma_semaphore, #tpu.memory_space<semaphore_mem>>)
      %dma_wait3A = arith.constant 0 : i32
      %dma_wait3A_90 = tpu.memref_slice %arg11[%add3A_21, %dma_wait3A] : memref<10112x64xf32, #tpu.memory_space<vmem_shared>> -> memref<158x64xf32, #tpu.memory_space<vmem_shared>>
      %dma_wait3A_91 = arith.constant 0 : i32
      %dma_wait3A_92 = tpu.memref_slice %arg11[%add3A_21, %dma_wait3A_91] : memref<10112x64xf32, #tpu.memory_space<vmem_shared>> -> memref<158x64xf32, #tpu.memory_space<vmem_shared>>
      tpu.wait_dma2 semaphore(%run_scoped3A : memref<!tpu.dma_semaphore, #tpu.memory_space<semaphore_mem>>) src(%arg10 : memref<158x64xf32, #tpu.memory_space<vmem>>) dst(%dma_wait3A_92 : memref<158x64xf32, #tpu.memory_space<vmem_shared>>)
      tpu.yield
    }) : () -> ()
    "tpu.region"() ({
      %run_scoped3A = tpu.sem_alloc : memref<!tpu.dma_semaphore, #tpu.memory_space<semaphore_mem>>
      %dma_start3A_86 = arith.constant 0 : i32
      %dma_start3A_87 = arith.constant 0 : i32
      %dma_start3A_88 = tpu.memref_slice %arg2[%add3A_6, %arg1, %dma_start3A_86, %dma_start3A_87] : memref<4x16x158x128xi32, #tpu.memory_space<hbm>> -> memref<1x1x158x128xi32, #tpu.memory_space<hbm>>
      %dma_start3A_89 = tpu.memref_squeeze %dma_start3A_88 : memref<1x1x158x128xi32, #tpu.memory_space<hbm>> -> memref<158x128xi32, #tpu.memory_space<hbm>>
      %dma_start3A_90 = arith.constant 0 : i32
      %dma_start3A_91 = arith.constant 0 : i32
      %dma_start3A_92 = tpu.memref_slice %arg2[%add3A_6, %arg1, %dma_start3A_90, %dma_start3A_91] : memref<4x16x158x128xi32, #tpu.memory_space<hbm>> -> memref<1x1x158x128xi32, #tpu.memory_space<hbm>>
      %dma_start3A_93 = tpu.memref_squeeze %dma_start3A_92 : memref<1x1x158x128xi32, #tpu.memory_space<hbm>> -> memref<158x128xi32, #tpu.memory_space<hbm>>
      tpu.enqueue_dma source(%dma_start3A_93 : memref<158x128xi32, #tpu.memory_space<hbm>>) target(%arg6 : memref<158x128xi32, #tpu.memory_space<vmem>>) target_semaphore(%run_scoped3A : memref<!tpu.dma_semaphore, #tpu.memory_space<semaphore_mem>>)
      %dma_wait3A = arith.constant 0 : i32
      %dma_wait3A_94 = arith.constant 0 : i32
      %dma_wait3A_95 = tpu.memref_slice %arg2[%add3A_6, %arg1, %dma_wait3A, %dma_wait3A_94] : memref<4x16x158x128xi32, #tpu.memory_space<hbm>> -> memref<1x1x158x128xi32, #tpu.memory_space<hbm>>
      %dma_wait3A_96 = tpu.memref_squeeze %dma_wait3A_95 : memref<1x1x158x128xi32, #tpu.memory_space<hbm>> -> memref<158x128xi32, #tpu.memory_space<hbm>>
      %dma_wait3A_97 = arith.constant 0 : i32
      %dma_wait3A_98 = arith.constant 0 : i32
      %dma_wait3A_99 = tpu.memref_slice %arg2[%add3A_6, %arg1, %dma_wait3A_97, %dma_wait3A_98] : memref<4x16x158x128xi32, #tpu.memory_space<hbm>> -> memref<1x1x158x128xi32, #tpu.memory_space<hbm>>
      %dma_wait3A_100 = tpu.memref_squeeze %dma_wait3A_99 : memref<1x1x158x128xi32, #tpu.memory_space<hbm>> -> memref<158x128xi32, #tpu.memory_space<hbm>>
      tpu.wait_dma2 semaphore(%run_scoped3A : memref<!tpu.dma_semaphore, #tpu.memory_space<semaphore_mem>>) src(%dma_wait3A_100 : memref<158x128xi32, #tpu.memory_space<hbm>>) dst(%arg6 : memref<158x128xi32, #tpu.memory_space<vmem>>)
      tpu.yield
    }) : () -> ()
    %barrier3A = arith.constant 0 : index
    tpu.barrier barrier_id(%barrier3A)
    %dma_start3A = arith.constant 0 : i32
    %dma_start3A_22 = arith.constant 0 : i32
    %dma_start3A_23 = tpu.memref_slice %arg6[%dma_start3A, %dma_start3A_22] : memref<158x128xi32, #tpu.memory_space<vmem>> -> memref<1x128xi32, #tpu.memory_space<vmem>>
    %dma_start3A_24 = tpu.memref_squeeze %dma_start3A_23 : memref<1x128xi32, #tpu.memory_space<vmem>> -> memref<128xi32, #tpu.memory_space<vmem>>
    %dma_start3A_25 = arith.constant 0 : i32
    %dma_start3A_26 = arith.constant 0 : i32
    %dma_start3A_27 = tpu.memref_slice %arg4[%dma_start3A_25, %dma_start3A_26] : memref<40000x64xf32, #tpu.memory_space<hbm>> -> memref<40000x64xf32, #tpu.memory_space<hbm>>
    tpu.enqueue_indirect_dma source(%dma_start3A_27 : memref<40000x64xf32, #tpu.memory_space<hbm>>) target(%arg8 : memref<128x64xf32, #tpu.memory_space<vmem>>) offsets(%dma_start3A_24 : memref<128xi32, #tpu.memory_space<vmem>>) semaphore(%arg12 : memref<!tpu.dma_semaphore, #tpu.memory_space<semaphore_mem>>)
    %scan3A_28 = arith.constant 0 : i32
    %scan3A_29 = arith.constant 0 : i32
    %scan3A_30 = arith.constant 79 : i32
    %scan3A_31 = arith.addi %scan3A_29, %scan3A_30 : i32
    %scan3A_32 = arith.constant 1 : i32
    %scan3A_33 = scf.for %scan3A_86 = %scan3A_29 to %scan3A_31 step %scan3A_32 iter_args(%scan3A_87 = %scan3A_28) -> (i32)  : i32 {
      %mul3A_88 = arith.constant 2 : i32
      %mul3A_89 = arith.muli %mul3A_88, %scan3A_86 : i32
      %mul3A_90 = arith.constant 2 : i32
      %mul3A_91 = arith.muli %mul3A_90, %scan3A_86 : i32
      %add3A_92 = arith.constant 1 : i32
      %add3A_93 = arith.addi %mul3A_91, %add3A_92 : i32
      %dma_wait3A = arith.constant 0 : i32
      %dma_wait3A_94 = tpu.memref_slice %arg6[%mul3A_89, %dma_wait3A] : memref<158x128xi32, #tpu.memory_space<vmem>> -> memref<1x128xi32, #tpu.memory_space<vmem>>
      %dma_wait3A_95 = tpu.memref_squeeze %dma_wait3A_94 : memref<1x128xi32, #tpu.memory_space<vmem>> -> memref<128xi32, #tpu.memory_space<vmem>>
      %dma_wait3A_96 = arith.constant 0 : i32
      %dma_wait3A_97 = arith.constant 0 : i32
      %dma_wait3A_98 = tpu.memref_slice %arg4[%dma_wait3A_96, %dma_wait3A_97] : memref<40000x64xf32, #tpu.memory_space<hbm>> -> memref<40000x64xf32, #tpu.memory_space<hbm>>
      tpu.wait_indirect_dma semaphore(%arg12 : memref<!tpu.dma_semaphore, #tpu.memory_space<semaphore_mem>>) src(%dma_wait3A_98 : memref<40000x64xf32, #tpu.memory_space<hbm>>) dst(%arg8 : memref<128x64xf32, #tpu.memory_space<vmem>>)
      %dma_start3A_99 = arith.constant 0 : i32
      %dma_start3A_100 = tpu.memref_slice %arg6[%add3A_93, %dma_start3A_99] : memref<158x128xi32, #tpu.memory_space<vmem>> -> memref<1x128xi32, #tpu.memory_space<vmem>>
      %dma_start3A_101 = tpu.memref_squeeze %dma_start3A_100 : memref<1x128xi32, #tpu.memory_space<vmem>> -> memref<128xi32, #tpu.memory_space<vmem>>
      %dma_start3A_102 = arith.constant 0 : i32
      %dma_start3A_103 = arith.constant 0 : i32
      %dma_start3A_104 = tpu.memref_slice %arg4[%dma_start3A_102, %dma_start3A_103] : memref<40000x64xf32, #tpu.memory_space<hbm>> -> memref<40000x64xf32, #tpu.memory_space<hbm>>
      tpu.enqueue_indirect_dma source(%dma_start3A_104 : memref<40000x64xf32, #tpu.memory_space<hbm>>) target(%arg9 : memref<128x64xf32, #tpu.memory_space<vmem>>) offsets(%dma_start3A_101 : memref<128xi32, #tpu.memory_space<vmem>>) semaphore(%arg13 : memref<!tpu.dma_semaphore, #tpu.memory_space<semaphore_mem>>)
      "tpu.region"() ({
        %run_scoped3A = tpu.sem_alloc : memref<!tpu.dma_semaphore, #tpu.memory_space<semaphore_mem>>
        %dma_start3A_116 = arith.constant 0 : i32
        %dma_start3A_117 = tpu.memref_slice %arg7[%mul3A_89, %dma_start3A_116] : memref<158x128xi32, #tpu.memory_space<vmem>> -> memref<1x128xi32, #tpu.memory_space<vmem>>
        %dma_start3A_118 = tpu.memref_squeeze %dma_start3A_117 : memref<1x128xi32, #tpu.memory_space<vmem>> -> memref<128xi32, #tpu.memory_space<vmem>>
        %dma_start3A_119 = arith.constant 0 : i32
        %dma_start3A_120 = arith.constant 0 : i32
        %dma_start3A_121 = tpu.memref_slice %arg11[%dma_start3A_119, %dma_start3A_120] : memref<10112x64xf32, #tpu.memory_space<vmem_shared>> -> memref<10112x64xf32, #tpu.memory_space<vmem_shared>>
        tpu.enqueue_indirect_dma source(%arg8 : memref<128x64xf32, #tpu.memory_space<vmem>>) target(%dma_start3A_121 : memref<10112x64xf32, #tpu.memory_space<vmem_shared>>) offsets(%dma_start3A_118 : memref<128xi32, #tpu.memory_space<vmem>>) semaphore(%run_scoped3A : memref<!tpu.dma_semaphore, #tpu.memory_space<semaphore_mem>>) {add = true}
        %dma_wait3A_122 = arith.constant 0 : i32
        %dma_wait3A_123 = tpu.memref_slice %arg7[%mul3A_89, %dma_wait3A_122] : memref<158x128xi32, #tpu.memory_space<vmem>> -> memref<1x128xi32, #tpu.memory_space<vmem>>
        %dma_wait3A_124 = tpu.memref_squeeze %dma_wait3A_123 : memref<1x128xi32, #tpu.memory_space<vmem>> -> memref<128xi32, #tpu.memory_space<vmem>>
        %dma_wait3A_125 = arith.constant 0 : i32
        %dma_wait3A_126 = arith.constant 0 : i32
        %dma_wait3A_127 = tpu.memref_slice %arg11[%dma_wait3A_125, %dma_wait3A_126] : memref<10112x64xf32, #tpu.memory_space<vmem_shared>> -> memref<10112x64xf32, #tpu.memory_space<vmem_shared>>
        tpu.wait_indirect_dma semaphore(%run_scoped3A : memref<!tpu.dma_semaphore, #tpu.memory_space<semaphore_mem>>) src(%arg8 : memref<128x64xf32, #tpu.memory_space<vmem>>) dst(%dma_wait3A_127 : memref<10112x64xf32, #tpu.memory_space<vmem_shared>>)
        tpu.yield
      }) : () -> ()
      %dma_wait3A_105 = arith.constant 0 : i32
      %dma_wait3A_106 = tpu.memref_slice %arg6[%add3A_93, %dma_wait3A_105] : memref<158x128xi32, #tpu.memory_space<vmem>> -> memref<1x128xi32, #tpu.memory_space<vmem>>
      %dma_wait3A_107 = tpu.memref_squeeze %dma_wait3A_106 : memref<1x128xi32, #tpu.memory_space<vmem>> -> memref<128xi32, #tpu.memory_space<vmem>>
      %dma_wait3A_108 = arith.constant 0 : i32
      %dma_wait3A_109 = arith.constant 0 : i32
      %dma_wait3A_110 = tpu.memref_slice %arg4[%dma_wait3A_108, %dma_wait3A_109] : memref<40000x64xf32, #tpu.memory_space<hbm>> -> memref<40000x64xf32, #tpu.memory_space<hbm>>
      tpu.wait_indirect_dma semaphore(%arg13 : memref<!tpu.dma_semaphore, #tpu.memory_space<semaphore_mem>>) src(%dma_wait3A_110 : memref<40000x64xf32, #tpu.memory_space<hbm>>) dst(%arg9 : memref<128x64xf32, #tpu.memory_space<vmem>>)
      %add3A_111 = arith.constant 1 : i32
      %add3A_112 = arith.addi %scan3A_86, %add3A_111 : i32
      %lt3A = arith.constant 79 : i32
      %lt3A_113 = arith.cmpi slt, %add3A_112, %lt3A : i32
      %convert_element_type3A = arith.extui %lt3A_113 : i1 to i32
      %cond3A = arith.constant 0 : i32
      %cond3A_114 = arith.cmpi ne, %convert_element_type3A, %cond3A : i32
      scf.if %cond3A_114 {
        %add3A_116 = arith.constant 2 : i32
        %add3A_117 = arith.addi %mul3A_89, %add3A_116 : i32
        %dma_start3A_118 = arith.constant 0 : i32
        %dma_start3A_119 = tpu.memref_slice %arg6[%add3A_117, %dma_start3A_118] : memref<158x128xi32, #tpu.memory_space<vmem>> -> memref<1x128xi32, #tpu.memory_space<vmem>>
        %dma_start3A_120 = tpu.memref_squeeze %dma_start3A_119 : memref<1x128xi32, #tpu.memory_space<vmem>> -> memref<128xi32, #tpu.memory_space<vmem>>
        %dma_start3A_121 = arith.constant 0 : i32
        %dma_start3A_122 = arith.constant 0 : i32
        %dma_start3A_123 = tpu.memref_slice %arg4[%dma_start3A_121, %dma_start3A_122] : memref<40000x64xf32, #tpu.memory_space<hbm>> -> memref<40000x64xf32, #tpu.memory_space<hbm>>
        tpu.enqueue_indirect_dma source(%dma_start3A_123 : memref<40000x64xf32, #tpu.memory_space<hbm>>) target(%arg8 : memref<128x64xf32, #tpu.memory_space<vmem>>) offsets(%dma_start3A_120 : memref<128xi32, #tpu.memory_space<vmem>>) semaphore(%arg12 : memref<!tpu.dma_semaphore, #tpu.memory_space<semaphore_mem>>)
      } else {
      }
      "tpu.region"() ({
        %run_scoped3A = tpu.sem_alloc : memref<!tpu.dma_semaphore, #tpu.memory_space<semaphore_mem>>
        %dma_start3A_116 = arith.constant 0 : i32
        %dma_start3A_117 = tpu.memref_slice %arg7[%add3A_93, %dma_start3A_116] : memref<158x128xi32, #tpu.memory_space<vmem>> -> memref<1x128xi32, #tpu.memory_space<vmem>>
        %dma_start3A_118 = tpu.memref_squeeze %dma_start3A_117 : memref<1x128xi32, #tpu.memory_space<vmem>> -> memref<128xi32, #tpu.memory_space<vmem>>
        %dma_start3A_119 = arith.constant 0 : i32
        %dma_start3A_120 = arith.constant 0 : i32
        %dma_start3A_121 = tpu.memref_slice %arg11[%dma_start3A_119, %dma_start3A_120] : memref<10112x64xf32, #tpu.memory_space<vmem_shared>> -> memref<10112x64xf32, #tpu.memory_space<vmem_shared>>
        tpu.enqueue_indirect_dma source(%arg9 : memref<128x64xf32, #tpu.memory_space<vmem>>) target(%dma_start3A_121 : memref<10112x64xf32, #tpu.memory_space<vmem_shared>>) offsets(%dma_start3A_118 : memref<128xi32, #tpu.memory_space<vmem>>) semaphore(%run_scoped3A : memref<!tpu.dma_semaphore, #tpu.memory_space<semaphore_mem>>) {add = true}
        %dma_wait3A_122 = arith.constant 0 : i32
        %dma_wait3A_123 = tpu.memref_slice %arg7[%add3A_93, %dma_wait3A_122] : memref<158x128xi32, #tpu.memory_space<vmem>> -> memref<1x128xi32, #tpu.memory_space<vmem>>
        %dma_wait3A_124 = tpu.memref_squeeze %dma_wait3A_123 : memref<1x128xi32, #tpu.memory_space<vmem>> -> memref<128xi32, #tpu.memory_space<vmem>>
        %dma_wait3A_125 = arith.constant 0 : i32
        %dma_wait3A_126 = arith.constant 0 : i32
        %dma_wait3A_127 = tpu.memref_slice %arg11[%dma_wait3A_125, %dma_wait3A_126] : memref<10112x64xf32, #tpu.memory_space<vmem_shared>> -> memref<10112x64xf32, #tpu.memory_space<vmem_shared>>
        tpu.wait_indirect_dma semaphore(%run_scoped3A : memref<!tpu.dma_semaphore, #tpu.memory_space<semaphore_mem>>) src(%arg9 : memref<128x64xf32, #tpu.memory_space<vmem>>) dst(%dma_wait3A_127 : memref<10112x64xf32, #tpu.memory_space<vmem_shared>>)
        tpu.yield
      }) : () -> ()
      %scan3A_115 = arith.constant 0 : i32
      scf.yield %scan3A_115 : i32
    }
    %scan3A_34 = arith.constant 79 : i32
    %barrier3A_35 = arith.constant 0 : index
    tpu.barrier barrier_id(%barrier3A_35)
    %mul3A_36 = arith.constant 632 : i32
    %mul3A_37 = arith.muli %arg1, %mul3A_36 : i32
    %mul3A_38 = arith.constant 10112 : i32
    %mul3A_39 = arith.muli %add3A_6, %mul3A_38 : i32
    %mul3A_40 = arith.constant 632 : i32
    %mul3A_41 = arith.muli %arg1, %mul3A_40 : i32
    %add3A_42 = arith.addi %mul3A_39, %mul3A_41 : i32
    "tpu.region"() ({
      %run_scoped3A = tpu.sem_alloc : memref<!tpu.dma_semaphore, #tpu.memory_space<semaphore_mem>>
      %dma_start3A_86 = arith.constant 0 : i32
      %dma_start3A_87 = tpu.memref_slice %arg5[%add3A_42, %dma_start3A_86] : memref<40448x64xf32, #tpu.memory_space<hbm>> -> memref<632x64xf32, #tpu.memory_space<hbm>>
      %dma_start3A_88 = arith.constant 0 : i32
      %dma_start3A_89 = tpu.memref_slice %arg11[%mul3A_37, %dma_start3A_88] : memref<10112x64xf32, #tpu.memory_space<vmem_shared>> -> memref<632x64xf32, #tpu.memory_space<vmem_shared>>
      tpu.enqueue_dma source(%dma_start3A_89 : memref<632x64xf32, #tpu.memory_space<vmem_shared>>) target(%dma_start3A_87 : memref<632x64xf32, #tpu.memory_space<hbm>>) target_semaphore(%run_scoped3A : memref<!tpu.dma_semaphore, #tpu.memory_space<semaphore_mem>>)
      %dma_wait3A = arith.constant 0 : i32
      %dma_wait3A_90 = tpu.memref_slice %arg5[%add3A_42, %dma_wait3A] : memref<40448x64xf32, #tpu.memory_space<hbm>> -> memref<632x64xf32, #tpu.memory_space<hbm>>
      %dma_wait3A_91 = arith.constant 0 : i32
      %dma_wait3A_92 = tpu.memref_slice %arg11[%mul3A_37, %dma_wait3A_91] : memref<10112x64xf32, #tpu.memory_space<vmem_shared>> -> memref<632x64xf32, #tpu.memory_space<vmem_shared>>
      tpu.wait_dma2 semaphore(%run_scoped3A : memref<!tpu.dma_semaphore, #tpu.memory_space<semaphore_mem>>) src(%dma_wait3A_92 : memref<632x64xf32, #tpu.memory_space<vmem_shared>>) dst(%dma_wait3A_90 : memref<632x64xf32, #tpu.memory_space<hbm>>)
      tpu.yield
    }) : () -> ()
    %barrier3A_43 = arith.constant 0 : index
    tpu.barrier barrier_id(%barrier3A_43)
    %add3A_44 = arith.constant 2 : i32
    %add3A_45 = arith.addi %add3A_44, %arg0 : i32
    %mul3A_46 = arith.constant 632 : i32
    %mul3A_47 = arith.muli %arg1, %mul3A_46 : i32
    %add3A_48 = arith.constant 0 : i32
    %add3A_49 = arith.addi %mul3A_47, %add3A_48 : i32
    "tpu.region"() ({
      %run_scoped3A = tpu.sem_alloc : memref<!tpu.dma_semaphore, #tpu.memory_space<semaphore_mem>>
      %dma_start3A_86 = arith.constant 0 : i32
      %dma_start3A_87 = tpu.memref_slice %arg11[%add3A_49, %dma_start3A_86] : memref<10112x64xf32, #tpu.memory_space<vmem_shared>> -> memref<158x64xf32, #tpu.memory_space<vmem_shared>>
      %dma_start3A_88 = arith.constant 0 : i32
      %dma_start3A_89 = tpu.memref_slice %arg11[%add3A_49, %dma_start3A_88] : memref<10112x64xf32, #tpu.memory_space<vmem_shared>> -> memref<158x64xf32, #tpu.memory_space<vmem_shared>>
      tpu.enqueue_dma source(%arg10 : memref<158x64xf32, #tpu.memory_space<vmem>>) target(%dma_start3A_89 : memref<158x64xf32, #tpu.memory_space<vmem_shared>>) target_semaphore(%run_scoped3A : memref<!tpu.dma_semaphore, #tpu.memory_space<semaphore_mem>>)
      %dma_wait3A = arith.constant 0 : i32
      %dma_wait3A_90 = tpu.memref_slice %arg11[%add3A_49, %dma_wait3A] : memref<10112x64xf32, #tpu.memory_space<vmem_shared>> -> memref<158x64xf32, #tpu.memory_space<vmem_shared>>
      %dma_wait3A_91 = arith.constant 0 : i32
      %dma_wait3A_92 = tpu.memref_slice %arg11[%add3A_49, %dma_wait3A_91] : memref<10112x64xf32, #tpu.memory_space<vmem_shared>> -> memref<158x64xf32, #tpu.memory_space<vmem_shared>>
      tpu.wait_dma2 semaphore(%run_scoped3A : memref<!tpu.dma_semaphore, #tpu.memory_space<semaphore_mem>>) src(%arg10 : memref<158x64xf32, #tpu.memory_space<vmem>>) dst(%dma_wait3A_92 : memref<158x64xf32, #tpu.memory_space<vmem_shared>>)
      tpu.yield
    }) : () -> ()
    %mul3A_50 = arith.constant 632 : i32
    %mul3A_51 = arith.muli %arg1, %mul3A_50 : i32
    %add3A_52 = arith.constant 158 : i32
    %add3A_53 = arith.addi %mul3A_51, %add3A_52 : i32
    "tpu.region"() ({
      %run_scoped3A = tpu.sem_alloc : memref<!tpu.dma_semaphore, #tpu.memory_space<semaphore_mem>>
      %dma_start3A_86 = arith.constant 0 : i32
      %dma_start3A_87 = tpu.memref_slice %arg11[%add3A_53, %dma_start3A_86] : memref<10112x64xf32, #tpu.memory_space<vmem_shared>> -> memref<158x64xf32, #tpu.memory_space<vmem_shared>>
      %dma_start3A_88 = arith.constant 0 : i32
      %dma_start3A_89 = tpu.memref_slice %arg11[%add3A_53, %dma_start3A_88] : memref<10112x64xf32, #tpu.memory_space<vmem_shared>> -> memref<158x64xf32, #tpu.memory_space<vmem_shared>>
      tpu.enqueue_dma source(%arg10 : memref<158x64xf32, #tpu.memory_space<vmem>>) target(%dma_start3A_89 : memref<158x64xf32, #tpu.memory_space<vmem_shared>>) target_semaphore(%run_scoped3A : memref<!tpu.dma_semaphore, #tpu.memory_space<semaphore_mem>>)
      %dma_wait3A = arith.constant 0 : i32
      %dma_wait3A_90 = tpu.memref_slice %arg11[%add3A_53, %dma_wait3A] : memref<10112x64xf32, #tpu.memory_space<vmem_shared>> -> memref<158x64xf32, #tpu.memory_space<vmem_shared>>
      %dma_wait3A_91 = arith.constant 0 : i32
      %dma_wait3A_92 = tpu.memref_slice %arg11[%add3A_53, %dma_wait3A_91] : memref<10112x64xf32, #tpu.memory_space<vmem_shared>> -> memref<158x64xf32, #tpu.memory_space<vmem_shared>>
      tpu.wait_dma2 semaphore(%run_scoped3A : memref<!tpu.dma_semaphore, #tpu.memory_space<semaphore_mem>>) src(%arg10 : memref<158x64xf32, #tpu.memory_space<vmem>>) dst(%dma_wait3A_92 : memref<158x64xf32, #tpu.memory_space<vmem_shared>>)
      tpu.yield
    }) : () -> ()
    %mul3A_54 = arith.constant 632 : i32
    %mul3A_55 = arith.muli %arg1, %mul3A_54 : i32
    %add3A_56 = arith.constant 316 : i32
    %add3A_57 = arith.addi %mul3A_55, %add3A_56 : i32
    "tpu.region"() ({
      %run_scoped3A = tpu.sem_alloc : memref<!tpu.dma_semaphore, #tpu.memory_space<semaphore_mem>>
      %dma_start3A_86 = arith.constant 0 : i32
      %dma_start3A_87 = tpu.memref_slice %arg11[%add3A_57, %dma_start3A_86] : memref<10112x64xf32, #tpu.memory_space<vmem_shared>> -> memref<158x64xf32, #tpu.memory_space<vmem_shared>>
      %dma_start3A_88 = arith.constant 0 : i32
      %dma_start3A_89 = tpu.memref_slice %arg11[%add3A_57, %dma_start3A_88] : memref<10112x64xf32, #tpu.memory_space<vmem_shared>> -> memref<158x64xf32, #tpu.memory_space<vmem_shared>>
      tpu.enqueue_dma source(%arg10 : memref<158x64xf32, #tpu.memory_space<vmem>>) target(%dma_start3A_89 : memref<158x64xf32, #tpu.memory_space<vmem_shared>>) target_semaphore(%run_scoped3A : memref<!tpu.dma_semaphore, #tpu.memory_space<semaphore_mem>>)
      %dma_wait3A = arith.constant 0 : i32
      %dma_wait3A_90 = tpu.memref_slice %arg11[%add3A_57, %dma_wait3A] : memref<10112x64xf32, #tpu.memory_space<vmem_shared>> -> memref<158x64xf32, #tpu.memory_space<vmem_shared>>
      %dma_wait3A_91 = arith.constant 0 : i32
      %dma_wait3A_92 = tpu.memref_slice %arg11[%add3A_57, %dma_wait3A_91] : memref<10112x64xf32, #tpu.memory_space<vmem_shared>> -> memref<158x64xf32, #tpu.memory_space<vmem_shared>>
      tpu.wait_dma2 semaphore(%run_scoped3A : memref<!tpu.dma_semaphore, #tpu.memory_space<semaphore_mem>>) src(%arg10 : memref<158x64xf32, #tpu.memory_space<vmem>>) dst(%dma_wait3A_92 : memref<158x64xf32, #tpu.memory_space<vmem_shared>>)
      tpu.yield
    }) : () -> ()
    %mul3A_58 = arith.constant 632 : i32
    %mul3A_59 = arith.muli %arg1, %mul3A_58 : i32
    %add3A_60 = arith.constant 474 : i32
    %add3A_61 = arith.addi %mul3A_59, %add3A_60 : i32
    "tpu.region"() ({
      %run_scoped3A = tpu.sem_alloc : memref<!tpu.dma_semaphore, #tpu.memory_space<semaphore_mem>>
      %dma_start3A_86 = arith.constant 0 : i32
      %dma_start3A_87 = tpu.memref_slice %arg11[%add3A_61, %dma_start3A_86] : memref<10112x64xf32, #tpu.memory_space<vmem_shared>> -> memref<158x64xf32, #tpu.memory_space<vmem_shared>>
      %dma_start3A_88 = arith.constant 0 : i32
      %dma_start3A_89 = tpu.memref_slice %arg11[%add3A_61, %dma_start3A_88] : memref<10112x64xf32, #tpu.memory_space<vmem_shared>> -> memref<158x64xf32, #tpu.memory_space<vmem_shared>>
      tpu.enqueue_dma source(%arg10 : memref<158x64xf32, #tpu.memory_space<vmem>>) target(%dma_start3A_89 : memref<158x64xf32, #tpu.memory_space<vmem_shared>>) target_semaphore(%run_scoped3A : memref<!tpu.dma_semaphore, #tpu.memory_space<semaphore_mem>>)
      %dma_wait3A = arith.constant 0 : i32
      %dma_wait3A_90 = tpu.memref_slice %arg11[%add3A_61, %dma_wait3A] : memref<10112x64xf32, #tpu.memory_space<vmem_shared>> -> memref<158x64xf32, #tpu.memory_space<vmem_shared>>
      %dma_wait3A_91 = arith.constant 0 : i32
      %dma_wait3A_92 = tpu.memref_slice %arg11[%add3A_61, %dma_wait3A_91] : memref<10112x64xf32, #tpu.memory_space<vmem_shared>> -> memref<158x64xf32, #tpu.memory_space<vmem_shared>>
      tpu.wait_dma2 semaphore(%run_scoped3A : memref<!tpu.dma_semaphore, #tpu.memory_space<semaphore_mem>>) src(%arg10 : memref<158x64xf32, #tpu.memory_space<vmem>>) dst(%dma_wait3A_92 : memref<158x64xf32, #tpu.memory_space<vmem_shared>>)
      tpu.yield
    }) : () -> ()
    "tpu.region"() ({
      %run_scoped3A = tpu.sem_alloc : memref<!tpu.dma_semaphore, #tpu.memory_space<semaphore_mem>>
      %dma_start3A_86 = arith.constant 0 : i32
      %dma_start3A_87 = arith.constant 0 : i32
      %dma_start3A_88 = tpu.memref_slice %arg2[%add3A_45, %arg1, %dma_start3A_86, %dma_start3A_87] : memref<4x16x158x128xi32, #tpu.memory_space<hbm>> -> memref<1x1x158x128xi32, #tpu.memory_space<hbm>>
      %dma_start3A_89 = tpu.memref_squeeze %dma_start3A_88 : memref<1x1x158x128xi32, #tpu.memory_space<hbm>> -> memref<158x128xi32, #tpu.memory_space<hbm>>
      %dma_start3A_90 = arith.constant 0 : i32
      %dma_start3A_91 = arith.constant 0 : i32
      %dma_start3A_92 = tpu.memref_slice %arg2[%add3A_45, %arg1, %dma_start3A_90, %dma_start3A_91] : memref<4x16x158x128xi32, #tpu.memory_space<hbm>> -> memref<1x1x158x128xi32, #tpu.memory_space<hbm>>
      %dma_start3A_93 = tpu.memref_squeeze %dma_start3A_92 : memref<1x1x158x128xi32, #tpu.memory_space<hbm>> -> memref<158x128xi32, #tpu.memory_space<hbm>>
      tpu.enqueue_dma source(%dma_start3A_93 : memref<158x128xi32, #tpu.memory_space<hbm>>) target(%arg6 : memref<158x128xi32, #tpu.memory_space<vmem>>) target_semaphore(%run_scoped3A : memref<!tpu.dma_semaphore, #tpu.memory_space<semaphore_mem>>)
      %dma_wait3A = arith.constant 0 : i32
      %dma_wait3A_94 = arith.constant 0 : i32
      %dma_wait3A_95 = tpu.memref_slice %arg2[%add3A_45, %arg1, %dma_wait3A, %dma_wait3A_94] : memref<4x16x158x128xi32, #tpu.memory_space<hbm>> -> memref<1x1x158x128xi32, #tpu.memory_space<hbm>>
      %dma_wait3A_96 = tpu.memref_squeeze %dma_wait3A_95 : memref<1x1x158x128xi32, #tpu.memory_space<hbm>> -> memref<158x128xi32, #tpu.memory_space<hbm>>
      %dma_wait3A_97 = arith.constant 0 : i32
      %dma_wait3A_98 = arith.constant 0 : i32
      %dma_wait3A_99 = tpu.memref_slice %arg2[%add3A_45, %arg1, %dma_wait3A_97, %dma_wait3A_98] : memref<4x16x158x128xi32, #tpu.memory_space<hbm>> -> memref<1x1x158x128xi32, #tpu.memory_space<hbm>>
      %dma_wait3A_100 = tpu.memref_squeeze %dma_wait3A_99 : memref<1x1x158x128xi32, #tpu.memory_space<hbm>> -> memref<158x128xi32, #tpu.memory_space<hbm>>
      tpu.wait_dma2 semaphore(%run_scoped3A : memref<!tpu.dma_semaphore, #tpu.memory_space<semaphore_mem>>) src(%dma_wait3A_100 : memref<158x128xi32, #tpu.memory_space<hbm>>) dst(%arg6 : memref<158x128xi32, #tpu.memory_space<vmem>>)
      tpu.yield
    }) : () -> ()
    %barrier3A_62 = arith.constant 0 : index
    tpu.barrier barrier_id(%barrier3A_62)
    %dma_start3A_63 = arith.constant 0 : i32
    %dma_start3A_64 = arith.constant 0 : i32
    %dma_start3A_65 = tpu.memref_slice %arg6[%dma_start3A_63, %dma_start3A_64] : memref<158x128xi32, #tpu.memory_space<vmem>> -> memref<1x128xi32, #tpu.memory_space<vmem>>
    %dma_start3A_66 = tpu.memref_squeeze %dma_start3A_65 : memref<1x128xi32, #tpu.memory_space<vmem>> -> memref<128xi32, #tpu.memory_space<vmem>>
    %dma_start3A_67 = arith.constant 0 : i32
    %dma_start3A_68 = arith.constant 0 : i32
    %dma_start3A_69 = tpu.memref_slice %arg4[%dma_start3A_67, %dma_start3A_68] : memref<40000x64xf32, #tpu.memory_space<hbm>> -> memref<40000x64xf32, #tpu.memory_space<hbm>>
    tpu.enqueue_indirect_dma source(%dma_start3A_69 : memref<40000x64xf32, #tpu.memory_space<hbm>>) target(%arg8 : memref<128x64xf32, #tpu.memory_space<vmem>>) offsets(%dma_start3A_66 : memref<128xi32, #tpu.memory_space<vmem>>) semaphore(%arg12 : memref<!tpu.dma_semaphore, #tpu.memory_space<semaphore_mem>>)
    %scan3A_70 = arith.constant 0 : i32
    %scan3A_71 = arith.constant 0 : i32
    %scan3A_72 = arith.constant 79 : i32
    %scan3A_73 = arith.addi %scan3A_71, %scan3A_72 : i32
    %scan3A_74 = arith.constant 1 : i32
    %scan3A_75 = scf.for %scan3A_86 = %scan3A_71 to %scan3A_73 step %scan3A_74 iter_args(%scan3A_87 = %scan3A_70) -> (i32)  : i32 {
      %mul3A_88 = arith.constant 2 : i32
      %mul3A_89 = arith.muli %mul3A_88, %scan3A_86 : i32
      %mul3A_90 = arith.constant 2 : i32
      %mul3A_91 = arith.muli %mul3A_90, %scan3A_86 : i32
      %add3A_92 = arith.constant 1 : i32
      %add3A_93 = arith.addi %mul3A_91, %add3A_92 : i32
      %dma_wait3A = arith.constant 0 : i32
      %dma_wait3A_94 = tpu.memref_slice %arg6[%mul3A_89, %dma_wait3A] : memref<158x128xi32, #tpu.memory_space<vmem>> -> memref<1x128xi32, #tpu.memory_space<vmem>>
      %dma_wait3A_95 = tpu.memref_squeeze %dma_wait3A_94 : memref<1x128xi32, #tpu.memory_space<vmem>> -> memref<128xi32, #tpu.memory_space<vmem>>
      %dma_wait3A_96 = arith.constant 0 : i32
      %dma_wait3A_97 = arith.constant 0 : i32
      %dma_wait3A_98 = tpu.memref_slice %arg4[%dma_wait3A_96, %dma_wait3A_97] : memref<40000x64xf32, #tpu.memory_space<hbm>> -> memref<40000x64xf32, #tpu.memory_space<hbm>>
      tpu.wait_indirect_dma semaphore(%arg12 : memref<!tpu.dma_semaphore, #tpu.memory_space<semaphore_mem>>) src(%dma_wait3A_98 : memref<40000x64xf32, #tpu.memory_space<hbm>>) dst(%arg8 : memref<128x64xf32, #tpu.memory_space<vmem>>)
      %dma_start3A_99 = arith.constant 0 : i32
      %dma_start3A_100 = tpu.memref_slice %arg6[%add3A_93, %dma_start3A_99] : memref<158x128xi32, #tpu.memory_space<vmem>> -> memref<1x128xi32, #tpu.memory_space<vmem>>
      %dma_start3A_101 = tpu.memref_squeeze %dma_start3A_100 : memref<1x128xi32, #tpu.memory_space<vmem>> -> memref<128xi32, #tpu.memory_space<vmem>>
      %dma_start3A_102 = arith.constant 0 : i32
      %dma_start3A_103 = arith.constant 0 : i32
      %dma_start3A_104 = tpu.memref_slice %arg4[%dma_start3A_102, %dma_start3A_103] : memref<40000x64xf32, #tpu.memory_space<hbm>> -> memref<40000x64xf32, #tpu.memory_space<hbm>>
      tpu.enqueue_indirect_dma source(%dma_start3A_104 : memref<40000x64xf32, #tpu.memory_space<hbm>>) target(%arg9 : memref<128x64xf32, #tpu.memory_space<vmem>>) offsets(%dma_start3A_101 : memref<128xi32, #tpu.memory_space<vmem>>) semaphore(%arg13 : memref<!tpu.dma_semaphore, #tpu.memory_space<semaphore_mem>>)
      "tpu.region"() ({
        %run_scoped3A = tpu.sem_alloc : memref<!tpu.dma_semaphore, #tpu.memory_space<semaphore_mem>>
        %dma_start3A_116 = arith.constant 0 : i32
        %dma_start3A_117 = tpu.memref_slice %arg7[%mul3A_89, %dma_start3A_116] : memref<158x128xi32, #tpu.memory_space<vmem>> -> memref<1x128xi32, #tpu.memory_space<vmem>>
        %dma_start3A_118 = tpu.memref_squeeze %dma_start3A_117 : memref<1x128xi32, #tpu.memory_space<vmem>> -> memref<128xi32, #tpu.memory_space<vmem>>
        %dma_start3A_119 = arith.constant 0 : i32
        %dma_start3A_120 = arith.constant 0 : i32
        %dma_start3A_121 = tpu.memref_slice %arg11[%dma_start3A_119, %dma_start3A_120] : memref<10112x64xf32, #tpu.memory_space<vmem_shared>> -> memref<10112x64xf32, #tpu.memory_space<vmem_shared>>
        tpu.enqueue_indirect_dma source(%arg8 : memref<128x64xf32, #tpu.memory_space<vmem>>) target(%dma_start3A_121 : memref<10112x64xf32, #tpu.memory_space<vmem_shared>>) offsets(%dma_start3A_118 : memref<128xi32, #tpu.memory_space<vmem>>) semaphore(%run_scoped3A : memref<!tpu.dma_semaphore, #tpu.memory_space<semaphore_mem>>) {add = true}
        %dma_wait3A_122 = arith.constant 0 : i32
        %dma_wait3A_123 = tpu.memref_slice %arg7[%mul3A_89, %dma_wait3A_122] : memref<158x128xi32, #tpu.memory_space<vmem>> -> memref<1x128xi32, #tpu.memory_space<vmem>>
        %dma_wait3A_124 = tpu.memref_squeeze %dma_wait3A_123 : memref<1x128xi32, #tpu.memory_space<vmem>> -> memref<128xi32, #tpu.memory_space<vmem>>
        %dma_wait3A_125 = arith.constant 0 : i32
        %dma_wait3A_126 = arith.constant 0 : i32
        %dma_wait3A_127 = tpu.memref_slice %arg11[%dma_wait3A_125, %dma_wait3A_126] : memref<10112x64xf32, #tpu.memory_space<vmem_shared>> -> memref<10112x64xf32, #tpu.memory_space<vmem_shared>>
        tpu.wait_indirect_dma semaphore(%run_scoped3A : memref<!tpu.dma_semaphore, #tpu.memory_space<semaphore_mem>>) src(%arg8 : memref<128x64xf32, #tpu.memory_space<vmem>>) dst(%dma_wait3A_127 : memref<10112x64xf32, #tpu.memory_space<vmem_shared>>)
        tpu.yield
      }) : () -> ()
      %dma_wait3A_105 = arith.constant 0 : i32
      %dma_wait3A_106 = tpu.memref_slice %arg6[%add3A_93, %dma_wait3A_105] : memref<158x128xi32, #tpu.memory_space<vmem>> -> memref<1x128xi32, #tpu.memory_space<vmem>>
      %dma_wait3A_107 = tpu.memref_squeeze %dma_wait3A_106 : memref<1x128xi32, #tpu.memory_space<vmem>> -> memref<128xi32, #tpu.memory_space<vmem>>
      %dma_wait3A_108 = arith.constant 0 : i32
      %dma_wait3A_109 = arith.constant 0 : i32
      %dma_wait3A_110 = tpu.memref_slice %arg4[%dma_wait3A_108, %dma_wait3A_109] : memref<40000x64xf32, #tpu.memory_space<hbm>> -> memref<40000x64xf32, #tpu.memory_space<hbm>>
      tpu.wait_indirect_dma semaphore(%arg13 : memref<!tpu.dma_semaphore, #tpu.memory_space<semaphore_mem>>) src(%dma_wait3A_110 : memref<40000x64xf32, #tpu.memory_space<hbm>>) dst(%arg9 : memref<128x64xf32, #tpu.memory_space<vmem>>)
      %add3A_111 = arith.constant 1 : i32
      %add3A_112 = arith.addi %scan3A_86, %add3A_111 : i32
      %lt3A = arith.constant 79 : i32
      %lt3A_113 = arith.cmpi slt, %add3A_112, %lt3A : i32
      %convert_element_type3A = arith.extui %lt3A_113 : i1 to i32
      %cond3A = arith.constant 0 : i32
      %cond3A_114 = arith.cmpi ne, %convert_element_type3A, %cond3A : i32
      scf.if %cond3A_114 {
        %add3A_116 = arith.constant 2 : i32
        %add3A_117 = arith.addi %mul3A_89, %add3A_116 : i32
        %dma_start3A_118 = arith.constant 0 : i32
        %dma_start3A_119 = tpu.memref_slice %arg6[%add3A_117, %dma_start3A_118] : memref<158x128xi32, #tpu.memory_space<vmem>> -> memref<1x128xi32, #tpu.memory_space<vmem>>
        %dma_start3A_120 = tpu.memref_squeeze %dma_start3A_119 : memref<1x128xi32, #tpu.memory_space<vmem>> -> memref<128xi32, #tpu.memory_space<vmem>>
        %dma_start3A_121 = arith.constant 0 : i32
        %dma_start3A_122 = arith.constant 0 : i32
        %dma_start3A_123 = tpu.memref_slice %arg4[%dma_start3A_121, %dma_start3A_122] : memref<40000x64xf32, #tpu.memory_space<hbm>> -> memref<40000x64xf32, #tpu.memory_space<hbm>>
        tpu.enqueue_indirect_dma source(%dma_start3A_123 : memref<40000x64xf32, #tpu.memory_space<hbm>>) target(%arg8 : memref<128x64xf32, #tpu.memory_space<vmem>>) offsets(%dma_start3A_120 : memref<128xi32, #tpu.memory_space<vmem>>) semaphore(%arg12 : memref<!tpu.dma_semaphore, #tpu.memory_space<semaphore_mem>>)
      } else {
      }
      "tpu.region"() ({
        %run_scoped3A = tpu.sem_alloc : memref<!tpu.dma_semaphore, #tpu.memory_space<semaphore_mem>>
        %dma_start3A_116 = arith.constant 0 : i32
        %dma_start3A_117 = tpu.memref_slice %arg7[%add3A_93, %dma_start3A_116] : memref<158x128xi32, #tpu.memory_space<vmem>> -> memref<1x128xi32, #tpu.memory_space<vmem>>
        %dma_start3A_118 = tpu.memref_squeeze %dma_start3A_117 : memref<1x128xi32, #tpu.memory_space<vmem>> -> memref<128xi32, #tpu.memory_space<vmem>>
        %dma_start3A_119 = arith.constant 0 : i32
        %dma_start3A_120 = arith.constant 0 : i32
        %dma_start3A_121 = tpu.memref_slice %arg11[%dma_start3A_119, %dma_start3A_120] : memref<10112x64xf32, #tpu.memory_space<vmem_shared>> -> memref<10112x64xf32, #tpu.memory_space<vmem_shared>>
        tpu.enqueue_indirect_dma source(%arg9 : memref<128x64xf32, #tpu.memory_space<vmem>>) target(%dma_start3A_121 : memref<10112x64xf32, #tpu.memory_space<vmem_shared>>) offsets(%dma_start3A_118 : memref<128xi32, #tpu.memory_space<vmem>>) semaphore(%run_scoped3A : memref<!tpu.dma_semaphore, #tpu.memory_space<semaphore_mem>>) {add = true}
        %dma_wait3A_122 = arith.constant 0 : i32
        %dma_wait3A_123 = tpu.memref_slice %arg7[%add3A_93, %dma_wait3A_122] : memref<158x128xi32, #tpu.memory_space<vmem>> -> memref<1x128xi32, #tpu.memory_space<vmem>>
        %dma_wait3A_124 = tpu.memref_squeeze %dma_wait3A_123 : memref<1x128xi32, #tpu.memory_space<vmem>> -> memref<128xi32, #tpu.memory_space<vmem>>
        %dma_wait3A_125 = arith.constant 0 : i32
        %dma_wait3A_126 = arith.constant 0 : i32
        %dma_wait3A_127 = tpu.memref_slice %arg11[%dma_wait3A_125, %dma_wait3A_126] : memref<10112x64xf32, #tpu.memory_space<vmem_shared>> -> memref<10112x64xf32, #tpu.memory_space<vmem_shared>>
        tpu.wait_indirect_dma semaphore(%run_scoped3A : memref<!tpu.dma_semaphore, #tpu.memory_space<semaphore_mem>>) src(%arg9 : memref<128x64xf32, #tpu.memory_space<vmem>>) dst(%dma_wait3A_127 : memref<10112x64xf32, #tpu.memory_space<vmem_shared>>)
        tpu.yield
      }) : () -> ()
      %scan3A_115 = arith.constant 0 : i32
      scf.yield %scan3A_115 : i32
    }
    %scan3A_76 = arith.constant 79 : i32
    %barrier3A_77 = arith.constant 0 : index
    tpu.barrier barrier_id(%barrier3A_77)
    %mul3A_78 = arith.constant 632 : i32
    %mul3A_79 = arith.muli %arg1, %mul3A_78 : i32
    %mul3A_80 = arith.constant 10112 : i32
    %mul3A_81 = arith.muli %add3A_45, %mul3A_80 : i32
    %mul3A_82 = arith.constant 632 : i32
    %mul3A_83 = arith.muli %arg1, %mul3A_82 : i32
    %add3A_84 = arith.addi %mul3A_81, %mul3A_83 : i32
    "tpu.region"() ({
      %run_scoped3A = tpu.sem_alloc : memref<!tpu.dma_semaphore, #tpu.memory_space<semaphore_mem>>
      %dma_start3A_86 = arith.constant 0 : i32
      %dma_start3A_87 = tpu.memref_slice %arg5[%add3A_84, %dma_start3A_86] : memref<40448x64xf32, #tpu.memory_space<hbm>> -> memref<632x64xf32, #tpu.memory_space<hbm>>
      %dma_start3A_88 = arith.constant 0 : i32
      %dma_start3A_89 = tpu.memref_slice %arg11[%mul3A_79, %dma_start3A_88] : memref<10112x64xf32, #tpu.memory_space<vmem_shared>> -> memref<632x64xf32, #tpu.memory_space<vmem_shared>>
      tpu.enqueue_dma source(%dma_start3A_89 : memref<632x64xf32, #tpu.memory_space<vmem_shared>>) target(%dma_start3A_87 : memref<632x64xf32, #tpu.memory_space<hbm>>) target_semaphore(%run_scoped3A : memref<!tpu.dma_semaphore, #tpu.memory_space<semaphore_mem>>)
      %dma_wait3A = arith.constant 0 : i32
      %dma_wait3A_90 = tpu.memref_slice %arg5[%add3A_84, %dma_wait3A] : memref<40448x64xf32, #tpu.memory_space<hbm>> -> memref<632x64xf32, #tpu.memory_space<hbm>>
      %dma_wait3A_91 = arith.constant 0 : i32
      %dma_wait3A_92 = tpu.memref_slice %arg11[%mul3A_79, %dma_wait3A_91] : memref<10112x64xf32, #tpu.memory_space<vmem_shared>> -> memref<632x64xf32, #tpu.memory_space<vmem_shared>>
      tpu.wait_dma2 semaphore(%run_scoped3A : memref<!tpu.dma_semaphore, #tpu.memory_space<semaphore_mem>>) src(%dma_wait3A_92 : memref<632x64xf32, #tpu.memory_space<vmem_shared>>) dst(%dma_wait3A_90 : memref<632x64xf32, #tpu.memory_space<hbm>>)
      tpu.yield
    }) : () -> ()
    %barrier3A_85 = arith.constant 0 : index
    tpu.barrier barrier_id(%barrier3A_85)
    return
  }
}

#map = affine_map<(d0, d1) -> (0, 0, 0, 0)>
#map1 = affine_map<(d0, d1) -> (0, 0, 0)>
#map2 = affine_map<(d0, d1) -> (0, 0)>
module attributes {stable_mosaic.version = 14 : i64} {
  func.func @agg(%arg0: i32, %arg1: i32, %arg2: memref<4x16x158x128xi32, #tpu.memory_space<hbm>>, %arg3: memref<16x158x128xi32, #tpu.memory_space<hbm>>, %arg4: memref<20000x32xf32, #tpu.memory_space<hbm>>, %arg5: memref<20224x32xf32, #tpu.memory_space<hbm>>, %arg6: memref<158x128xi32, #tpu.memory_space<vmem>>, %arg7: memref<158x128xi32, #tpu.memory_space<vmem>>, %arg8: memref<128x32xf32, #tpu.memory_space<vmem>>, %arg9: memref<128x32xf32, #tpu.memory_space<vmem>>, %arg10: memref<158x32xf32, #tpu.memory_space<vmem>>, %arg11: memref<10112x32xf32, #tpu.memory_space<vmem_shared>>, %arg12: memref<!tpu.dma_semaphore, #tpu.memory_space<semaphore_mem>>, %arg13: memref<!tpu.dma_semaphore, #tpu.memory_space<semaphore_mem>>) attributes {dimension_semantics = [#tpu.dimension_semantics<core_parallel>, #tpu.dimension_semantics<subcore_parallel>], iteration_bounds = array<i64: 2, 16>, scalar_prefetch = 0 : i64, scratch_operands = 8 : i64, tpu.core_type = #tpu.core_type<sc_vector_subcore>, window_params = [{transform_indices = #map}, {transform_indices = #map1}, {transform_indices = #map2}, {transform_indices = #map2}]} {
    %scan3A = arith.constant 0 : i32
    %scan3A_0 = arith.constant 0 : i32
    %scan3A_1 = arith.constant 158 : i32
    %scan3A_2 = arith.addi %scan3A_0, %scan3A_1 : i32
    %scan3A_3 = arith.constant 1 : i32
    %scan3A_4 = scf.for %scan3A_44 = %scan3A_0 to %scan3A_2 step %scan3A_3 iter_args(%scan3A_45 = %scan3A) -> (i32)  : i32 {
      %broadcast_in_dim3A = arith.constant 0.000000e+00 : f32
      %broadcast_in_dim3A_46 = vector.broadcast %broadcast_in_dim3A : f32 to vector<16xf32>
      %swap3A = arith.index_cast %scan3A_44 : i32 to index
      %swap3A_47 = arith.constant 0 : index
      %swap3A_48 = tpu.vector_load %arg10[%swap3A, %swap3A_47] {strides = array<i32>} : memref<158x32xf32, #tpu.memory_space<vmem>>, vector<1x16xf32>,
      %swap3A_49 = vector.shape_cast %swap3A_48 : vector<1x16xf32> to vector<16xf32>
      %swap3A_50 = vector.shape_cast %broadcast_in_dim3A_46 : vector<16xf32> to vector<1x16xf32>
      tpu.vector_store %arg10[%swap3A, %swap3A_47], %swap3A_50 {strides = array<i32>} : memref<158x32xf32, #tpu.memory_space<vmem>>, vector<1x16xf32>,
      %broadcast_in_dim3A_51 = arith.constant 0.000000e+00 : f32
      %broadcast_in_dim3A_52 = vector.broadcast %broadcast_in_dim3A_51 : f32 to vector<16xf32>
      %swap3A_53 = arith.index_cast %scan3A_44 : i32 to index
      %swap3A_54 = arith.constant 16 : index
      %swap3A_55 = tpu.vector_load %arg10[%swap3A_53, %swap3A_54] {strides = array<i32>} : memref<158x32xf32, #tpu.memory_space<vmem>>, vector<1x16xf32>,
      %swap3A_56 = vector.shape_cast %swap3A_55 : vector<1x16xf32> to vector<16xf32>
      %swap3A_57 = vector.shape_cast %broadcast_in_dim3A_52 : vector<16xf32> to vector<1x16xf32>
      tpu.vector_store %arg10[%swap3A_53, %swap3A_54], %swap3A_57 {strides = array<i32>} : memref<158x32xf32, #tpu.memory_space<vmem>>, vector<1x16xf32>,
      %scan3A_58 = arith.constant 0 : i32
      scf.yield %scan3A_58 : i32
    }
    %scan3A_5 = arith.constant 158 : i32
    "tpu.region"() ({
      %run_scoped3A = tpu.sem_alloc : memref<!tpu.dma_semaphore, #tpu.memory_space<semaphore_mem>>
      %dma_start3A_44 = arith.constant 0 : i32
      %dma_start3A_45 = arith.constant 0 : i32
      %dma_start3A_46 = tpu.memref_slice %arg3[%arg1, %dma_start3A_44, %dma_start3A_45] : memref<16x158x128xi32, #tpu.memory_space<hbm>> -> memref<1x158x128xi32, #tpu.memory_space<hbm>>
      %dma_start3A_47 = tpu.memref_squeeze %dma_start3A_46 : memref<1x158x128xi32, #tpu.memory_space<hbm>> -> memref<158x128xi32, #tpu.memory_space<hbm>>
      %dma_start3A_48 = arith.constant 0 : i32
      %dma_start3A_49 = arith.constant 0 : i32
      %dma_start3A_50 = tpu.memref_slice %arg3[%arg1, %dma_start3A_48, %dma_start3A_49] : memref<16x158x128xi32, #tpu.memory_space<hbm>> -> memref<1x158x128xi32, #tpu.memory_space<hbm>>
      %dma_start3A_51 = tpu.memref_squeeze %dma_start3A_50 : memref<1x158x128xi32, #tpu.memory_space<hbm>> -> memref<158x128xi32, #tpu.memory_space<hbm>>
      tpu.enqueue_dma source(%dma_start3A_51 : memref<158x128xi32, #tpu.memory_space<hbm>>) target(%arg7 : memref<158x128xi32, #tpu.memory_space<vmem>>) target_semaphore(%run_scoped3A : memref<!tpu.dma_semaphore, #tpu.memory_space<semaphore_mem>>)
      %dma_wait3A = arith.constant 0 : i32
      %dma_wait3A_52 = arith.constant 0 : i32
      %dma_wait3A_53 = tpu.memref_slice %arg3[%arg1, %dma_wait3A, %dma_wait3A_52] : memref<16x158x128xi32, #tpu.memory_space<hbm>> -> memref<1x158x128xi32, #tpu.memory_space<hbm>>
      %dma_wait3A_54 = tpu.memref_squeeze %dma_wait3A_53 : memref<1x158x128xi32, #tpu.memory_space<hbm>> -> memref<158x128xi32, #tpu.memory_space<hbm>>
      %dma_wait3A_55 = arith.constant 0 : i32
      %dma_wait3A_56 = arith.constant 0 : i32
      %dma_wait3A_57 = tpu.memref_slice %arg3[%arg1, %dma_wait3A_55, %dma_wait3A_56] : memref<16x158x128xi32, #tpu.memory_space<hbm>> -> memref<1x158x128xi32, #tpu.memory_space<hbm>>
      %dma_wait3A_58 = tpu.memref_squeeze %dma_wait3A_57 : memref<1x158x128xi32, #tpu.memory_space<hbm>> -> memref<158x128xi32, #tpu.memory_space<hbm>>
      tpu.wait_dma2 semaphore(%run_scoped3A : memref<!tpu.dma_semaphore, #tpu.memory_space<semaphore_mem>>) src(%dma_wait3A_58 : memref<158x128xi32, #tpu.memory_space<hbm>>) dst(%arg7 : memref<158x128xi32, #tpu.memory_space<vmem>>)
      tpu.yield
    }) : () -> ()
    %add3A = arith.constant 0 : i32
    %add3A_6 = arith.addi %add3A, %arg0 : i32
    %mul3A = arith.constant 632 : i32
    %mul3A_7 = arith.muli %arg1, %mul3A : i32
    %add3A_8 = arith.constant 0 : i32
    %add3A_9 = arith.addi %mul3A_7, %add3A_8 : i32
    "tpu.region"() ({
      %run_scoped3A = tpu.sem_alloc : memref<!tpu.dma_semaphore, #tpu.memory_space<semaphore_mem>>
      %dma_start3A_44 = arith.constant 0 : i32
      %dma_start3A_45 = tpu.memref_slice %arg11[%add3A_9, %dma_start3A_44] : memref<10112x32xf32, #tpu.memory_space<vmem_shared>> -> memref<158x32xf32, #tpu.memory_space<vmem_shared>>
      %dma_start3A_46 = arith.constant 0 : i32
      %dma_start3A_47 = tpu.memref_slice %arg11[%add3A_9, %dma_start3A_46] : memref<10112x32xf32, #tpu.memory_space<vmem_shared>> -> memref<158x32xf32, #tpu.memory_space<vmem_shared>>
      tpu.enqueue_dma source(%arg10 : memref<158x32xf32, #tpu.memory_space<vmem>>) target(%dma_start3A_47 : memref<158x32xf32, #tpu.memory_space<vmem_shared>>) target_semaphore(%run_scoped3A : memref<!tpu.dma_semaphore, #tpu.memory_space<semaphore_mem>>)
      %dma_wait3A = arith.constant 0 : i32
      %dma_wait3A_48 = tpu.memref_slice %arg11[%add3A_9, %dma_wait3A] : memref<10112x32xf32, #tpu.memory_space<vmem_shared>> -> memref<158x32xf32, #tpu.memory_space<vmem_shared>>
      %dma_wait3A_49 = arith.constant 0 : i32
      %dma_wait3A_50 = tpu.memref_slice %arg11[%add3A_9, %dma_wait3A_49] : memref<10112x32xf32, #tpu.memory_space<vmem_shared>> -> memref<158x32xf32, #tpu.memory_space<vmem_shared>>
      tpu.wait_dma2 semaphore(%run_scoped3A : memref<!tpu.dma_semaphore, #tpu.memory_space<semaphore_mem>>) src(%arg10 : memref<158x32xf32, #tpu.memory_space<vmem>>) dst(%dma_wait3A_50 : memref<158x32xf32, #tpu.memory_space<vmem_shared>>)
      tpu.yield
    }) : () -> ()
    %mul3A_10 = arith.constant 632 : i32
    %mul3A_11 = arith.muli %arg1, %mul3A_10 : i32
    %add3A_12 = arith.constant 158 : i32
    %add3A_13 = arith.addi %mul3A_11, %add3A_12 : i32
    "tpu.region"() ({
      %run_scoped3A = tpu.sem_alloc : memref<!tpu.dma_semaphore, #tpu.memory_space<semaphore_mem>>
      %dma_start3A_44 = arith.constant 0 : i32
      %dma_start3A_45 = tpu.memref_slice %arg11[%add3A_13, %dma_start3A_44] : memref<10112x32xf32, #tpu.memory_space<vmem_shared>> -> memref<158x32xf32, #tpu.memory_space<vmem_shared>>
      %dma_start3A_46 = arith.constant 0 : i32
      %dma_start3A_47 = tpu.memref_slice %arg11[%add3A_13, %dma_start3A_46] : memref<10112x32xf32, #tpu.memory_space<vmem_shared>> -> memref<158x32xf32, #tpu.memory_space<vmem_shared>>
      tpu.enqueue_dma source(%arg10 : memref<158x32xf32, #tpu.memory_space<vmem>>) target(%dma_start3A_47 : memref<158x32xf32, #tpu.memory_space<vmem_shared>>) target_semaphore(%run_scoped3A : memref<!tpu.dma_semaphore, #tpu.memory_space<semaphore_mem>>)
      %dma_wait3A = arith.constant 0 : i32
      %dma_wait3A_48 = tpu.memref_slice %arg11[%add3A_13, %dma_wait3A] : memref<10112x32xf32, #tpu.memory_space<vmem_shared>> -> memref<158x32xf32, #tpu.memory_space<vmem_shared>>
      %dma_wait3A_49 = arith.constant 0 : i32
      %dma_wait3A_50 = tpu.memref_slice %arg11[%add3A_13, %dma_wait3A_49] : memref<10112x32xf32, #tpu.memory_space<vmem_shared>> -> memref<158x32xf32, #tpu.memory_space<vmem_shared>>
      tpu.wait_dma2 semaphore(%run_scoped3A : memref<!tpu.dma_semaphore, #tpu.memory_space<semaphore_mem>>) src(%arg10 : memref<158x32xf32, #tpu.memory_space<vmem>>) dst(%dma_wait3A_50 : memref<158x32xf32, #tpu.memory_space<vmem_shared>>)
      tpu.yield
    }) : () -> ()
    %mul3A_14 = arith.constant 632 : i32
    %mul3A_15 = arith.muli %arg1, %mul3A_14 : i32
    %add3A_16 = arith.constant 316 : i32
    %add3A_17 = arith.addi %mul3A_15, %add3A_16 : i32
    "tpu.region"() ({
      %run_scoped3A = tpu.sem_alloc : memref<!tpu.dma_semaphore, #tpu.memory_space<semaphore_mem>>
      %dma_start3A_44 = arith.constant 0 : i32
      %dma_start3A_45 = tpu.memref_slice %arg11[%add3A_17, %dma_start3A_44] : memref<10112x32xf32, #tpu.memory_space<vmem_shared>> -> memref<158x32xf32, #tpu.memory_space<vmem_shared>>
      %dma_start3A_46 = arith.constant 0 : i32
      %dma_start3A_47 = tpu.memref_slice %arg11[%add3A_17, %dma_start3A_46] : memref<10112x32xf32, #tpu.memory_space<vmem_shared>> -> memref<158x32xf32, #tpu.memory_space<vmem_shared>>
      tpu.enqueue_dma source(%arg10 : memref<158x32xf32, #tpu.memory_space<vmem>>) target(%dma_start3A_47 : memref<158x32xf32, #tpu.memory_space<vmem_shared>>) target_semaphore(%run_scoped3A : memref<!tpu.dma_semaphore, #tpu.memory_space<semaphore_mem>>)
      %dma_wait3A = arith.constant 0 : i32
      %dma_wait3A_48 = tpu.memref_slice %arg11[%add3A_17, %dma_wait3A] : memref<10112x32xf32, #tpu.memory_space<vmem_shared>> -> memref<158x32xf32, #tpu.memory_space<vmem_shared>>
      %dma_wait3A_49 = arith.constant 0 : i32
      %dma_wait3A_50 = tpu.memref_slice %arg11[%add3A_17, %dma_wait3A_49] : memref<10112x32xf32, #tpu.memory_space<vmem_shared>> -> memref<158x32xf32, #tpu.memory_space<vmem_shared>>
      tpu.wait_dma2 semaphore(%run_scoped3A : memref<!tpu.dma_semaphore, #tpu.memory_space<semaphore_mem>>) src(%arg10 : memref<158x32xf32, #tpu.memory_space<vmem>>) dst(%dma_wait3A_50 : memref<158x32xf32, #tpu.memory_space<vmem_shared>>)
      tpu.yield
    }) : () -> ()
    %mul3A_18 = arith.constant 632 : i32
    %mul3A_19 = arith.muli %arg1, %mul3A_18 : i32
    %add3A_20 = arith.constant 474 : i32
    %add3A_21 = arith.addi %mul3A_19, %add3A_20 : i32
    "tpu.region"() ({
      %run_scoped3A = tpu.sem_alloc : memref<!tpu.dma_semaphore, #tpu.memory_space<semaphore_mem>>
      %dma_start3A_44 = arith.constant 0 : i32
      %dma_start3A_45 = tpu.memref_slice %arg11[%add3A_21, %dma_start3A_44] : memref<10112x32xf32, #tpu.memory_space<vmem_shared>> -> memref<158x32xf32, #tpu.memory_space<vmem_shared>>
      %dma_start3A_46 = arith.constant 0 : i32
      %dma_start3A_47 = tpu.memref_slice %arg11[%add3A_21, %dma_start3A_46] : memref<10112x32xf32, #tpu.memory_space<vmem_shared>> -> memref<158x32xf32, #tpu.memory_space<vmem_shared>>
      tpu.enqueue_dma source(%arg10 : memref<158x32xf32, #tpu.memory_space<vmem>>) target(%dma_start3A_47 : memref<158x32xf32, #tpu.memory_space<vmem_shared>>) target_semaphore(%run_scoped3A : memref<!tpu.dma_semaphore, #tpu.memory_space<semaphore_mem>>)
      %dma_wait3A = arith.constant 0 : i32
      %dma_wait3A_48 = tpu.memref_slice %arg11[%add3A_21, %dma_wait3A] : memref<10112x32xf32, #tpu.memory_space<vmem_shared>> -> memref<158x32xf32, #tpu.memory_space<vmem_shared>>
      %dma_wait3A_49 = arith.constant 0 : i32
      %dma_wait3A_50 = tpu.memref_slice %arg11[%add3A_21, %dma_wait3A_49] : memref<10112x32xf32, #tpu.memory_space<vmem_shared>> -> memref<158x32xf32, #tpu.memory_space<vmem_shared>>
      tpu.wait_dma2 semaphore(%run_scoped3A : memref<!tpu.dma_semaphore, #tpu.memory_space<semaphore_mem>>) src(%arg10 : memref<158x32xf32, #tpu.memory_space<vmem>>) dst(%dma_wait3A_50 : memref<158x32xf32, #tpu.memory_space<vmem_shared>>)
      tpu.yield
    }) : () -> ()
    "tpu.region"() ({
      %run_scoped3A = tpu.sem_alloc : memref<!tpu.dma_semaphore, #tpu.memory_space<semaphore_mem>>
      %dma_start3A_44 = arith.constant 0 : i32
      %dma_start3A_45 = arith.constant 0 : i32
      %dma_start3A_46 = tpu.memref_slice %arg2[%add3A_6, %arg1, %dma_start3A_44, %dma_start3A_45] : memref<4x16x158x128xi32, #tpu.memory_space<hbm>> -> memref<1x1x158x128xi32, #tpu.memory_space<hbm>>
      %dma_start3A_47 = tpu.memref_squeeze %dma_start3A_46 : memref<1x1x158x128xi32, #tpu.memory_space<hbm>> -> memref<158x128xi32, #tpu.memory_space<hbm>>
      %dma_start3A_48 = arith.constant 0 : i32
      %dma_start3A_49 = arith.constant 0 : i32
      %dma_start3A_50 = tpu.memref_slice %arg2[%add3A_6, %arg1, %dma_start3A_48, %dma_start3A_49] : memref<4x16x158x128xi32, #tpu.memory_space<hbm>> -> memref<1x1x158x128xi32, #tpu.memory_space<hbm>>
      %dma_start3A_51 = tpu.memref_squeeze %dma_start3A_50 : memref<1x1x158x128xi32, #tpu.memory_space<hbm>> -> memref<158x128xi32, #tpu.memory_space<hbm>>
      tpu.enqueue_dma source(%dma_start3A_51 : memref<158x128xi32, #tpu.memory_space<hbm>>) target(%arg6 : memref<158x128xi32, #tpu.memory_space<vmem>>) target_semaphore(%run_scoped3A : memref<!tpu.dma_semaphore, #tpu.memory_space<semaphore_mem>>)
      %dma_wait3A = arith.constant 0 : i32
      %dma_wait3A_52 = arith.constant 0 : i32
      %dma_wait3A_53 = tpu.memref_slice %arg2[%add3A_6, %arg1, %dma_wait3A, %dma_wait3A_52] : memref<4x16x158x128xi32, #tpu.memory_space<hbm>> -> memref<1x1x158x128xi32, #tpu.memory_space<hbm>>
      %dma_wait3A_54 = tpu.memref_squeeze %dma_wait3A_53 : memref<1x1x158x128xi32, #tpu.memory_space<hbm>> -> memref<158x128xi32, #tpu.memory_space<hbm>>
      %dma_wait3A_55 = arith.constant 0 : i32
      %dma_wait3A_56 = arith.constant 0 : i32
      %dma_wait3A_57 = tpu.memref_slice %arg2[%add3A_6, %arg1, %dma_wait3A_55, %dma_wait3A_56] : memref<4x16x158x128xi32, #tpu.memory_space<hbm>> -> memref<1x1x158x128xi32, #tpu.memory_space<hbm>>
      %dma_wait3A_58 = tpu.memref_squeeze %dma_wait3A_57 : memref<1x1x158x128xi32, #tpu.memory_space<hbm>> -> memref<158x128xi32, #tpu.memory_space<hbm>>
      tpu.wait_dma2 semaphore(%run_scoped3A : memref<!tpu.dma_semaphore, #tpu.memory_space<semaphore_mem>>) src(%dma_wait3A_58 : memref<158x128xi32, #tpu.memory_space<hbm>>) dst(%arg6 : memref<158x128xi32, #tpu.memory_space<vmem>>)
      tpu.yield
    }) : () -> ()
    %barrier3A = arith.constant 0 : index
    tpu.barrier barrier_id(%barrier3A)
    %dma_start3A = arith.constant 0 : i32
    %dma_start3A_22 = arith.constant 0 : i32
    %dma_start3A_23 = tpu.memref_slice %arg6[%dma_start3A, %dma_start3A_22] : memref<158x128xi32, #tpu.memory_space<vmem>> -> memref<1x128xi32, #tpu.memory_space<vmem>>
    %dma_start3A_24 = tpu.memref_squeeze %dma_start3A_23 : memref<1x128xi32, #tpu.memory_space<vmem>> -> memref<128xi32, #tpu.memory_space<vmem>>
    %dma_start3A_25 = arith.constant 0 : i32
    %dma_start3A_26 = arith.constant 0 : i32
    %dma_start3A_27 = tpu.memref_slice %arg4[%dma_start3A_25, %dma_start3A_26] : memref<20000x32xf32, #tpu.memory_space<hbm>> -> memref<20000x32xf32, #tpu.memory_space<hbm>>
    tpu.enqueue_indirect_dma source(%dma_start3A_27 : memref<20000x32xf32, #tpu.memory_space<hbm>>) target(%arg8 : memref<128x32xf32, #tpu.memory_space<vmem>>) offsets(%dma_start3A_24 : memref<128xi32, #tpu.memory_space<vmem>>) semaphore(%arg12 : memref<!tpu.dma_semaphore, #tpu.memory_space<semaphore_mem>>)
    %scan3A_28 = arith.constant 0 : i32
    %scan3A_29 = arith.constant 0 : i32
    %scan3A_30 = arith.constant 79 : i32
    %scan3A_31 = arith.addi %scan3A_29, %scan3A_30 : i32
    %scan3A_32 = arith.constant 1 : i32
    %scan3A_33 = scf.for %scan3A_44 = %scan3A_29 to %scan3A_31 step %scan3A_32 iter_args(%scan3A_45 = %scan3A_28) -> (i32)  : i32 {
      %mul3A_46 = arith.constant 2 : i32
      %mul3A_47 = arith.muli %mul3A_46, %scan3A_44 : i32
      %mul3A_48 = arith.constant 2 : i32
      %mul3A_49 = arith.muli %mul3A_48, %scan3A_44 : i32
      %add3A_50 = arith.constant 1 : i32
      %add3A_51 = arith.addi %mul3A_49, %add3A_50 : i32
      %dma_wait3A = arith.constant 0 : i32
      %dma_wait3A_52 = tpu.memref_slice %arg6[%mul3A_47, %dma_wait3A] : memref<158x128xi32, #tpu.memory_space<vmem>> -> memref<1x128xi32, #tpu.memory_space<vmem>>
      %dma_wait3A_53 = tpu.memref_squeeze %dma_wait3A_52 : memref<1x128xi32, #tpu.memory_space<vmem>> -> memref<128xi32, #tpu.memory_space<vmem>>
      %dma_wait3A_54 = arith.constant 0 : i32
      %dma_wait3A_55 = arith.constant 0 : i32
      %dma_wait3A_56 = tpu.memref_slice %arg4[%dma_wait3A_54, %dma_wait3A_55] : memref<20000x32xf32, #tpu.memory_space<hbm>> -> memref<20000x32xf32, #tpu.memory_space<hbm>>
      tpu.wait_indirect_dma semaphore(%arg12 : memref<!tpu.dma_semaphore, #tpu.memory_space<semaphore_mem>>) src(%dma_wait3A_56 : memref<20000x32xf32, #tpu.memory_space<hbm>>) dst(%arg8 : memref<128x32xf32, #tpu.memory_space<vmem>>)
      %dma_start3A_57 = arith.constant 0 : i32
      %dma_start3A_58 = tpu.memref_slice %arg6[%add3A_51, %dma_start3A_57] : memref<158x128xi32, #tpu.memory_space<vmem>> -> memref<1x128xi32, #tpu.memory_space<vmem>>
      %dma_start3A_59 = tpu.memref_squeeze %dma_start3A_58 : memref<1x128xi32, #tpu.memory_space<vmem>> -> memref<128xi32, #tpu.memory_space<vmem>>
      %dma_start3A_60 = arith.constant 0 : i32
      %dma_start3A_61 = arith.constant 0 : i32
      %dma_start3A_62 = tpu.memref_slice %arg4[%dma_start3A_60, %dma_start3A_61] : memref<20000x32xf32, #tpu.memory_space<hbm>> -> memref<20000x32xf32, #tpu.memory_space<hbm>>
      tpu.enqueue_indirect_dma source(%dma_start3A_62 : memref<20000x32xf32, #tpu.memory_space<hbm>>) target(%arg9 : memref<128x32xf32, #tpu.memory_space<vmem>>) offsets(%dma_start3A_59 : memref<128xi32, #tpu.memory_space<vmem>>) semaphore(%arg13 : memref<!tpu.dma_semaphore, #tpu.memory_space<semaphore_mem>>)
      "tpu.region"() ({
        %run_scoped3A = tpu.sem_alloc : memref<!tpu.dma_semaphore, #tpu.memory_space<semaphore_mem>>
        %dma_start3A_74 = arith.constant 0 : i32
        %dma_start3A_75 = tpu.memref_slice %arg7[%mul3A_47, %dma_start3A_74] : memref<158x128xi32, #tpu.memory_space<vmem>> -> memref<1x128xi32, #tpu.memory_space<vmem>>
        %dma_start3A_76 = tpu.memref_squeeze %dma_start3A_75 : memref<1x128xi32, #tpu.memory_space<vmem>> -> memref<128xi32, #tpu.memory_space<vmem>>
        %dma_start3A_77 = arith.constant 0 : i32
        %dma_start3A_78 = arith.constant 0 : i32
        %dma_start3A_79 = tpu.memref_slice %arg11[%dma_start3A_77, %dma_start3A_78] : memref<10112x32xf32, #tpu.memory_space<vmem_shared>> -> memref<10112x32xf32, #tpu.memory_space<vmem_shared>>
        tpu.enqueue_indirect_dma source(%arg8 : memref<128x32xf32, #tpu.memory_space<vmem>>) target(%dma_start3A_79 : memref<10112x32xf32, #tpu.memory_space<vmem_shared>>) offsets(%dma_start3A_76 : memref<128xi32, #tpu.memory_space<vmem>>) semaphore(%run_scoped3A : memref<!tpu.dma_semaphore, #tpu.memory_space<semaphore_mem>>) {add = true}
        %dma_wait3A_80 = arith.constant 0 : i32
        %dma_wait3A_81 = tpu.memref_slice %arg7[%mul3A_47, %dma_wait3A_80] : memref<158x128xi32, #tpu.memory_space<vmem>> -> memref<1x128xi32, #tpu.memory_space<vmem>>
        %dma_wait3A_82 = tpu.memref_squeeze %dma_wait3A_81 : memref<1x128xi32, #tpu.memory_space<vmem>> -> memref<128xi32, #tpu.memory_space<vmem>>
        %dma_wait3A_83 = arith.constant 0 : i32
        %dma_wait3A_84 = arith.constant 0 : i32
        %dma_wait3A_85 = tpu.memref_slice %arg11[%dma_wait3A_83, %dma_wait3A_84] : memref<10112x32xf32, #tpu.memory_space<vmem_shared>> -> memref<10112x32xf32, #tpu.memory_space<vmem_shared>>
        tpu.wait_indirect_dma semaphore(%run_scoped3A : memref<!tpu.dma_semaphore, #tpu.memory_space<semaphore_mem>>) src(%arg8 : memref<128x32xf32, #tpu.memory_space<vmem>>) dst(%dma_wait3A_85 : memref<10112x32xf32, #tpu.memory_space<vmem_shared>>)
        tpu.yield
      }) : () -> ()
      %dma_wait3A_63 = arith.constant 0 : i32
      %dma_wait3A_64 = tpu.memref_slice %arg6[%add3A_51, %dma_wait3A_63] : memref<158x128xi32, #tpu.memory_space<vmem>> -> memref<1x128xi32, #tpu.memory_space<vmem>>
      %dma_wait3A_65 = tpu.memref_squeeze %dma_wait3A_64 : memref<1x128xi32, #tpu.memory_space<vmem>> -> memref<128xi32, #tpu.memory_space<vmem>>
      %dma_wait3A_66 = arith.constant 0 : i32
      %dma_wait3A_67 = arith.constant 0 : i32
      %dma_wait3A_68 = tpu.memref_slice %arg4[%dma_wait3A_66, %dma_wait3A_67] : memref<20000x32xf32, #tpu.memory_space<hbm>> -> memref<20000x32xf32, #tpu.memory_space<hbm>>
      tpu.wait_indirect_dma semaphore(%arg13 : memref<!tpu.dma_semaphore, #tpu.memory_space<semaphore_mem>>) src(%dma_wait3A_68 : memref<20000x32xf32, #tpu.memory_space<hbm>>) dst(%arg9 : memref<128x32xf32, #tpu.memory_space<vmem>>)
      %add3A_69 = arith.constant 1 : i32
      %add3A_70 = arith.addi %scan3A_44, %add3A_69 : i32
      %lt3A = arith.constant 79 : i32
      %lt3A_71 = arith.cmpi slt, %add3A_70, %lt3A : i32
      %convert_element_type3A = arith.extui %lt3A_71 : i1 to i32
      %cond3A = arith.constant 0 : i32
      %cond3A_72 = arith.cmpi ne, %convert_element_type3A, %cond3A : i32
      scf.if %cond3A_72 {
        %add3A_74 = arith.constant 2 : i32
        %add3A_75 = arith.addi %mul3A_47, %add3A_74 : i32
        %dma_start3A_76 = arith.constant 0 : i32
        %dma_start3A_77 = tpu.memref_slice %arg6[%add3A_75, %dma_start3A_76] : memref<158x128xi32, #tpu.memory_space<vmem>> -> memref<1x128xi32, #tpu.memory_space<vmem>>
        %dma_start3A_78 = tpu.memref_squeeze %dma_start3A_77 : memref<1x128xi32, #tpu.memory_space<vmem>> -> memref<128xi32, #tpu.memory_space<vmem>>
        %dma_start3A_79 = arith.constant 0 : i32
        %dma_start3A_80 = arith.constant 0 : i32
        %dma_start3A_81 = tpu.memref_slice %arg4[%dma_start3A_79, %dma_start3A_80] : memref<20000x32xf32, #tpu.memory_space<hbm>> -> memref<20000x32xf32, #tpu.memory_space<hbm>>
        tpu.enqueue_indirect_dma source(%dma_start3A_81 : memref<20000x32xf32, #tpu.memory_space<hbm>>) target(%arg8 : memref<128x32xf32, #tpu.memory_space<vmem>>) offsets(%dma_start3A_78 : memref<128xi32, #tpu.memory_space<vmem>>) semaphore(%arg12 : memref<!tpu.dma_semaphore, #tpu.memory_space<semaphore_mem>>)
      } else {
      }
      "tpu.region"() ({
        %run_scoped3A = tpu.sem_alloc : memref<!tpu.dma_semaphore, #tpu.memory_space<semaphore_mem>>
        %dma_start3A_74 = arith.constant 0 : i32
        %dma_start3A_75 = tpu.memref_slice %arg7[%add3A_51, %dma_start3A_74] : memref<158x128xi32, #tpu.memory_space<vmem>> -> memref<1x128xi32, #tpu.memory_space<vmem>>
        %dma_start3A_76 = tpu.memref_squeeze %dma_start3A_75 : memref<1x128xi32, #tpu.memory_space<vmem>> -> memref<128xi32, #tpu.memory_space<vmem>>
        %dma_start3A_77 = arith.constant 0 : i32
        %dma_start3A_78 = arith.constant 0 : i32
        %dma_start3A_79 = tpu.memref_slice %arg11[%dma_start3A_77, %dma_start3A_78] : memref<10112x32xf32, #tpu.memory_space<vmem_shared>> -> memref<10112x32xf32, #tpu.memory_space<vmem_shared>>
        tpu.enqueue_indirect_dma source(%arg9 : memref<128x32xf32, #tpu.memory_space<vmem>>) target(%dma_start3A_79 : memref<10112x32xf32, #tpu.memory_space<vmem_shared>>) offsets(%dma_start3A_76 : memref<128xi32, #tpu.memory_space<vmem>>) semaphore(%run_scoped3A : memref<!tpu.dma_semaphore, #tpu.memory_space<semaphore_mem>>) {add = true}
        %dma_wait3A_80 = arith.constant 0 : i32
        %dma_wait3A_81 = tpu.memref_slice %arg7[%add3A_51, %dma_wait3A_80] : memref<158x128xi32, #tpu.memory_space<vmem>> -> memref<1x128xi32, #tpu.memory_space<vmem>>
        %dma_wait3A_82 = tpu.memref_squeeze %dma_wait3A_81 : memref<1x128xi32, #tpu.memory_space<vmem>> -> memref<128xi32, #tpu.memory_space<vmem>>
        %dma_wait3A_83 = arith.constant 0 : i32
        %dma_wait3A_84 = arith.constant 0 : i32
        %dma_wait3A_85 = tpu.memref_slice %arg11[%dma_wait3A_83, %dma_wait3A_84] : memref<10112x32xf32, #tpu.memory_space<vmem_shared>> -> memref<10112x32xf32, #tpu.memory_space<vmem_shared>>
        tpu.wait_indirect_dma semaphore(%run_scoped3A : memref<!tpu.dma_semaphore, #tpu.memory_space<semaphore_mem>>) src(%arg9 : memref<128x32xf32, #tpu.memory_space<vmem>>) dst(%dma_wait3A_85 : memref<10112x32xf32, #tpu.memory_space<vmem_shared>>)
        tpu.yield
      }) : () -> ()
      %scan3A_73 = arith.constant 0 : i32
      scf.yield %scan3A_73 : i32
    }
    %scan3A_34 = arith.constant 79 : i32
    %barrier3A_35 = arith.constant 0 : index
    tpu.barrier barrier_id(%barrier3A_35)
    %mul3A_36 = arith.constant 632 : i32
    %mul3A_37 = arith.muli %arg1, %mul3A_36 : i32
    %mul3A_38 = arith.constant 10112 : i32
    %mul3A_39 = arith.muli %add3A_6, %mul3A_38 : i32
    %mul3A_40 = arith.constant 632 : i32
    %mul3A_41 = arith.muli %arg1, %mul3A_40 : i32
    %add3A_42 = arith.addi %mul3A_39, %mul3A_41 : i32
    "tpu.region"() ({
      %run_scoped3A = tpu.sem_alloc : memref<!tpu.dma_semaphore, #tpu.memory_space<semaphore_mem>>
      %dma_start3A_44 = arith.constant 0 : i32
      %dma_start3A_45 = tpu.memref_slice %arg5[%add3A_42, %dma_start3A_44] : memref<20224x32xf32, #tpu.memory_space<hbm>> -> memref<632x32xf32, #tpu.memory_space<hbm>>
      %dma_start3A_46 = arith.constant 0 : i32
      %dma_start3A_47 = tpu.memref_slice %arg11[%mul3A_37, %dma_start3A_46] : memref<10112x32xf32, #tpu.memory_space<vmem_shared>> -> memref<632x32xf32, #tpu.memory_space<vmem_shared>>
      tpu.enqueue_dma source(%dma_start3A_47 : memref<632x32xf32, #tpu.memory_space<vmem_shared>>) target(%dma_start3A_45 : memref<632x32xf32, #tpu.memory_space<hbm>>) target_semaphore(%run_scoped3A : memref<!tpu.dma_semaphore, #tpu.memory_space<semaphore_mem>>)
      %dma_wait3A = arith.constant 0 : i32
      %dma_wait3A_48 = tpu.memref_slice %arg5[%add3A_42, %dma_wait3A] : memref<20224x32xf32, #tpu.memory_space<hbm>> -> memref<632x32xf32, #tpu.memory_space<hbm>>
      %dma_wait3A_49 = arith.constant 0 : i32
      %dma_wait3A_50 = tpu.memref_slice %arg11[%mul3A_37, %dma_wait3A_49] : memref<10112x32xf32, #tpu.memory_space<vmem_shared>> -> memref<632x32xf32, #tpu.memory_space<vmem_shared>>
      tpu.wait_dma2 semaphore(%run_scoped3A : memref<!tpu.dma_semaphore, #tpu.memory_space<semaphore_mem>>) src(%dma_wait3A_50 : memref<632x32xf32, #tpu.memory_space<vmem_shared>>) dst(%dma_wait3A_48 : memref<632x32xf32, #tpu.memory_space<hbm>>)
      tpu.yield
    }) : () -> ()
    %barrier3A_43 = arith.constant 0 : index
    tpu.barrier barrier_id(%barrier3A_43)
    return
  }
}

module attributes {stable_mosaic.version = 14 : i64} {
  func.func @body(%arg0: i32, %arg1: memref<1000x128xf32, #tpu.memory_space<vmem>>, %arg2: memref<128x256xf32, #tpu.memory_space<vmem>>, %arg3: memref<1x256xf32, #tpu.memory_space<vmem>>, %arg4: memref<1000x256xf32, #tpu.memory_space<vmem>>) attributes {dimension_semantics = [#tpu.dimension_semantics<arbitrary>], iteration_bounds = array<i64: 10>, scalar_prefetch = 0 : i64, scratch_operands = 0 : i64, tpu.core_type = #tpu.core_type<tc>, window_params = [{transform_indices = @transform_0, window_bounds = array<i64: 1000, 128>}, {pipeline_mode = #tpu.pipeline_mode<synchronous>, transform_indices = @transform_1, window_bounds = array<i64: 128, 256>}, {pipeline_mode = #tpu.pipeline_mode<synchronous>, transform_indices = @transform_2, window_bounds = array<i64: 1, 256>}, {transform_indices = @transform_3, window_bounds = array<i64: 1000, 256>}]} {
    %get3A = arith.constant 0 : index
    %get3A_0 = arith.constant 0 : index
    %get3A_1 = vector.load %arg1[%get3A, %get3A_0] : memref<1000x128xf32, #tpu.memory_space<vmem>>, vector<1000x128xf32>
    %get3A_2 = arith.constant 0 : index
    %get3A_3 = arith.constant 0 : index
    %get3A_4 = vector.load %arg2[%get3A_2, %get3A_3] : memref<128x256xf32, #tpu.memory_space<vmem>>, vector<128x256xf32>
    %dot_general3A = arith.constant dense<0.000000e+00> : vector<1000x256xf32>
    %dot_general3A_5 = tpu.matmul %get3A_1, %get3A_4, %dot_general3A {dimension_numbers = #tpu.dot_dimension_numbers<[1], [0], [0], [1], [0, 0, 1, 1], [], []>, transpose_lhs_hint = false} : vector<1000x128xf32>, vector<128x256xf32>, vector<1000x256xf32> -> vector<1000x256xf32>
    %get3A_6 = arith.constant 0 : index
    %get3A_7 = arith.constant 0 : index
    %get3A_8 = vector.load %arg3[%get3A_6, %get3A_7] : memref<1x256xf32, #tpu.memory_space<vmem>>, vector<1x256xf32>
    %add3A = vector.broadcast %get3A_8 : vector<1x256xf32> to vector<1000x256xf32>
    %add3A_9 = arith.addf %dot_general3A_5, %add3A : vector<1000x256xf32>
    %swap3A = arith.constant 0 : index
    %swap3A_10 = arith.constant 0 : index
    %swap3A_11 = vector.load %arg4[%swap3A, %swap3A_10] : memref<1000x256xf32, #tpu.memory_space<vmem>>, vector<1000x256xf32>
    tpu.vector_store %arg4[%swap3A, %swap3A_10], %add3A_9 {strides = array<i32>} : memref<1000x256xf32, #tpu.memory_space<vmem>>, vector<1000x256xf32>,
    return
  }
  func.func @transform_0(%arg0: i32) -> (i32, i32) {
    %c0_i32 = arith.constant 0 : i32
    %c0_i32_0 = arith.constant 0 : i32
    return %arg0, %c0_i32 : i32, i32
  }
  func.func @transform_1(%arg0: i32) -> (i32, i32) {
    %c0_i32 = arith.constant 0 : i32
    %c0_i32_0 = arith.constant 0 : i32
    %c0_i32_1 = arith.constant 0 : i32
    return %c0_i32, %c0_i32_0 : i32, i32
  }
  func.func @transform_2(%arg0: i32) -> (i32, i32) {
    %c0_i32 = arith.constant 0 : i32
    %c0_i32_0 = arith.constant 0 : i32
    %c0_i32_1 = arith.constant 0 : i32
    return %c0_i32, %c0_i32_0 : i32, i32
  }
  func.func @transform_3(%arg0: i32) -> (i32, i32) {
    %c0_i32 = arith.constant 0 : i32
    %c0_i32_0 = arith.constant 0 : i32
    return %arg0, %c0_i32 : i32, i32
  }
}

module attributes {stable_mosaic.version = 14 : i64} {
  func.func @body(%arg0: i32, %arg1: memref<1000x256xf32, #tpu.memory_space<vmem>>, %arg2: memref<2x1000x64xf32, #tpu.memory_space<vmem>>, %arg3: memref<1000x1xf32, #tpu.memory_space<vmem>>, %arg4: memref<128x256xf32, #tpu.memory_space<vmem>>, %arg5: memref<256x2xf32, #tpu.memory_space<vmem>>, %arg6: memref<1000x256xf32, #tpu.memory_space<vmem>>, %arg7: memref<4x1000x64xf32, #tpu.memory_space<vmem>>) attributes {dimension_semantics = [#tpu.dimension_semantics<arbitrary>], iteration_bounds = array<i64: 10>, scalar_prefetch = 0 : i64, scratch_operands = 0 : i64, tpu.core_type = #tpu.core_type<tc>, window_params = [{transform_indices = @transform_0, window_bounds = array<i64: 1000, 256>}, {transform_indices = @transform_1, window_bounds = array<i64: 2, 1000, 64>}, {transform_indices = @transform_2, window_bounds = array<i64: 1000, 1>}, {pipeline_mode = #tpu.pipeline_mode<synchronous>, transform_indices = @transform_3, window_bounds = array<i64: 128, 256>}, {pipeline_mode = #tpu.pipeline_mode<synchronous>, transform_indices = @transform_4, window_bounds = array<i64: 256, 2>}, {transform_indices = @transform_5, window_bounds = array<i64: 1000, 256>}, {transform_indices = @transform_6, window_bounds = array<i64: 4, 1000, 64>}]} {
    %get3A = arith.constant 0 : index
    %get3A_0 = arith.constant 0 : index
    %get3A_1 = arith.constant 0 : index
    %get3A_2 = vector.load %arg2[%get3A, %get3A_0, %get3A_1] : memref<2x1000x64xf32, #tpu.memory_space<vmem>>, vector<1x1000x64xf32>
    %get3A_3 = vector.shape_cast %get3A_2 : vector<1x1000x64xf32> to vector<1000x64xf32>
    %get3A_4 = arith.constant 1 : index
    %get3A_5 = arith.constant 0 : index
    %get3A_6 = arith.constant 0 : index
    %get3A_7 = vector.load %arg2[%get3A_4, %get3A_5, %get3A_6] : memref<2x1000x64xf32, #tpu.memory_space<vmem>>, vector<1x1000x64xf32>
    %get3A_8 = vector.shape_cast %get3A_7 : vector<1x1000x64xf32> to vector<1000x64xf32>
    %concatenate3A = tpu.concatenate %get3A_3, %get3A_8 in 1 : vector<1000x64xf32>, vector<1000x64xf32> -> vector<1000x128xf32>
    %get3A_9 = arith.constant 0 : index
    %get3A_10 = arith.constant 0 : index
    %get3A_11 = vector.load %arg3[%get3A_9, %get3A_10] : memref<1000x1xf32, #tpu.memory_space<vmem>>, vector<1000x1xf32>
    %max3A = arith.constant 1.000000e+00 : f32
    %max3A_12 = vector.broadcast %max3A : f32 to vector<1000x1xf32>
    %max3A_13 = arith.maximumf %get3A_11, %max3A_12 : vector<1000x1xf32>
    %div3A = arith.constant 1.000000e+00 : f32
    %div3A_14 = vector.broadcast %div3A : f32 to vector<1000x1xf32>
    %div3A_15 = arith.divf %div3A_14, %max3A_13 : vector<1000x1xf32>
    %get3A_16 = arith.constant 0 : index
    %get3A_17 = arith.constant 0 : index
    %get3A_18 = vector.load %arg1[%get3A_16, %get3A_17] : memref<1000x256xf32, #tpu.memory_space<vmem>>, vector<1000x256xf32>
    %mul3A = vector.broadcast %div3A_15 : vector<1000x1xf32> to vector<1000x128xf32>
    %mul3A_19 = arith.mulf %concatenate3A, %mul3A : vector<1000x128xf32>
    %get3A_20 = arith.constant 0 : index
    %get3A_21 = arith.constant 0 : index
    %get3A_22 = vector.load %arg4[%get3A_20, %get3A_21] : memref<128x256xf32, #tpu.memory_space<vmem>>, vector<128x256xf32>
    %dot_general3A = arith.constant dense<0.000000e+00> : vector<1000x256xf32>
    %dot_general3A_23 = tpu.matmul %mul3A_19, %get3A_22, %dot_general3A {dimension_numbers = #tpu.dot_dimension_numbers<[1], [0], [0], [1], [0, 0, 1, 1], [], []>, transpose_lhs_hint = false} : vector<1000x128xf32>, vector<128x256xf32>, vector<1000x256xf32> -> vector<1000x256xf32>
    %add3A = arith.addf %get3A_18, %dot_general3A_23 : vector<1000x256xf32>
    %max3A_24 = arith.constant 0.000000e+00 : f32
    %max3A_25 = vector.broadcast %max3A_24 : f32 to vector<1000x256xf32>
    %max3A_26 = arith.maximumf %add3A, %max3A_25 : vector<1000x256xf32>
    %swap3A = arith.constant 0 : index
    %swap3A_27 = arith.constant 0 : index
    %swap3A_28 = vector.load %arg6[%swap3A, %swap3A_27] : memref<1000x256xf32, #tpu.memory_space<vmem>>, vector<1000x256xf32>
    tpu.vector_store %arg6[%swap3A, %swap3A_27], %max3A_26 {strides = array<i32>} : memref<1000x256xf32, #tpu.memory_space<vmem>>, vector<1000x256xf32>,
    %slice3A = vector.extract_strided_slice %max3A_26 {offsets = [0, 0], sizes = [1000, 64], strides = [1, 1]} : vector<1000x256xf32> to vector<1000x64xf32>
    %swap3A_29 = arith.constant 0 : index
    %swap3A_30 = arith.constant 0 : index
    %swap3A_31 = arith.constant 0 : index
    %swap3A_32 = vector.load %arg7[%swap3A_29, %swap3A_30, %swap3A_31] : memref<4x1000x64xf32, #tpu.memory_space<vmem>>, vector<1x1000x64xf32>
    %swap3A_33 = vector.shape_cast %swap3A_32 : vector<1x1000x64xf32> to vector<1000x64xf32>
    %swap3A_34 = vector.shape_cast %slice3A : vector<1000x64xf32> to vector<1x1000x64xf32>
    tpu.vector_store %arg7[%swap3A_29, %swap3A_30, %swap3A_31], %swap3A_34 {strides = array<i32>} : memref<4x1000x64xf32, #tpu.memory_space<vmem>>, vector<1x1000x64xf32>,
    %slice3A_35 = vector.extract_strided_slice %max3A_26 {offsets = [0, 64], sizes = [1000, 64], strides = [1, 1]} : vector<1000x256xf32> to vector<1000x64xf32>
    %swap3A_36 = arith.constant 1 : index
    %swap3A_37 = arith.constant 0 : index
    %swap3A_38 = arith.constant 0 : index
    %swap3A_39 = vector.load %arg7[%swap3A_36, %swap3A_37, %swap3A_38] : memref<4x1000x64xf32, #tpu.memory_space<vmem>>, vector<1x1000x64xf32>
    %swap3A_40 = vector.shape_cast %swap3A_39 : vector<1x1000x64xf32> to vector<1000x64xf32>
    %swap3A_41 = vector.shape_cast %slice3A_35 : vector<1000x64xf32> to vector<1x1000x64xf32>
    tpu.vector_store %arg7[%swap3A_36, %swap3A_37, %swap3A_38], %swap3A_41 {strides = array<i32>} : memref<4x1000x64xf32, #tpu.memory_space<vmem>>, vector<1x1000x64xf32>,
    %slice3A_42 = vector.extract_strided_slice %max3A_26 {offsets = [0, 128], sizes = [1000, 64], strides = [1, 1]} : vector<1000x256xf32> to vector<1000x64xf32>
    %swap3A_43 = arith.constant 2 : index
    %swap3A_44 = arith.constant 0 : index
    %swap3A_45 = arith.constant 0 : index
    %swap3A_46 = vector.load %arg7[%swap3A_43, %swap3A_44, %swap3A_45] : memref<4x1000x64xf32, #tpu.memory_space<vmem>>, vector<1x1000x64xf32>
    %swap3A_47 = vector.shape_cast %swap3A_46 : vector<1x1000x64xf32> to vector<1000x64xf32>
    %swap3A_48 = vector.shape_cast %slice3A_42 : vector<1000x64xf32> to vector<1x1000x64xf32>
    tpu.vector_store %arg7[%swap3A_43, %swap3A_44, %swap3A_45], %swap3A_48 {strides = array<i32>} : memref<4x1000x64xf32, #tpu.memory_space<vmem>>, vector<1x1000x64xf32>,
    %slice3A_49 = vector.extract_strided_slice %max3A_26 {offsets = [0, 192], sizes = [1000, 64], strides = [1, 1]} : vector<1000x256xf32> to vector<1000x64xf32>
    %swap3A_50 = arith.constant 3 : index
    %swap3A_51 = arith.constant 0 : index
    %swap3A_52 = arith.constant 0 : index
    %swap3A_53 = vector.load %arg7[%swap3A_50, %swap3A_51, %swap3A_52] : memref<4x1000x64xf32, #tpu.memory_space<vmem>>, vector<1x1000x64xf32>
    %swap3A_54 = vector.shape_cast %swap3A_53 : vector<1x1000x64xf32> to vector<1000x64xf32>
    %swap3A_55 = vector.shape_cast %slice3A_49 : vector<1000x64xf32> to vector<1x1000x64xf32>
    tpu.vector_store %arg7[%swap3A_50, %swap3A_51, %swap3A_52], %swap3A_55 {strides = array<i32>} : memref<4x1000x64xf32, #tpu.memory_space<vmem>>, vector<1x1000x64xf32>,
    return
  }
  func.func @transform_0(%arg0: i32) -> (i32, i32) {
    %c0_i32 = arith.constant 0 : i32
    %c0_i32_0 = arith.constant 0 : i32
    return %arg0, %c0_i32 : i32, i32
  }
  func.func @transform_1(%arg0: i32) -> (i32, i32, i32) {
    %c0_i32 = arith.constant 0 : i32
    %c0_i32_0 = arith.constant 0 : i32
    %c0_i32_1 = arith.constant 0 : i32
    return %c0_i32, %arg0, %c0_i32_0 : i32, i32, i32
  }
  func.func @transform_2(%arg0: i32) -> (i32, i32) {
    %c0_i32 = arith.constant 0 : i32
    %c0_i32_0 = arith.constant 0 : i32
    return %arg0, %c0_i32 : i32, i32
  }
  func.func @transform_3(%arg0: i32) -> (i32, i32) {
    %c0_i32 = arith.constant 0 : i32
    %c0_i32_0 = arith.constant 0 : i32
    %c0_i32_1 = arith.constant 0 : i32
    return %c0_i32, %c0_i32_0 : i32, i32
  }
  func.func @transform_4(%arg0: i32) -> (i32, i32) {
    %c0_i32 = arith.constant 0 : i32
    %c0_i32_0 = arith.constant 0 : i32
    %c0_i32_1 = arith.constant 0 : i32
    return %c0_i32, %c0_i32_0 : i32, i32
  }
  func.func @transform_5(%arg0: i32) -> (i32, i32) {
    %c0_i32 = arith.constant 0 : i32
    %c0_i32_0 = arith.constant 0 : i32
    return %arg0, %c0_i32 : i32, i32
  }
  func.func @transform_6(%arg0: i32) -> (i32, i32, i32) {
    %c0_i32 = arith.constant 0 : i32
    %c0_i32_0 = arith.constant 0 : i32
    %c0_i32_1 = arith.constant 0 : i32
    return %c0_i32, %arg0, %c0_i32_0 : i32, i32, i32
  }
}

module attributes {stable_mosaic.version = 14 : i64} {
  func.func @body(%arg0: i32, %arg1: memref<1000x256xf32, #tpu.memory_space<vmem>>, %arg2: memref<256x256xf32, #tpu.memory_space<vmem>>, %arg3: memref<1x256xf32, #tpu.memory_space<vmem>>, %arg4: memref<1000x256xf32, #tpu.memory_space<vmem>>) attributes {dimension_semantics = [#tpu.dimension_semantics<arbitrary>], iteration_bounds = array<i64: 10>, scalar_prefetch = 0 : i64, scratch_operands = 0 : i64, tpu.core_type = #tpu.core_type<tc>, window_params = [{transform_indices = @transform_0, window_bounds = array<i64: 1000, 256>}, {pipeline_mode = #tpu.pipeline_mode<synchronous>, transform_indices = @transform_1, window_bounds = array<i64: 256, 256>}, {pipeline_mode = #tpu.pipeline_mode<synchronous>, transform_indices = @transform_2, window_bounds = array<i64: 1, 256>}, {transform_indices = @transform_3, window_bounds = array<i64: 1000, 256>}]} {
    %get3A = arith.constant 0 : index
    %get3A_0 = arith.constant 0 : index
    %get3A_1 = vector.load %arg1[%get3A, %get3A_0] : memref<1000x256xf32, #tpu.memory_space<vmem>>, vector<1000x256xf32>
    %get3A_2 = arith.constant 0 : index
    %get3A_3 = arith.constant 0 : index
    %get3A_4 = vector.load %arg2[%get3A_2, %get3A_3] : memref<256x256xf32, #tpu.memory_space<vmem>>, vector<256x256xf32>
    %dot_general3A = arith.constant dense<0.000000e+00> : vector<1000x256xf32>
    %dot_general3A_5 = tpu.matmul %get3A_1, %get3A_4, %dot_general3A {dimension_numbers = #tpu.dot_dimension_numbers<[1], [0], [0], [1], [0, 0, 1, 1], [], []>, transpose_lhs_hint = false} : vector<1000x256xf32>, vector<256x256xf32>, vector<1000x256xf32> -> vector<1000x256xf32>
    %get3A_6 = arith.constant 0 : index
    %get3A_7 = arith.constant 0 : index
    %get3A_8 = vector.load %arg3[%get3A_6, %get3A_7] : memref<1x256xf32, #tpu.memory_space<vmem>>, vector<1x256xf32>
    %add3A = vector.broadcast %get3A_8 : vector<1x256xf32> to vector<1000x256xf32>
    %add3A_9 = arith.addf %dot_general3A_5, %add3A : vector<1000x256xf32>
    %swap3A = arith.constant 0 : index
    %swap3A_10 = arith.constant 0 : index
    %swap3A_11 = vector.load %arg4[%swap3A, %swap3A_10] : memref<1000x256xf32, #tpu.memory_space<vmem>>, vector<1000x256xf32>
    tpu.vector_store %arg4[%swap3A, %swap3A_10], %add3A_9 {strides = array<i32>} : memref<1000x256xf32, #tpu.memory_space<vmem>>, vector<1000x256xf32>,
    return
  }
  func.func @transform_0(%arg0: i32) -> (i32, i32) {
    %c0_i32 = arith.constant 0 : i32
    %c0_i32_0 = arith.constant 0 : i32
    return %arg0, %c0_i32 : i32, i32
  }
  func.func @transform_1(%arg0: i32) -> (i32, i32) {
    %c0_i32 = arith.constant 0 : i32
    %c0_i32_0 = arith.constant 0 : i32
    %c0_i32_1 = arith.constant 0 : i32
    return %c0_i32, %c0_i32_0 : i32, i32
  }
  func.func @transform_2(%arg0: i32) -> (i32, i32) {
    %c0_i32 = arith.constant 0 : i32
    %c0_i32_0 = arith.constant 0 : i32
    %c0_i32_1 = arith.constant 0 : i32
    return %c0_i32, %c0_i32_0 : i32, i32
  }
  func.func @transform_3(%arg0: i32) -> (i32, i32) {
    %c0_i32 = arith.constant 0 : i32
    %c0_i32_0 = arith.constant 0 : i32
    return %arg0, %c0_i32 : i32, i32
  }
}

module attributes {stable_mosaic.version = 14 : i64} {
  func.func @body(%arg0: i32, %arg1: memref<1000x256xf32, #tpu.memory_space<vmem>>, %arg2: memref<4x1000x64xf32, #tpu.memory_space<vmem>>, %arg3: memref<1000x1xf32, #tpu.memory_space<vmem>>, %arg4: memref<256x256xf32, #tpu.memory_space<vmem>>, %arg5: memref<256x64xf32, #tpu.memory_space<vmem>>, %arg6: memref<1000x256xf32, #tpu.memory_space<vmem>>, %arg7: memref<2x1000x32xf32, #tpu.memory_space<vmem>>) attributes {dimension_semantics = [#tpu.dimension_semantics<arbitrary>], iteration_bounds = array<i64: 10>, scalar_prefetch = 0 : i64, scratch_operands = 0 : i64, tpu.core_type = #tpu.core_type<tc>, window_params = [{transform_indices = @transform_0, window_bounds = array<i64: 1000, 256>}, {transform_indices = @transform_1, window_bounds = array<i64: 4, 1000, 64>}, {transform_indices = @transform_2, window_bounds = array<i64: 1000, 1>}, {pipeline_mode = #tpu.pipeline_mode<synchronous>, transform_indices = @transform_3, window_bounds = array<i64: 256, 256>}, {pipeline_mode = #tpu.pipeline_mode<synchronous>, transform_indices = @transform_4, window_bounds = array<i64: 256, 64>}, {transform_indices = @transform_5, window_bounds = array<i64: 1000, 256>}, {transform_indices = @transform_6, window_bounds = array<i64: 2, 1000, 32>}]} {
    %get3A = arith.constant 0 : index
    %get3A_0 = arith.constant 0 : index
    %get3A_1 = arith.constant 0 : index
    %get3A_2 = vector.load %arg2[%get3A, %get3A_0, %get3A_1] : memref<4x1000x64xf32, #tpu.memory_space<vmem>>, vector<1x1000x64xf32>
    %get3A_3 = vector.shape_cast %get3A_2 : vector<1x1000x64xf32> to vector<1000x64xf32>
    %get3A_4 = arith.constant 1 : index
    %get3A_5 = arith.constant 0 : index
    %get3A_6 = arith.constant 0 : index
    %get3A_7 = vector.load %arg2[%get3A_4, %get3A_5, %get3A_6] : memref<4x1000x64xf32, #tpu.memory_space<vmem>>, vector<1x1000x64xf32>
    %get3A_8 = vector.shape_cast %get3A_7 : vector<1x1000x64xf32> to vector<1000x64xf32>
    %get3A_9 = arith.constant 2 : index
    %get3A_10 = arith.constant 0 : index
    %get3A_11 = arith.constant 0 : index
    %get3A_12 = vector.load %arg2[%get3A_9, %get3A_10, %get3A_11] : memref<4x1000x64xf32, #tpu.memory_space<vmem>>, vector<1x1000x64xf32>
    %get3A_13 = vector.shape_cast %get3A_12 : vector<1x1000x64xf32> to vector<1000x64xf32>
    %get3A_14 = arith.constant 3 : index
    %get3A_15 = arith.constant 0 : index
    %get3A_16 = arith.constant 0 : index
    %get3A_17 = vector.load %arg2[%get3A_14, %get3A_15, %get3A_16] : memref<4x1000x64xf32, #tpu.memory_space<vmem>>, vector<1x1000x64xf32>
    %get3A_18 = vector.shape_cast %get3A_17 : vector<1x1000x64xf32> to vector<1000x64xf32>
    %concatenate3A = tpu.concatenate %get3A_3, %get3A_8, %get3A_13, %get3A_18 in 1 : vector<1000x64xf32>, vector<1000x64xf32>, vector<1000x64xf32>, vector<1000x64xf32> -> vector<1000x256xf32>
    %get3A_19 = arith.constant 0 : index
    %get3A_20 = arith.constant 0 : index
    %get3A_21 = vector.load %arg3[%get3A_19, %get3A_20] : memref<1000x1xf32, #tpu.memory_space<vmem>>, vector<1000x1xf32>
    %max3A = arith.constant 1.000000e+00 : f32
    %max3A_22 = vector.broadcast %max3A : f32 to vector<1000x1xf32>
    %max3A_23 = arith.maximumf %get3A_21, %max3A_22 : vector<1000x1xf32>
    %div3A = arith.constant 1.000000e+00 : f32
    %div3A_24 = vector.broadcast %div3A : f32 to vector<1000x1xf32>
    %div3A_25 = arith.divf %div3A_24, %max3A_23 : vector<1000x1xf32>
    %get3A_26 = arith.constant 0 : index
    %get3A_27 = arith.constant 0 : index
    %get3A_28 = vector.load %arg1[%get3A_26, %get3A_27] : memref<1000x256xf32, #tpu.memory_space<vmem>>, vector<1000x256xf32>
    %mul3A = vector.broadcast %div3A_25 : vector<1000x1xf32> to vector<1000x256xf32>
    %mul3A_29 = arith.mulf %concatenate3A, %mul3A : vector<1000x256xf32>
    %get3A_30 = arith.constant 0 : index
    %get3A_31 = arith.constant 0 : index
    %get3A_32 = vector.load %arg4[%get3A_30, %get3A_31] : memref<256x256xf32, #tpu.memory_space<vmem>>, vector<256x256xf32>
    %dot_general3A = arith.constant dense<0.000000e+00> : vector<1000x256xf32>
    %dot_general3A_33 = tpu.matmul %mul3A_29, %get3A_32, %dot_general3A {dimension_numbers = #tpu.dot_dimension_numbers<[1], [0], [0], [1], [0, 0, 1, 1], [], []>, transpose_lhs_hint = false} : vector<1000x256xf32>, vector<256x256xf32>, vector<1000x256xf32> -> vector<1000x256xf32>
    %add3A = arith.addf %get3A_28, %dot_general3A_33 : vector<1000x256xf32>
    %max3A_34 = arith.constant 0.000000e+00 : f32
    %max3A_35 = vector.broadcast %max3A_34 : f32 to vector<1000x256xf32>
    %max3A_36 = arith.maximumf %add3A, %max3A_35 : vector<1000x256xf32>
    %swap3A = arith.constant 0 : index
    %swap3A_37 = arith.constant 0 : index
    %swap3A_38 = vector.load %arg6[%swap3A, %swap3A_37] : memref<1000x256xf32, #tpu.memory_space<vmem>>, vector<1000x256xf32>
    tpu.vector_store %arg6[%swap3A, %swap3A_37], %max3A_36 {strides = array<i32>} : memref<1000x256xf32, #tpu.memory_space<vmem>>, vector<1000x256xf32>,
    %get3A_39 = arith.constant 0 : index
    %get3A_40 = arith.constant 0 : index
    %get3A_41 = vector.load %arg5[%get3A_39, %get3A_40] : memref<256x64xf32, #tpu.memory_space<vmem>>, vector<256x64xf32>
    %dot_general3A_42 = arith.constant dense<0.000000e+00> : vector<1000x64xf32>
    %dot_general3A_43 = tpu.matmul %max3A_36, %get3A_41, %dot_general3A_42 {dimension_numbers = #tpu.dot_dimension_numbers<[1], [0], [0], [1], [0, 0, 1, 1], [], []>, transpose_lhs_hint = false} : vector<1000x256xf32>, vector<256x64xf32>, vector<1000x64xf32> -> vector<1000x64xf32>
    %slice3A = vector.extract_strided_slice %dot_general3A_43 {offsets = [0, 0], sizes = [1000, 32], strides = [1, 1]} : vector<1000x64xf32> to vector<1000x32xf32>
    %swap3A_44 = arith.constant 0 : index
    %swap3A_45 = arith.constant 0 : index
    %swap3A_46 = arith.constant 0 : index
    %swap3A_47 = vector.load %arg7[%swap3A_44, %swap3A_45, %swap3A_46] : memref<2x1000x32xf32, #tpu.memory_space<vmem>>, vector<1x1000x32xf32>
    %swap3A_48 = vector.shape_cast %swap3A_47 : vector<1x1000x32xf32> to vector<1000x32xf32>
    %swap3A_49 = vector.shape_cast %slice3A : vector<1000x32xf32> to vector<1x1000x32xf32>
    tpu.vector_store %arg7[%swap3A_44, %swap3A_45, %swap3A_46], %swap3A_49 {strides = array<i32>} : memref<2x1000x32xf32, #tpu.memory_space<vmem>>, vector<1x1000x32xf32>,
    %slice3A_50 = vector.extract_strided_slice %dot_general3A_43 {offsets = [0, 32], sizes = [1000, 32], strides = [1, 1]} : vector<1000x64xf32> to vector<1000x32xf32>
    %swap3A_51 = arith.constant 1 : index
    %swap3A_52 = arith.constant 0 : index
    %swap3A_53 = arith.constant 0 : index
    %swap3A_54 = vector.load %arg7[%swap3A_51, %swap3A_52, %swap3A_53] : memref<2x1000x32xf32, #tpu.memory_space<vmem>>, vector<1x1000x32xf32>
    %swap3A_55 = vector.shape_cast %swap3A_54 : vector<1x1000x32xf32> to vector<1000x32xf32>
    %swap3A_56 = vector.shape_cast %slice3A_50 : vector<1000x32xf32> to vector<1x1000x32xf32>
    tpu.vector_store %arg7[%swap3A_51, %swap3A_52, %swap3A_53], %swap3A_56 {strides = array<i32>} : memref<2x1000x32xf32, #tpu.memory_space<vmem>>, vector<1x1000x32xf32>,
    return
  }
  func.func @transform_0(%arg0: i32) -> (i32, i32) {
    %c0_i32 = arith.constant 0 : i32
    %c0_i32_0 = arith.constant 0 : i32
    return %arg0, %c0_i32 : i32, i32
  }
  func.func @transform_1(%arg0: i32) -> (i32, i32, i32) {
    %c0_i32 = arith.constant 0 : i32
    %c0_i32_0 = arith.constant 0 : i32
    %c0_i32_1 = arith.constant 0 : i32
    return %c0_i32, %arg0, %c0_i32_0 : i32, i32, i32
  }
  func.func @transform_2(%arg0: i32) -> (i32, i32) {
    %c0_i32 = arith.constant 0 : i32
    %c0_i32_0 = arith.constant 0 : i32
    return %arg0, %c0_i32 : i32, i32
  }
  func.func @transform_3(%arg0: i32) -> (i32, i32) {
    %c0_i32 = arith.constant 0 : i32
    %c0_i32_0 = arith.constant 0 : i32
    %c0_i32_1 = arith.constant 0 : i32
    return %c0_i32, %c0_i32_0 : i32, i32
  }
  func.func @transform_4(%arg0: i32) -> (i32, i32) {
    %c0_i32 = arith.constant 0 : i32
    %c0_i32_0 = arith.constant 0 : i32
    %c0_i32_1 = arith.constant 0 : i32
    return %c0_i32, %c0_i32_0 : i32, i32
  }
  func.func @transform_5(%arg0: i32) -> (i32, i32) {
    %c0_i32 = arith.constant 0 : i32
    %c0_i32_0 = arith.constant 0 : i32
    return %arg0, %c0_i32 : i32, i32
  }
  func.func @transform_6(%arg0: i32) -> (i32, i32, i32) {
    %c0_i32 = arith.constant 0 : i32
    %c0_i32_0 = arith.constant 0 : i32
    %c0_i32_1 = arith.constant 0 : i32
    return %c0_i32, %arg0, %c0_i32_0 : i32, i32, i32
  }
}

module attributes {stable_mosaic.version = 14 : i64} {
  func.func @body(%arg0: i32, %arg1: memref<1000x256xf32, #tpu.memory_space<vmem>>, %arg2: memref<256x64xf32, #tpu.memory_space<vmem>>, %arg3: memref<1x64xf32, #tpu.memory_space<vmem>>, %arg4: memref<1000x64xf32, #tpu.memory_space<vmem>>) attributes {dimension_semantics = [#tpu.dimension_semantics<arbitrary>], iteration_bounds = array<i64: 10>, scalar_prefetch = 0 : i64, scratch_operands = 0 : i64, tpu.core_type = #tpu.core_type<tc>, window_params = [{transform_indices = @transform_0, window_bounds = array<i64: 1000, 256>}, {pipeline_mode = #tpu.pipeline_mode<synchronous>, transform_indices = @transform_1, window_bounds = array<i64: 256, 64>}, {pipeline_mode = #tpu.pipeline_mode<synchronous>, transform_indices = @transform_2, window_bounds = array<i64: 1, 64>}, {transform_indices = @transform_3, window_bounds = array<i64: 1000, 64>}]} {
    %get3A = arith.constant 0 : index
    %get3A_0 = arith.constant 0 : index
    %get3A_1 = vector.load %arg1[%get3A, %get3A_0] : memref<1000x256xf32, #tpu.memory_space<vmem>>, vector<1000x256xf32>
    %get3A_2 = arith.constant 0 : index
    %get3A_3 = arith.constant 0 : index
    %get3A_4 = vector.load %arg2[%get3A_2, %get3A_3] : memref<256x64xf32, #tpu.memory_space<vmem>>, vector<256x64xf32>
    %dot_general3A = arith.constant dense<0.000000e+00> : vector<1000x64xf32>
    %dot_general3A_5 = tpu.matmul %get3A_1, %get3A_4, %dot_general3A {dimension_numbers = #tpu.dot_dimension_numbers<[1], [0], [0], [1], [0, 0, 1, 1], [], []>, transpose_lhs_hint = false} : vector<1000x256xf32>, vector<256x64xf32>, vector<1000x64xf32> -> vector<1000x64xf32>
    %get3A_6 = arith.constant 0 : index
    %get3A_7 = arith.constant 0 : index
    %get3A_8 = vector.load %arg3[%get3A_6, %get3A_7] : memref<1x64xf32, #tpu.memory_space<vmem>>, vector<1x64xf32>
    %add3A = vector.broadcast %get3A_8 : vector<1x64xf32> to vector<1000x64xf32>
    %add3A_9 = arith.addf %dot_general3A_5, %add3A : vector<1000x64xf32>
    %swap3A = arith.constant 0 : index
    %swap3A_10 = arith.constant 0 : index
    %swap3A_11 = vector.load %arg4[%swap3A, %swap3A_10] : memref<1000x64xf32, #tpu.memory_space<vmem>>, vector<1000x64xf32>
    tpu.vector_store %arg4[%swap3A, %swap3A_10], %add3A_9 {strides = array<i32>} : memref<1000x64xf32, #tpu.memory_space<vmem>>, vector<1000x64xf32>,
    return
  }
  func.func @transform_0(%arg0: i32) -> (i32, i32) {
    %c0_i32 = arith.constant 0 : i32
    %c0_i32_0 = arith.constant 0 : i32
    return %arg0, %c0_i32 : i32, i32
  }
  func.func @transform_1(%arg0: i32) -> (i32, i32) {
    %c0_i32 = arith.constant 0 : i32
    %c0_i32_0 = arith.constant 0 : i32
    %c0_i32_1 = arith.constant 0 : i32
    return %c0_i32, %c0_i32_0 : i32, i32
  }
  func.func @transform_2(%arg0: i32) -> (i32, i32) {
    %c0_i32 = arith.constant 0 : i32
    %c0_i32_0 = arith.constant 0 : i32
    %c0_i32_1 = arith.constant 0 : i32
    return %c0_i32, %c0_i32_0 : i32, i32
  }
  func.func @transform_3(%arg0: i32) -> (i32, i32) {
    %c0_i32 = arith.constant 0 : i32
    %c0_i32_0 = arith.constant 0 : i32
    return %arg0, %c0_i32 : i32, i32
  }
}

module attributes {stable_mosaic.version = 14 : i64} {
  func.func @body(%arg0: i32, %arg1: memref<1000x64xf32, #tpu.memory_space<vmem>>, %arg2: memref<2x1000x32xf32, #tpu.memory_space<vmem>>, %arg3: memref<1000x1xf32, #tpu.memory_space<vmem>>, %arg4: memref<2x64xf32, #tpu.memory_space<vmem>>, %arg5: memref<64x2xf32, #tpu.memory_space<vmem>>, %arg6: memref<1000x64xf32, #tpu.memory_space<vmem>>) attributes {dimension_semantics = [#tpu.dimension_semantics<arbitrary>], iteration_bounds = array<i64: 10>, scalar_prefetch = 0 : i64, scratch_operands = 0 : i64, tpu.core_type = #tpu.core_type<tc>, window_params = [{transform_indices = @transform_0, window_bounds = array<i64: 1000, 64>}, {transform_indices = @transform_1, window_bounds = array<i64: 2, 1000, 32>}, {transform_indices = @transform_2, window_bounds = array<i64: 1000, 1>}, {pipeline_mode = #tpu.pipeline_mode<synchronous>, transform_indices = @transform_3, window_bounds = array<i64: 2, 64>}, {pipeline_mode = #tpu.pipeline_mode<synchronous>, transform_indices = @transform_4, window_bounds = array<i64: 64, 2>}, {transform_indices = @transform_5, window_bounds = array<i64: 1000, 64>}]} {
    %get3A = arith.constant 0 : index
    %get3A_0 = arith.constant 0 : index
    %get3A_1 = arith.constant 0 : index
    %get3A_2 = vector.load %arg2[%get3A, %get3A_0, %get3A_1] : memref<2x1000x32xf32, #tpu.memory_space<vmem>>, vector<1x1000x32xf32>
    %get3A_3 = vector.shape_cast %get3A_2 : vector<1x1000x32xf32> to vector<1000x32xf32>
    %get3A_4 = arith.constant 1 : index
    %get3A_5 = arith.constant 0 : index
    %get3A_6 = arith.constant 0 : index
    %get3A_7 = vector.load %arg2[%get3A_4, %get3A_5, %get3A_6] : memref<2x1000x32xf32, #tpu.memory_space<vmem>>, vector<1x1000x32xf32>
    %get3A_8 = vector.shape_cast %get3A_7 : vector<1x1000x32xf32> to vector<1000x32xf32>
    %concatenate3A = tpu.concatenate %get3A_3, %get3A_8 in 1 : vector<1000x32xf32>, vector<1000x32xf32> -> vector<1000x64xf32>
    %get3A_9 = arith.constant 0 : index
    %get3A_10 = arith.constant 0 : index
    %get3A_11 = vector.load %arg3[%get3A_9, %get3A_10] : memref<1000x1xf32, #tpu.memory_space<vmem>>, vector<1000x1xf32>
    %max3A = arith.constant 1.000000e+00 : f32
    %max3A_12 = vector.broadcast %max3A : f32 to vector<1000x1xf32>
    %max3A_13 = arith.maximumf %get3A_11, %max3A_12 : vector<1000x1xf32>
    %div3A = arith.constant 1.000000e+00 : f32
    %div3A_14 = vector.broadcast %div3A : f32 to vector<1000x1xf32>
    %div3A_15 = arith.divf %div3A_14, %max3A_13 : vector<1000x1xf32>
    %get3A_16 = arith.constant 0 : index
    %get3A_17 = arith.constant 0 : index
    %get3A_18 = vector.load %arg1[%get3A_16, %get3A_17] : memref<1000x64xf32, #tpu.memory_space<vmem>>, vector<1000x64xf32>
    %mul3A = vector.broadcast %div3A_15 : vector<1000x1xf32> to vector<1000x64xf32>
    %mul3A_19 = arith.mulf %concatenate3A, %mul3A : vector<1000x64xf32>
    %add3A = arith.addf %get3A_18, %mul3A_19 : vector<1000x64xf32>
    %swap3A = arith.constant 0 : index
    %swap3A_20 = arith.constant 0 : index
    %swap3A_21 = vector.load %arg6[%swap3A, %swap3A_20] : memref<1000x64xf32, #tpu.memory_space<vmem>>, vector<1000x64xf32>
    tpu.vector_store %arg6[%swap3A, %swap3A_20], %add3A {strides = array<i32>} : memref<1000x64xf32, #tpu.memory_space<vmem>>, vector<1000x64xf32>,
    return
  }
  func.func @transform_0(%arg0: i32) -> (i32, i32) {
    %c0_i32 = arith.constant 0 : i32
    %c0_i32_0 = arith.constant 0 : i32
    return %arg0, %c0_i32 : i32, i32
  }
  func.func @transform_1(%arg0: i32) -> (i32, i32, i32) {
    %c0_i32 = arith.constant 0 : i32
    %c0_i32_0 = arith.constant 0 : i32
    %c0_i32_1 = arith.constant 0 : i32
    return %c0_i32, %arg0, %c0_i32_0 : i32, i32, i32
  }
  func.func @transform_2(%arg0: i32) -> (i32, i32) {
    %c0_i32 = arith.constant 0 : i32
    %c0_i32_0 = arith.constant 0 : i32
    return %arg0, %c0_i32 : i32, i32
  }
  func.func @transform_3(%arg0: i32) -> (i32, i32) {
    %c0_i32 = arith.constant 0 : i32
    %c0_i32_0 = arith.constant 0 : i32
    %c0_i32_1 = arith.constant 0 : i32
    return %c0_i32, %c0_i32_0 : i32, i32
  }
  func.func @transform_4(%arg0: i32) -> (i32, i32) {
    %c0_i32 = arith.constant 0 : i32
    %c0_i32_0 = arith.constant 0 : i32
    %c0_i32_1 = arith.constant 0 : i32
    return %c0_i32, %c0_i32_0 : i32, i32
  }
  func.func @transform_5(%arg0: i32) -> (i32, i32) {
    %c0_i32 = arith.constant 0 : i32
    %c0_i32_0 = arith.constant 0 : i32
    return %arg0, %c0_i32 : i32, i32
  }
}

</mosaic_0001>

<sc_bundles>
// kernel: kernel.11.cloned.1.call-start
scs
__scs_entry_jumppad:
0x0: {  	(pc) =	sbr.rel $0x88, $3  }
0x1: {  	(tag) =	ssettag $0x0;
	lr =	simm.s32 $0x1  }
0x2: {  	[smem:$0x3F96] =	sst lr;
	_ =	strace $0xD0000000  }
0x3: {  	_ = 	snop  }
0x4: {  	_ = 	snop  }
0x5: {  	_ = 	snop  }
0x6: {  	_ = 	snop  }
0x7: {  	_ = 	snop  }
__scs_overlays_trampoline_lowered:
0x8: {  	[smem:$0x3FA5] =	sst s0  }
0x9: {  	[smem:$0x3FA6] =	sst s1  }
0xa: {  	[smem:$0x3FA7] =	sst s2  }
0xb: {  	[smem:$0x3FA8] =	sst s3  }
0xc: {  	[smem:$0x3FA9] =	sst s4  }
0xd: {  	[smem:$0x3FAA] =	sst s5  }
0xe: {  	[smem:$0x3FAB] =	sst s6  }
0xf: {  	[smem:$0x3FAC] =	sst s7  }
0x10: {  	[smem:$0x3FAD] =	sst s8  }
0x11: {  	[smem:$0x3FAE] =	sst s9;
	s0 =	simm.s32 @!p0 $0x0  }
0x12: {  	s1 =	sld [smem:$0x3F94];
	s0 =	simm.s32 @p0 $0x1  }
0x13: {  	[smem:$0x3FAF] =	sst s0;
	s0 =	simm.s32 @!p1 $0x0  }
0x14: {  	s2 =	sld [smem:$0x3F93];
	s0 =	simm.s32 @p1 $0x1  }
0x15: {  	[smem:$0x3FB0] =	sst s0;
	s0 =	simm.s32 @!p2 $0x0  }
0x16: {  	s3 =	sld [smem:$0x3FDB];
	s0 =	simm.s32 @p2 $0x1  }
0x17: {  	s4 =	simm.s32 $0x1BF5;
	[smem:$0x3FB2] =	sst s0  }
0x18: {  	s0 =	sld [smem:$0x3F95];
	_ =	swait.ge [sflag:s4], $0x0  }
0x19: {  	s7 =	sld [smem:$0x3F96]  }
0x1a: {  	s8 =	sadd.s32 $0xFFFFE003, lr  }
0x1b: {  	s9 =	sadd.s32 $0xFFFFFEF7, lr;
	s5 =	simm.s32 $0xFFFFFFFF;
	p2 =	slt.u32 s8, $0xFFFFF086  }
0x1c: {  	p1 =	slt.u32 s9, $0xF7A;
	s5 =	simm.s32 @!p2 $0x0  }
0x1d: {  	s5 =	simm.s32 @p1 $0x1;
	p0 =	seq.s32 s7, s2  }
0x1e: {  	s7 =	smul.u32 @!p0 $0xF7A, s2;
	p2 =	seq.s32 @!p0 s5, $0x0  }
0x1f: {  	s9 =	smul.u32 $0xF7A, s1;
	s8 =	simm.s32 @!p0 $0x1BF5;
	p2 =	por !p2, p0  }
0x20: {  	[sflag:s8] =	ssyncset.s32 @!p0 $0xFFFFF086;
	s6 =	sadd.s32 @!p0 s3, s7;
	s7 =	simm.s32 @!p0 $0x108  }
0x21: {  	s3 =	sadd.s32 s3, s9;
	s6 =	sadd.s32 @!p0 $0x88, s6;
	s7 =	simm.s32 @p2 $0x1082  }
0x22: {  	[simem:s7], [sflag:s8] =	dma.local @!p0 [hbm:s6], $0xF7A  }
0x23: {  	s9 =	sor.u32 $0xD0000000, s2;
	s6 =	simm.s32 $0x108;
	_ =	swait.ge @!p0 [sflag:s8], $0x0  }
0x24: {  	s3 =	sadd.s32 $0x88, s3;
	s6 =	simm.s32 @!p1 $0x1082;
	[sflag:s4] =	ssyncset.s32 $0xFFFFF086  }
0x25: {  	[simem:s6], [sflag:s4] =	dma.local [hbm:s3], $0xF7A  }
0x26: {  	[smem:$0x3F96] =	sst s1;
	(tag) =	ssettag s2;
	_ =	strace s9  }
0x27: {  	s1 =	sld [smem:$0x3FA6]  }
0x28: {  	s2 =	sld [smem:$0x3FA7]  }
0x29: {  	s4 =	sld [smem:$0x3FA9]  }
0x2a: {  	p0 =	seq.s32 s5, $0x0;
	s5 =	sld [smem:$0x3FAA]  }
0x2b: {  	s6 =	sld [smem:$0x3FAB]  }
0x2c: {  	s7 =	sld [smem:$0x3FAC]  }
0x2d: {  	s3 =	simm.s32 $0x108;
	s8 =	sld [smem:$0x3FAD]  }
0x2e: {  	s3 =	simm.s32 @!p0 $0x1082;
	s9 =	sld [smem:$0x3FAE]  }
0x2f: {  	lr =	sadd.s32 s0, s3;
	s0 =	sld [smem:$0x3FA5]  }
0x30: {  	s3 =	sld [smem:$0x3FA8]  }
0x31: {  	[smem:$0x3FB1] =	sst s10  }
0x32: {  	s10 =	sld [smem:$0x3FAF];
	_ =	sdelay $0x3  }
0x33: {  	p0 =	seq.s32 s10, $0x1;
	s10 =	sld [smem:$0x3FB1];
	_ =	sdelay $0x3  }
0x34: {  	[smem:$0x3FB1] =	sst s10  }
0x35: {  	s10 =	sld [smem:$0x3FB0];
	_ =	sdelay $0x3  }
0x36: {  	p1 =	seq.s32 s10, $0x1;
	s10 =	sld [smem:$0x3FB1];
	_ =	sdelay $0x3  }
0x37: {  	[smem:$0x3FB1] =	sst s10  }
0x38: {  	s10 =	sld [smem:$0x3FB2]  }
0x39: {  	_ = 	snop;
	(pc) =	sbr.ind lr, $3  }
0x3a: {  	_ = 	snop  }
0x3b: {  	_ = 	snop  }
0x3c: {  	p2 =	seq.s32 s10, $0x1;
	s10 =	sld [smem:$0x3FB1]  }
0x3d: {  	_ =	shalt  }
0x3e: {  	_ =	shalt  }
0x3f: {  	_ =	shalt  }
0x40: {  	_ =	shalt  }
0x41: {  	_ =	shalt  }
0x42: {  	_ =	shalt  }
0x43: {  	_ =	shalt  }
0x44: {  	_ =	shalt  }
0x45: {  	_ =	shalt  }
0x46: {  	_ =	shalt  }
0x47: {  	_ =	shalt  }
0x48: {  	_ =	shalt  }
0x49: {  	_ =	shalt  }
0x4a: {  	_ =	shalt  }
0x4b: {  	_ =	shalt  }
0x4c: {  	_ =	shalt  }
0x4d: {  	_ =	shalt  }
0x4e: {  	_ =	shalt  }
0x4f: {  	_ =	shalt  }
0x50: {  	_ =	shalt  }
0x51: {  	_ =	shalt  }
0x52: {  	_ =	shalt  }
0x53: {  	_ =	shalt  }
0x54: {  	_ =	shalt  }
0x55: {  	_ =	shalt  }
0x56: {  	_ =	shalt  }
0x57: {  	_ =	shalt  }
0x58: {  	_ =	shalt  }
0x59: {  	_ =	shalt  }
0x5a: {  	_ =	shalt  }
0x5b: {  	_ =	shalt  }
0x5c: {  	_ =	shalt  }
0x5d: {  	_ =	shalt  }
0x5e: {  	_ =	shalt  }
0x5f: {  	_ =	shalt  }
0x60: {  	_ =	shalt  }
0x61: {  	_ =	shalt  }
0x62: {  	_ =	shalt  }
0x63: {  	_ =	shalt  }
0x64: {  	_ =	shalt  }
0x65: {  	_ =	shalt  }
0x66: {  	_ =	shalt  }
0x67: {  	_ =	shalt  }
0x68: {  	_ =	shalt  }
0x69: {  	_ =	shalt  }
0x6a: {  	_ =	shalt  }
0x6b: {  	_ =	shalt  }
0x6c: {  	_ =	shalt  }
0x6d: {  	_ =	shalt  }
0x6e: {  	_ =	shalt  }
0x6f: {  	_ =	shalt  }
0x70: {  	_ =	shalt  }
0x71: {  	_ =	shalt  }
0x72: {  	_ =	shalt  }
0x73: {  	_ =	shalt  }
0x74: {  	_ =	shalt  }
0x75: {  	_ =	shalt  }
0x76: {  	_ =	shalt  }
0x77: {  	_ =	shalt  }
0x78: {  	_ =	shalt  }
0x79: {  	_ =	shalt  }
0x7a: {  	_ =	shalt  }
0x7b: {  	_ =	shalt  }
0x7c: {  	_ =	shalt  }
0x7d: {  	_ =	shalt  }
0x7e: {  	_ =	shalt  }
0x7f: {  	_ =	shalt  }
0x80: {  	_ =	shalt  }
0x81: {  	_ =	shalt  }
0x82: {  	_ =	shalt  }
0x83: {  	_ =	shalt  }
0x84: {  	_ =	shalt  }
0x85: {  	_ =	shalt  }
0x86: {  	_ =	shalt  }
0x87: {  	_ =	shalt  }
.Lfunc_end0:
.L_simem_size_0:
called_computation_lowered:
.L_overlay_start_0:
0x88: {  	s2 =	sld [smem:$0x3FD9]  }
0x89: {  	s3 =	sld [smem:$0x3FFE];
	_ =	sdelay $0x1  }
0x8a: {  	s1 =	srdreg.scid  }
0x8b: {  	s0 =	sand.u32 $0x1, s1  }
0x8c: {  	s14 =	sshll.u32 s0, $0xA;
	s2 =	sadd.s32 s3, s2  }
0x8d: {  	s2 =	sadd.s32 s2, s14  }
0x8e: {  	[smem:$0x3FBD] =	sst s2  }
0x8f: {  	_ = 	snop  }
0x90: {  	s2 =	sld [smem:$0x3FD0];
	_ =	sdelay $0x2  }
0x91: {  	s15 =	simm.s32 $0xA;
	s4 =	simm.s32 $0x10  }
0x92: {  	[smem:s4], [sflag:s15] =	dma.local [hbm:s2], $0x1  }
0x93: {  	_ =	swait.eq [sflag:s15], $0x1  }
0x94: {  	[sflag:s15] =	ssyncset.done $0x0  }
0x95: {  	s16 =	sld [smem:$0x10];
	[sflag:s15] =	ssyncadd.s32 $0xFFFFFFFF  }
0x96: {  	s17 =	sld [smem:$0x11];
	(tm) =	ssettm $0x1  }
0x97: {  	s18 =	sld [smem:$0x3FFB];
	_ =	sdelay $0x3  }
0x98: {  	_ =	strace s18  }
0x99: {  	s4 =	sld [smem:$0x3FFC];
	_ =	sdelay $0x3  }
0x9a: {  	_ =	strace s4  }
0x9b: {  	s4 =	sld [smem:$0x3FFD];
	_ =	sdelay $0x3  }
0x9c: {  	_ =	strace s4  }
0x9d: {  	_ =	strace $0x8FFFFFFF  }
0x9e: {  	s19 =	sld [smem:$0x3FDB];
	_ =	sdelay $0x1  }
0x9f: {  	s5 =	simm.s32 $_scs_section_size  }
0xa0: {  	s6 =	simm.s32 $_size__tile_overlayer_lowered;
	s7 =	simm.s32 $_tile_overlayer_lowered  }
0xa1: {  	s22 =	simm.s32 $0x1BFF;
	s21 =	sshll.u32 s7, $0x1;
	s4 =	sadd.s32 s5, s19  }
0xa2: {  	s8 =	simm.s32 $0x0;
	s20 =	sshll.u32 s6, $0x1;
	s6 =	sadd.s32 s21, s4  }
0xa3: {  	[timem:s8], [sflag:s22] =	dma.local [hbm:s6], s20  }
0xa4: {  	_ =	swait.ge [sflag:s22], s20  }
0xa5: {  	s5 =	ssub.s32 $0x0, s20;
	[sflag:s22] =	ssyncset.done $0x0  }
0xa6: {  	[sflag:s22] =	ssyncadd.s32 s5;
	_ =	sdelay $0x1  }
0xa7: {  	s23 =	simm.s32 $0x1B8B  }
0xa8: {  	_ =	swait.ge [sflag:s23], $0x1  }
0xa9: {  	[sflag:s23] =	ssyncset.done $0x0  }
0xaa: {  	s25 =	simm.s32 $0x1B8E;
	s24 =	sld [smem:$0x3FFE];
	[sflag:s23] =	ssyncadd.s32 $0xFFFFFFFF  }
0xab: {  	s26 =	simm.s32 $execute0_lowered;
	[smem:$0x3FD2] =	sst s25  }
0xac: {  	s6 =	sshll.u32 s26, $0x1;
	_ =	strace $0x80000046;
	[dreg:$0x1] =	wrdreg $0xFFFFFFFF  }
0xad: {  	s28 =	simm.s32 $_size_execute0_lowered;
	s4 =	sadd.s32 s4, s6;
	[dreg:$0x0] =	wrdreg $0x0  }
0xae: {  	s6 =	sshll.u32 s28, $0x1;
	[dreg:$0x2] =	wrdreg s4  }
0xaf: {  	[dreg:$0x3] =	wrdreg s6  }
0xb0: {  	[dreg:$0x4] =	wrdreg $0xC0  }
0xb1: {  	_ =	task [dreg:s8], $0x5FFFF  }
0xb2: {  	[dreg:$0x1] =	wrdreg $0xFFFFFFFF  }
0xb3: {  	[dreg:$0x0] =	wrdreg $0x60  }
0xb4: {  	[dreg:$0x2] =	wrdreg s24  }
0xb5: {  	[dreg:$0x3] =	wrdreg s17  }
0xb6: {  	[dreg:$0x4] =	wrdreg s16  }
0xb7: {  	[dreg:$0x5] =	wrdreg $0x1B5600  }
0xb8: {  	[dreg:$0x6] =	wrdreg $0x105800  }
0xb9: {  	[dreg:$0x7] =	wrdreg $0x9  }
0xba: {  	_ =	task.clear_ibuf [dreg:s8], $0x8FFFF;
	_ =	strace $0x90000046  }
0xbb: {  	s29 =	simm.s32 $0x9;
	_ =	strace $0x80000048  }
0xbc: {  	_ =	swait.ge [sflag:s29], $0x1  }
0xbd: {  	[sflag:s29] =	ssyncadd.s32 $0xFFFFFFFF  }
0xbe: {  	_ =	strace $0x90000048  }
0xbf: {  	_ =	sfence  }
0xc0: {  	s30 =	sld [smem:$0x0];
	_ =	sdelay $0x2  }
0xc1: {  	s31 =	sshll.u32 s1, $0xD;
	s1 =	sshrl.u32 s1, $0x2  }
0xc2: {  	s3 =	sand.u32 $0x4000, s31;
	s1 =	sadd.s32 s1, s30  }
0xc3: {  	s0 =	sor.u32 s3, s0;
	s1 =	sshll.u32 s1, $0x11  }
0xc4: {  	s0 =	sor.u32 s1, s0  }
0xc5: {  	s0 =	sadd.s32 $0x8F2B, s0  }
0xc6: {  	[sflag:s0] =	ssyncadd.remote.s32 $0x1  }
0xc7: {  	_ =	sfence.sel $0xFFFF  }
0xc8: {  	[dreg:$0x0] =	wrdreg $0xFFFFFFFF;
	(pc) =	sbr.abs _section_cstart, $3  }
0xc9: {  	[dreg:$0x1] =	wrdreg $0xFFFFFFFF  }
0xca: {  	_ =	task.clear_ibuf [dreg:s8], $0x2FFFF;
	_ =	strace $0x9FFFFFFF  }
0xcb: {  	(tm) =	ssettm $0x7FFFFFFF  }
tec
execute0_lowered:
.L_overlay_start_1:
0x0: {  	(tag) =	ssettag $0x1  }
0x1: {  	s0 =	rddreg [dreg:$0x0]  }
0x2: {  	s1 =	rddreg [dreg:$0x1]  }
0x3: {  	s17 =	rddreg [dreg:$0x2]  }
0x4: {  	s3 =	srdreg.scid;
	s18 =	stileid.u32  }
0x5: {  	s2 =	rddreg [dreg:$0x3];
	s4 =	simm.s32 $0x0;
	s5 =	smul.u32 $0x4F00, s18  }
0x6: {  	s28 =	simm.s32 $0x1A380;
	s29 =	simm.s32 $0x2;
	s13 =	smul.u32 $0x278, s18  }
0x7: {  	s9 =	sand.u32 $0x1, s3;
	s3 =	rddreg [dreg:$0x4];
	s7 =	smul.u32 $0x9E00, s18  }
0x8: {  	s31 =	simm.s32 $0x9D00;
	[smem:$0x7FF] =	sst s4;
	s18 =	smul.u32 $0x27800, s18  }
0x9: {  	s6 =	smul.u32 $0x4F000, s9;
	_ =	strace $0x80000047;
	s19 =	ssub.s32 $0x2, s9  }
0xa: {  	s8 =	sshll.u32 s13, $0x6;
	s20 =	sshrl.u32 s19, $0x1;
	s21 =	sshrl.u32 s7, $0x2  }
0xb: {  	s24 =	sshrl.u32 s18, $0x2;
	s6 =	sadd.s32 s5, s6;
	s5 =	sshrl.u32 s5, $0x3  }
0xc: {  	s12 =	sadd.s32 $0x2780, s8;
	s14 =	sadd.s32 $0x4F00, s8;
	s16 =	sadd.s32 $0x7680, s8  }
0xd: {  	s6 =	sshrl.u32 s6, $0x3;
	s10 =	sadd.s32 s5, s0;
	s5 =	sadd.s32 $0x2BE00, s0  }
0xe: {  	s22 =	sshrl.u32 s12, $0x2;
	s11 =	sshrl.u32 s14, $0x2;
	s23 =	sshrl.u32 s16, $0x2  }
0xf: {  	s12 =	sadd.s32 s12, s3;
	s15 =	sadd.s32 s6, s0;
	s0 =	ssub.s32 s19, s20  }
0x10: {  	s6 =	sadd.s32 s21, s2;
	s7 =	sadd.s32 s22, s2;
	s8 =	sadd.s32 s11, s2  }
0x11: {  	s19 =	smul.u32 $0x2780, s9;
	s9 =	sadd.s32 s23, s2;
	s10 =	sadd.s32 $0x53000, s10  }
0x12: {  	s11 =	sadd.s32 s24, s3;
	s20 =	simm.s32 $0x3;
	s22 =	simm.s32 $0xDE00  }
0x13: {  	s23 =	simm.s32 $0x80;
	s24 =	simm.s32 $0x9E00;
	s15 =	sadd.s32 $0x4600, s15  }
0x14: {  	s18 =	smax.u32 s0, $0x1;
	s25 =	sadd.s32 s13, s19;
	s13 =	sadd.s32 s14, s3  }
0x15: {  	s14 =	sadd.s32 s16, s3;
	s19 =	simm.s32 $0x1AB80;
	s26 =	sshll.u32 s25, $0x3  }
0x16: {  	s30 =	sshll.u32 s25, $0x1;
	s25 =	simm.s32 $0x1;
	s16 =	sadd.s32 s1, s26  }
0x17: {  	v0 =	vimm.f32 $0.0e+00;
	v1 =	vimm.f32 $1.000000000e+00;
	s17 =	sadd.s32 s17, s30;
	s26 =	simm.s32 $0xBE00;
	s1 =	simm.s32 $0x9D80  }
.LBB2_1:
0x18: {  	s21 =	simm.s32 $0x100;
	s0 =	simm.s32 $0x0  }
.LBB2_2:
0x19: {  	p0 =	sne.s32 s21, $0x9D00;
	[tilespmem:s0+$0xDE30] =	vst v0;
	s30 =	smov.u32 s21;
	s21 =	sadd.s32 $0x100, s21  }
.Ltmp0:
0x1a: {  	[tilespmem:s0+$0xDE20] =	vst v0;
	(pc) =	sbr.rel @p0 .LBB2_2-.Ltmp0, $3  }
0x1b: {  	[tilespmem:s0+$0xDE00] =	vst v0  }
0x1c: {  	[tilespmem:s0+$0xDE10] =	vst v0;
	_ =	sdelay $0x1  }
0x1d: {  	s0 =	sshra.s32 s30, $0x2  }
0x1e: {  	[tilespmem:s0+$0xDE30] =	vst v0  }
0x1f: {  	[tilespmem:s0+$0xDE20] =	vst v0  }
0x20: {  	[tilespmem:s0+$0xDE00] =	vst v0  }
0x21: {  	[tilespmem:s0+$0xDE10] =	vst v0;
	s0 =	simm.s32 $0x40;
	s21 =	simm.s32 $0x0  }
.LBB2_4:
0x22: {  	p0 =	sne.s32 s0, $0x1FC0;
	[tilespmem:s21+$0x1A380] =	vst v1;
	s21 =	smov.u32 s0;
	s0 =	sadd.s32 $0x40, s0  }
.Ltmp1:
0x23: {  	(pc) =	sbr.rel @p0 .LBB2_4-.Ltmp1, $2  }
0x24: {  	_ =	sdelay $0x2  }
0x25: {  	s21 =	sshra.s32 s21, $0x2  }
0x26: {  	[tilespmem:s21+$0x1A380] =	vst v1;
	s0 =	simm.s32 $0x40;
	s21 =	simm.s32 $0x0  }
.LBB2_6:
0x27: {  	p0 =	sne.s32 s0, $0x2740;
	[tilespmem:s21+$0x1AB80] =	vst v0;
	s21 =	smov.u32 s0;
	s0 =	sadd.s32 $0x40, s0  }
.Ltmp2:
0x28: {  	(pc) =	sbr.rel @p0 .LBB2_6-.Ltmp2, $2  }
0x29: {  	_ =	sdelay $0x2  }
0x2a: {  	s21 =	sshra.s32 s21, $0x2  }
0x2b: {  	[tilespmem:s21+$0x1AB80] =	vst v0  }
0x2c: {  	[spmem:s6] =	stream.linear.scatter [tilespmem:s19], [sflag:$0x3], $0x9E0, $0x38;
	[tilespmem:$0x1DCE0] =	vst v63  }
0x2d: {  	_ =	swait.ge [sflag:s20], $0x9E0  }
0x2e: {  	[sflag:s20] =	ssyncset.done $0x0  }
0x2f: {  	[sflag:s20] =	ssyncadd.s32 $0xFFFFF620  }
0x30: {  	[spmem:s7] =	stream.linear.scatter [tilespmem:s19], [sflag:$0x3], $0x9E0, $0x38;
	[tilespmem:$0x1DCE0] =	vst v63  }
0x31: {  	_ =	swait.ge [sflag:s20], $0x9E0  }
0x32: {  	[sflag:s20] =	ssyncset.done $0x0  }
0x33: {  	[sflag:s20] =	ssyncadd.s32 $0xFFFFF620  }
0x34: {  	[spmem:s8] =	stream.linear.scatter [tilespmem:s19], [sflag:$0x3], $0x9E0, $0x38;
	[tilespmem:$0x1DCE0] =	vst v63  }
0x35: {  	_ =	swait.ge [sflag:s20], $0x9E0  }
0x36: {  	[sflag:s20] =	ssyncset.done $0x0  }
0x37: {  	[sflag:s20] =	ssyncadd.s32 $0xFFFFF620  }
0x38: {  	[spmem:s9] =	stream.linear.scatter [tilespmem:s19], [sflag:$0x3], $0x9E0, $0x38;
	[tilespmem:$0x1DCE0] =	vst v63  }
0x39: {  	_ =	swait.ge [sflag:s20], $0x9E0  }
0x3a: {  	[sflag:s20] =	ssyncset.done $0x0  }
0x3b: {  	s0 =	simm.s32 $0x0;
	s30 =	simm.s32 $0x4F00;
	[sflag:s20] =	ssyncadd.s32 $0xFFFFF620  }
0x3c: {  	[tilespmem:s30], [sflag:$0x3] =	stream.linear.gather [hbm4b:s10+s0], $0x4F00, $0x38;
	[tilespmem:$0x1DCE0] =	vst v63  }
0x3d: {  	_ =	swait.ge [sflag:s20], $0x4F00  }
0x3e: {  	[sflag:s20] =	ssyncset.done $0x0  }
0x3f: {  	[sflag:s20] =	ssyncadd.s32 $0xFFFFB100  }
0x40: {  	[spmem:s11] =	stream.linear.scatter [tilespmem:s22], [sflag:$0x3], $0x2780, $0x38;
	[tilespmem:$0x1DCE0] =	vst v63  }
0x41: {  	_ =	swait.ge [sflag:s20], $0x2780  }
0x42: {  	[sflag:s20] =	ssyncset.done $0x0  }
0x43: {  	[sflag:s20] =	ssyncadd.s32 $0xFFFFD880  }
0x44: {  	[spmem:s12] =	stream.linear.scatter [tilespmem:s22], [sflag:$0x3], $0x2780, $0x38;
	[tilespmem:$0x1DCE0] =	vst v63  }
0x45: {  	_ =	swait.ge [sflag:s20], $0x2780  }
0x46: {  	[sflag:s20] =	ssyncset.done $0x0  }
0x47: {  	[sflag:s20] =	ssyncadd.s32 $0xFFFFD880  }
0x48: {  	[spmem:s13] =	stream.linear.scatter [tilespmem:s22], [sflag:$0x3], $0x2780, $0x38;
	[tilespmem:$0x1DCE0] =	vst v63  }
0x49: {  	_ =	swait.ge [sflag:s20], $0x2780  }
0x4a: {  	[sflag:s20] =	ssyncset.done $0x0  }
0x4b: {  	[sflag:s20] =	ssyncadd.s32 $0xFFFFD880  }
0x4c: {  	[spmem:s14] =	stream.linear.scatter [tilespmem:s22], [sflag:$0x3], $0x2780, $0x38;
	[tilespmem:$0x1DCE0] =	vst v63  }
0x4d: {  	_ =	swait.ge [sflag:s20], $0x2780  }
0x4e: {  	[sflag:s20] =	ssyncset.done $0x0  }
0x4f: {  	[sflag:s20] =	ssyncadd.s32 $0xFFFFD880  }
0x50: {  	[tilespmem:s0], [sflag:$0x3] =	stream.linear.gather [hbm4b:s15+s0], $0x4F00, $0x38;
	[tilespmem:$0x1DCE0] =	vst v63  }
0x51: {  	_ =	swait.ge [sflag:s20], $0x4F00  }
0x52: {  	[sflag:s20] =	ssyncset.done $0x0  }
0x53: {  	[sflag:s20] =	ssyncadd.s32 $0xFFFFB100  }
0x54: {  	[bflag:$0x0] =	sbarrier.arrive $0xFFFF  }
0x55: {  	[tilespmem:s24], [sflag:$0x1] =	stream.indirect.gather [hbm4b:s5+s23], $0x40, s0, s23, $0xb8;
	[tilespmem:$0x1DCE0] =	vst v63  }
0x56: {  	_ =	swait.ge [sflag:s25], $0x2000  }
0x57: {  	[sflag:s25] =	ssyncset.done $0x0  }
0x58: {  	s21 =	simm.s32 $0x80;
	[sflag:s25] =	ssyncadd.s32 $0xFFFFE000  }
0x59: {  	[tilespmem:s26], [sflag:$0x2] =	stream.indirect.gather [hbm4b:s5+s23], $0x40, s21, s23, $0xb8;
	[tilespmem:$0x1DCE0] =	vst v63  }
0x5a: {  	s30 =	simm.s32 $0x4F00  }
0x5b: {  	[spmem:s3] =	stream.indirect.scatter.add.f32 [tilespmem:s24], [sflag:$0x3], $0x40, s30, s23, $0xb8;
	[tilespmem:$0x1DCE0] =	vst v63  }
0x5c: {  	_ =	swait.ge [sflag:s20], $0x2000  }
0x5d: {  	[sflag:s20] =	ssyncset.done $0x0  }
0x5e: {  	[sflag:s20] =	ssyncadd.s32 $0xFFFFE000  }
0x5f: {  	[spmem:s2] =	stream.indirect.scatter.add.f32 [tilespmem:s28], [sflag:$0x3], $0x10, s30, s23, $0xb8;
	[tilespmem:$0x1DCE0] =	vst v63  }
0x60: {  	_ =	swait.ge [sflag:s20], $0x800  }
0x61: {  	[sflag:s20] =	ssyncset.done $0x0  }
0x62: {  	[sflag:s20] =	ssyncadd.s32 $0xFFFFF800  }
0x63: {  	_ =	swait.ge [sflag:s29], $0x2000  }
0x64: {  	[sflag:s29] =	ssyncset.done $0x0  }
0x65: {  	s21 =	simm.s32 $0x100;
	[sflag:s29] =	ssyncadd.s32 $0xFFFFE000  }
0x66: {  	[tilespmem:s24], [sflag:$0x1] =	stream.indirect.gather [hbm4b:s5+s23], $0x40, s21, s23, $0xb8;
	[tilespmem:$0x1DCE0] =	vst v63  }
0x67: {  	s30 =	simm.s32 $0x4F80  }
0x68: {  	[spmem:s3] =	stream.indirect.scatter.add.f32 [tilespmem:s26], [sflag:$0x3], $0x40, s30, s23, $0xb8;
	[tilespmem:$0x1DCE0] =	vst v63  }
0x69: {  	_ =	swait.ge [sflag:s20], $0x2000  }
0x6a: {  	[sflag:s20] =	ssyncset.done $0x0  }
0x6b: {  	[sflag:s20] =	ssyncadd.s32 $0xFFFFE000  }
0x6c: {  	[spmem:s2] =	stream.indirect.scatter.add.f32 [tilespmem:s28], [sflag:$0x3], $0x10, s30, s23, $0xb8;
	[tilespmem:$0x1DCE0] =	vst v63  }
0x6d: {  	_ =	swait.ge [sflag:s20], $0x800  }
0x6e: {  	s0 =	simm.s32 $0x400;
	[sflag:s20] =	ssyncset.done $0x0  }
.LBB2_8:
0x6f: {  	p0 =	sne.s32 s0, $0x13400  }
0x70: {  	[sflag:s20] =	ssyncadd.s32 $0xFFFFF800;
	s21 =	smov.u32 s0;
	s0 =	sadd.s32 $0x400, s0  }
0x71: {  	_ =	swait.ge [sflag:s25], $0x2000  }
0x72: {  	s21 =	sshra.s32 s21, $0x2;
	[sflag:s25] =	ssyncset.done $0x0  }
0x73: {  	s30 =	sadd.s32 $0x80, s21;
	[sflag:s25] =	ssyncadd.s32 $0xFFFFE000  }
0x74: {  	[tilespmem:s26], [sflag:$0x2] =	stream.indirect.gather [hbm4b:s5+s23], $0x40, s30, s23, $0xb8;
	[tilespmem:$0x1DCE0] =	vst v63  }
0x75: {  	s30 =	sadd.s32 $0x4F00, s21  }
0x76: {  	[spmem:s3] =	stream.indirect.scatter.add.f32 [tilespmem:s24], [sflag:$0x3], $0x40, s30, s23, $0xb8;
	[tilespmem:$0x1DCE0] =	vst v63  }
0x77: {  	_ =	swait.ge [sflag:s20], $0x2000  }
0x78: {  	[sflag:s20] =	ssyncset.done $0x0  }
0x79: {  	[sflag:s20] =	ssyncadd.s32 $0xFFFFE000  }
0x7a: {  	[spmem:s2] =	stream.indirect.scatter.add.f32 [tilespmem:s28], [sflag:$0x3], $0x10, s30, s23, $0xb8;
	[tilespmem:$0x1DCE0] =	vst v63  }
0x7b: {  	_ =	swait.ge [sflag:s20], $0x800  }
0x7c: {  	[sflag:s20] =	ssyncset.done $0x0  }
0x7d: {  	[sflag:s20] =	ssyncadd.s32 $0xFFFFF800  }
0x7e: {  	_ =	swait.ge [sflag:s29], $0x2000  }
0x7f: {  	[sflag:s29] =	ssyncset.done $0x0  }
0x80: {  	s30 =	sadd.s32 $0x100, s21;
	[sflag:s29] =	ssyncadd.s32 $0xFFFFE000  }
0x81: {  	[tilespmem:s24], [sflag:$0x1] =	stream.indirect.gather [hbm4b:s5+s23], $0x40, s30, s23, $0xb8;
	[tilespmem:$0x1DCE0] =	vst v63  }
0x82: {  	s21 =	sadd.s32 $0x4F80, s21  }
0x83: {  	[spmem:s3] =	stream.indirect.scatter.add.f32 [tilespmem:s26], [sflag:$0x3], $0x40, s21, s23, $0xb8;
	[tilespmem:$0x1DCE0] =	vst v63  }
0x84: {  	_ =	swait.ge [sflag:s20], $0x2000  }
.Ltmp3:
0x85: {  	[sflag:s20] =	ssyncset.done $0x0;
	(pc) =	sbr.rel @p0 .LBB2_8-.Ltmp3, $4  }
0x86: {  	[sflag:s20] =	ssyncadd.s32 $0xFFFFE000  }
0x87: {  	[spmem:s2] =	stream.indirect.scatter.add.f32 [tilespmem:s28], [sflag:$0x3], $0x10, s21, s23, $0xb8;
	[tilespmem:$0x1DCE0] =	vst v63  }
0x88: {  	_ =	swait.ge [sflag:s20], $0x800  }
0x89: {  	[sflag:s20] =	ssyncset.done $0x0  }
0x8a: {  	[sflag:s20] =	ssyncadd.s32 $0xFFFFF800  }
0x8b: {  	_ =	swait.ge [sflag:s25], $0x2000  }
0x8c: {  	[sflag:s25] =	ssyncset.done $0x0  }
0x8d: {  	s0 =	simm.s32 $0x4E80;
	[sflag:s25] =	ssyncadd.s32 $0xFFFFE000  }
0x8e: {  	[tilespmem:s26], [sflag:$0x2] =	stream.indirect.gather [hbm4b:s5+s23], $0x40, s0, s23, $0xb8;
	[tilespmem:$0x1DCE0] =	vst v63  }
0x8f: {  	_ = 	snop  }
0x90: {  	[spmem:s3] =	stream.indirect.scatter.add.f32 [tilespmem:s24], [sflag:$0x3], $0x40, s31, s23, $0xb8;
	[tilespmem:$0x1DCE0] =	vst v63  }
0x91: {  	_ =	swait.ge [sflag:s20], $0x2000  }
0x92: {  	[sflag:s20] =	ssyncset.done $0x0  }
0x93: {  	[sflag:s20] =	ssyncadd.s32 $0xFFFFE000  }
0x94: {  	[spmem:s2] =	stream.indirect.scatter.add.f32 [tilespmem:s28], [sflag:$0x3], $0x10, s31, s23, $0xb8;
	[tilespmem:$0x1DCE0] =	vst v63  }
0x95: {  	_ =	swait.ge [sflag:s20], $0x800  }
0x96: {  	[sflag:s20] =	ssyncset.done $0x0  }
0x97: {  	[sflag:s20] =	ssyncadd.s32 $0xFFFFF800  }
0x98: {  	_ =	swait.ge [sflag:s29], $0x2000  }
0x99: {  	[sflag:s29] =	ssyncset.done $0x0  }
0x9a: {  	[sflag:s29] =	ssyncadd.s32 $0xFFFFE000  }
0x9b: {  	[spmem:s3] =	stream.indirect.scatter.add.f32 [tilespmem:s26], [sflag:$0x3], $0x40, s1, s23, $0xb8;
	[tilespmem:$0x1DCE0] =	vst v63  }
0x9c: {  	_ =	swait.ge [sflag:s20], $0x2000  }
0x9d: {  	[sflag:s20] =	ssyncset.done $0x0  }
0x9e: {  	[sflag:s20] =	ssyncadd.s32 $0xFFFFE000  }
0x9f: {  	[spmem:s2] =	stream.indirect.scatter.add.f32 [tilespmem:s28], [sflag:$0x3], $0x10, s1, s23, $0xb8;
	[tilespmem:$0x1DCE0] =	vst v63  }
0xa0: {  	_ =	swait.ge [sflag:s20], $0x800  }
0xa1: {  	s21 =	stileid.u32;
	[sflag:s20] =	ssyncset.done $0x0  }
0xa2: {  	s0 =	sshll.u32 s21, $0x6;
	[sflag:s20] =	ssyncadd.s32 $0xFFFFF800  }
0xa3: {  	s21 =	sshrl.u32 s11, $0x3;
	s0 =	sor.u32 $0x1C03, s0;
	[bflag:$0x0] =	sbarrier.arrive $0xFFFF  }
0xa4: {  	[hbm:s16], [sflag:s0] =	dma.local [spmem:s21], $0x13C0  }
0xa5: {  	_ =	swait.ge [sflag:s20], $0x13C0  }
0xa6: {  	s4 =	sadd.s32 $0x1, s4;
	[sflag:s20] =	ssyncset.done $0x0  }
0xa7: {  	s30 =	sshrl.u32 s6, $0x3;
	p0 =	sne.s32 s4, s18;
	[sflag:s20] =	ssyncadd.s32 $0xFFFFEC40  }
0xa8: {  	[hbm:s17], [sflag:s0] =	dma.local [spmem:s30], $0x4F0  }
.Ltmp4:
0xa9: {  	_ =	swait.ge [sflag:s20], $0x4F0;
	(pc) =	sbr.rel @p0 .LBB2_1-.Ltmp4, $3  }
0xaa: {  	[sflag:s20] =	ssyncset.done $0x0  }
0xab: {  	[sflag:s20] =	ssyncadd.s32 $0xFFFFFB10  }
0xac: {  	[bflag:$0x0] =	sbarrier.arrive $0xFFFF;
	_ =	sdelay $0x1  }
0xad: {  	_ =	sfence.sel $0x180000  }
0xae: {  	[bflag:$0x0] =	sbarrier.arrive $0xFFFF  }
0xaf: {  	_ =	strace $0x90000047  }
0xb0: {  	s0 =	stileid.u32;
	[bflag:$0x2] =	sbarrier.arrive $0xFFFF  }
0xb1: {  	p0 =	sne.s32 s0, $0x0;
	s0 =	rddreg [dreg:$0x5]  }
0xb2: {  	s0 =	sadd.s32 @!p0 $0x100000, s0  }
0xb3: {  	[sflag:s0] =	ssyncadd.tile.s32 @!p0 $0x1;
	_ =	shalt  }
.Lfunc_end2:
_tile_overlayer_lowered:
.L_overlay_start_2:
0xb4: {  	(tag) =	ssettag $0x2  }
0xb5: {  	s0 =	rddreg [dreg:$0x0];
	s2 =	stileid.u32  }
0xb6: {  	s1 =	rddreg [dreg:$0x1];
	p0 =	sne.s32 s2, $0x0  }
0xb7: {  	s3 =	rddreg [dreg:$0x2];
	[bflag:$0x3] =	sbarrier.arrive $0xFFFF;
	s2 =	simm.s32 @!p0 $0x1C03  }
0xb8: {  	[timem:s3], [sflag:s2] =	dma.local @!p0 [hbm:s0], s1  }
0xb9: {  	s0 =	simm.s32 @!p0 $0x3  }
0xba: {  	_ =	swait.ge @!p0 [sflag:s0], s1  }
0xbb: {  	s1 =	ssub.s32 @!p0 $0x0, s1;
	[sflag:s0] =	ssyncset.done @!p0 $0x0  }
0xbc: {  	[sflag:s0] =	ssyncadd.s32 @!p0 s1  }
0xbd: {  	[bflag:$0x3] =	sbarrier.arrive $0xFFFF  }
0xbe: {  	_ =	shalt  }

// kernel: kernel.14.cloned.1.call-start
scs
__scs_entry_jumppad:
0x0: {  	(pc) =	sbr.rel $0x88, $3  }
0x1: {  	(tag) =	ssettag $0x0;
	lr =	simm.s32 $0x1  }
0x2: {  	[smem:$0x3F96] =	sst lr;
	_ =	strace $0xD0000000  }
0x3: {  	_ = 	snop  }
0x4: {  	_ = 	snop  }
0x5: {  	_ = 	snop  }
0x6: {  	_ = 	snop  }
0x7: {  	_ = 	snop  }
__scs_overlays_trampoline_lowered:
0x8: {  	[smem:$0x3FA5] =	sst s0  }
0x9: {  	[smem:$0x3FA6] =	sst s1  }
0xa: {  	[smem:$0x3FA7] =	sst s2  }
0xb: {  	[smem:$0x3FA8] =	sst s3  }
0xc: {  	[smem:$0x3FA9] =	sst s4  }
0xd: {  	[smem:$0x3FAA] =	sst s5  }
0xe: {  	[smem:$0x3FAB] =	sst s6  }
0xf: {  	[smem:$0x3FAC] =	sst s7  }
0x10: {  	[smem:$0x3FAD] =	sst s8  }
0x11: {  	[smem:$0x3FAE] =	sst s9;
	s0 =	simm.s32 @!p0 $0x0  }
0x12: {  	s1 =	sld [smem:$0x3F94];
	s0 =	simm.s32 @p0 $0x1  }
0x13: {  	[smem:$0x3FAF] =	sst s0;
	s0 =	simm.s32 @!p1 $0x0  }
0x14: {  	s2 =	sld [smem:$0x3F93];
	s0 =	simm.s32 @p1 $0x1  }
0x15: {  	[smem:$0x3FB0] =	sst s0;
	s0 =	simm.s32 @!p2 $0x0  }
0x16: {  	s3 =	sld [smem:$0x3FDB];
	s0 =	simm.s32 @p2 $0x1  }
0x17: {  	s4 =	simm.s32 $0x1BF5;
	[smem:$0x3FB2] =	sst s0  }
0x18: {  	s0 =	sld [smem:$0x3F95];
	_ =	swait.ge [sflag:s4], $0x0  }
0x19: {  	s7 =	sld [smem:$0x3F96]  }
0x1a: {  	s8 =	sadd.s32 $0xFFFFE003, lr  }
0x1b: {  	s9 =	sadd.s32 $0xFFFFFEF7, lr;
	s5 =	simm.s32 $0xFFFFFFFF;
	p2 =	slt.u32 s8, $0xFFFFF086  }
0x1c: {  	p1 =	slt.u32 s9, $0xF7A;
	s5 =	simm.s32 @!p2 $0x0  }
0x1d: {  	s5 =	simm.s32 @p1 $0x1;
	p0 =	seq.s32 s7, s2  }
0x1e: {  	s7 =	smul.u32 @!p0 $0xF7A, s2;
	p2 =	seq.s32 @!p0 s5, $0x0  }
0x1f: {  	s9 =	smul.u32 $0xF7A, s1;
	s8 =	simm.s32 @!p0 $0x1BF5;
	p2 =	por !p2, p0  }
0x20: {  	[sflag:s8] =	ssyncset.s32 @!p0 $0xFFFFF086;
	s6 =	sadd.s32 @!p0 s3, s7;
	s7 =	simm.s32 @!p0 $0x108  }
0x21: {  	s3 =	sadd.s32 s3, s9;
	s6 =	sadd.s32 @!p0 $0x88, s6;
	s7 =	simm.s32 @p2 $0x1082  }
0x22: {  	[simem:s7], [sflag:s8] =	dma.local @!p0 [hbm:s6], $0xF7A  }
0x23: {  	s9 =	sor.u32 $0xD0000000, s2;
	s6 =	simm.s32 $0x108;
	_ =	swait.ge @!p0 [sflag:s8], $0x0  }
0x24: {  	s3 =	sadd.s32 $0x88, s3;
	s6 =	simm.s32 @!p1 $0x1082;
	[sflag:s4] =	ssyncset.s32 $0xFFFFF086  }
0x25: {  	[simem:s6], [sflag:s4] =	dma.local [hbm:s3], $0xF7A  }
0x26: {  	[smem:$0x3F96] =	sst s1;
	(tag) =	ssettag s2;
	_ =	strace s9  }
0x27: {  	s1 =	sld [smem:$0x3FA6]  }
0x28: {  	s2 =	sld [smem:$0x3FA7]  }
0x29: {  	s4 =	sld [smem:$0x3FA9]  }
0x2a: {  	p0 =	seq.s32 s5, $0x0;
	s5 =	sld [smem:$0x3FAA]  }
0x2b: {  	s6 =	sld [smem:$0x3FAB]  }
0x2c: {  	s7 =	sld [smem:$0x3FAC]  }
0x2d: {  	s3 =	simm.s32 $0x108;
	s8 =	sld [smem:$0x3FAD]  }
0x2e: {  	s3 =	simm.s32 @!p0 $0x1082;
	s9 =	sld [smem:$0x3FAE]  }
0x2f: {  	lr =	sadd.s32 s0, s3;
	s0 =	sld [smem:$0x3FA5]  }
0x30: {  	s3 =	sld [smem:$0x3FA8]  }
0x31: {  	[smem:$0x3FB1] =	sst s10  }
0x32: {  	s10 =	sld [smem:$0x3FAF];
	_ =	sdelay $0x3  }
0x33: {  	p0 =	seq.s32 s10, $0x1;
	s10 =	sld [smem:$0x3FB1];
	_ =	sdelay $0x3  }
0x34: {  	[smem:$0x3FB1] =	sst s10  }
0x35: {  	s10 =	sld [smem:$0x3FB0];
	_ =	sdelay $0x3  }
0x36: {  	p1 =	seq.s32 s10, $0x1;
	s10 =	sld [smem:$0x3FB1];
	_ =	sdelay $0x3  }
0x37: {  	[smem:$0x3FB1] =	sst s10  }
0x38: {  	s10 =	sld [smem:$0x3FB2]  }
0x39: {  	_ = 	snop;
	(pc) =	sbr.ind lr, $3  }
0x3a: {  	_ = 	snop  }
0x3b: {  	_ = 	snop  }
0x3c: {  	p2 =	seq.s32 s10, $0x1;
	s10 =	sld [smem:$0x3FB1]  }
0x3d: {  	_ =	shalt  }
0x3e: {  	_ =	shalt  }
0x3f: {  	_ =	shalt  }
0x40: {  	_ =	shalt  }
0x41: {  	_ =	shalt  }
0x42: {  	_ =	shalt  }
0x43: {  	_ =	shalt  }
0x44: {  	_ =	shalt  }
0x45: {  	_ =	shalt  }
0x46: {  	_ =	shalt  }
0x47: {  	_ =	shalt  }
0x48: {  	_ =	shalt  }
0x49: {  	_ =	shalt  }
0x4a: {  	_ =	shalt  }
0x4b: {  	_ =	shalt  }
0x4c: {  	_ =	shalt  }
0x4d: {  	_ =	shalt  }
0x4e: {  	_ =	shalt  }
0x4f: {  	_ =	shalt  }
0x50: {  	_ =	shalt  }
0x51: {  	_ =	shalt  }
0x52: {  	_ =	shalt  }
0x53: {  	_ =	shalt  }
0x54: {  	_ =	shalt  }
0x55: {  	_ =	shalt  }
0x56: {  	_ =	shalt  }
0x57: {  	_ =	shalt  }
0x58: {  	_ =	shalt  }
0x59: {  	_ =	shalt  }
0x5a: {  	_ =	shalt  }
0x5b: {  	_ =	shalt  }
0x5c: {  	_ =	shalt  }
0x5d: {  	_ =	shalt  }
0x5e: {  	_ =	shalt  }
0x5f: {  	_ =	shalt  }
0x60: {  	_ =	shalt  }
0x61: {  	_ =	shalt  }
0x62: {  	_ =	shalt  }
0x63: {  	_ =	shalt  }
0x64: {  	_ =	shalt  }
0x65: {  	_ =	shalt  }
0x66: {  	_ =	shalt  }
0x67: {  	_ =	shalt  }
0x68: {  	_ =	shalt  }
0x69: {  	_ =	shalt  }
0x6a: {  	_ =	shalt  }
0x6b: {  	_ =	shalt  }
0x6c: {  	_ =	shalt  }
0x6d: {  	_ =	shalt  }
0x6e: {  	_ =	shalt  }
0x6f: {  	_ =	shalt  }
0x70: {  	_ =	shalt  }
0x71: {  	_ =	shalt  }
0x72: {  	_ =	shalt  }
0x73: {  	_ =	shalt  }
0x74: {  	_ =	shalt  }
0x75: {  	_ =	shalt  }
0x76: {  	_ =	shalt  }
0x77: {  	_ =	shalt  }
0x78: {  	_ =	shalt  }
0x79: {  	_ =	shalt  }
0x7a: {  	_ =	shalt  }
0x7b: {  	_ =	shalt  }
0x7c: {  	_ =	shalt  }
0x7d: {  	_ =	shalt  }
0x7e: {  	_ =	shalt  }
0x7f: {  	_ =	shalt  }
0x80: {  	_ =	shalt  }
0x81: {  	_ =	shalt  }
0x82: {  	_ =	shalt  }
0x83: {  	_ =	shalt  }
0x84: {  	_ =	shalt  }
0x85: {  	_ =	shalt  }
0x86: {  	_ =	shalt  }
0x87: {  	_ =	shalt  }
.Lfunc_end0:
.L_simem_size_0:
called_computation.1_lowered:
.L_overlay_start_0:
0x88: {  	s2 =	sld [smem:$0x3FD9]  }
0x89: {  	s3 =	sld [smem:$0x3FFE];
	_ =	sdelay $0x1  }
0x8a: {  	s1 =	srdreg.scid  }
0x8b: {  	s0 =	sand.u32 $0x1, s1  }
0x8c: {  	s14 =	sshll.u32 s0, $0xA;
	s2 =	sadd.s32 s3, s2  }
0x8d: {  	s2 =	sadd.s32 s2, s14  }
0x8e: {  	[smem:$0x3FBD] =	sst s2  }
0x8f: {  	_ = 	snop  }
0x90: {  	s2 =	sld [smem:$0x3FD0];
	_ =	sdelay $0x2  }
0x91: {  	s15 =	simm.s32 $0xA;
	s4 =	simm.s32 $0x10  }
0x92: {  	[smem:s4], [sflag:s15] =	dma.local [hbm:s2], $0x1  }
0x93: {  	_ =	swait.eq [sflag:s15], $0x1  }
0x94: {  	[sflag:s15] =	ssyncset.done $0x0  }
0x95: {  	[sflag:s15] =	ssyncadd.s32 $0xFFFFFFFF  }
0x96: {  	s16 =	sld [smem:$0x12];
	(tm) =	ssettm $0x1  }
0x97: {  	s17 =	sld [smem:$0x3FFB];
	_ =	sdelay $0x3  }
0x98: {  	_ =	strace s17  }
0x99: {  	s3 =	sld [smem:$0x3FFC];
	_ =	sdelay $0x3  }
0x9a: {  	_ =	strace s3  }
0x9b: {  	s3 =	sld [smem:$0x3FFD];
	_ =	sdelay $0x3  }
0x9c: {  	_ =	strace s3  }
0x9d: {  	_ =	strace $0x8FFFFFFF  }
0x9e: {  	s18 =	sld [smem:$0x3FDB];
	_ =	sdelay $0x1  }
0x9f: {  	s19 =	simm.s32 $_scs_section_size  }
0xa0: {  	s5 =	simm.s32 $_size__tile_overlayer_lowered;
	s6 =	simm.s32 $_tile_overlayer_lowered  }
0xa1: {  	s22 =	simm.s32 $0x1BFF;
	s21 =	sshll.u32 s6, $0x1;
	s3 =	sadd.s32 s19, s18  }
0xa2: {  	s7 =	simm.s32 $0x0;
	s20 =	sshll.u32 s5, $0x1;
	s5 =	sadd.s32 s21, s3  }
0xa3: {  	[timem:s7], [sflag:s22] =	dma.local [hbm:s5], s20  }
0xa4: {  	_ =	swait.ge [sflag:s22], s20  }
0xa5: {  	s4 =	ssub.s32 $0x0, s20;
	[sflag:s22] =	ssyncset.done $0x0  }
0xa6: {  	[sflag:s22] =	ssyncadd.s32 s4;
	_ =	sdelay $0x1  }
0xa7: {  	s23 =	simm.s32 $0x1B8B  }
0xa8: {  	_ =	swait.ge [sflag:s23], $0x1  }
0xa9: {  	[sflag:s23] =	ssyncset.done $0x0  }
0xaa: {  	s25 =	simm.s32 $0x1B8E;
	s24 =	sld [smem:$0x3FFE];
	[sflag:s23] =	ssyncadd.s32 $0xFFFFFFFF  }
0xab: {  	s26 =	simm.s32 $execute0_lowered;
	[smem:$0x3FD2] =	sst s25  }
0xac: {  	s5 =	sshll.u32 s26, $0x1;
	_ =	strace $0x80000049;
	[dreg:$0x1] =	wrdreg $0xFFFFFFFF  }
0xad: {  	s28 =	simm.s32 $_size_execute0_lowered;
	s3 =	sadd.s32 s3, s5;
	[dreg:$0x0] =	wrdreg $0x0  }
0xae: {  	s5 =	sshll.u32 s28, $0x1;
	[dreg:$0x2] =	wrdreg s3  }
0xaf: {  	[dreg:$0x3] =	wrdreg s5  }
0xb0: {  	[dreg:$0x4] =	wrdreg $0xC0  }
0xb1: {  	_ =	task [dreg:s7], $0x5FFFF  }
0xb2: {  	[dreg:$0x1] =	wrdreg $0xFFFFFFFF  }
0xb3: {  	[dreg:$0x0] =	wrdreg $0x60  }
0xb4: {  	[dreg:$0x2] =	wrdreg s24  }
0xb5: {  	[dreg:$0x3] =	wrdreg s16  }
0xb6: {  	[dreg:$0x4] =	wrdreg $0x105800  }
0xb7: {  	[dreg:$0x5] =	wrdreg $0x9  }
0xb8: {  	_ =	task.clear_ibuf [dreg:s7], $0x6FFFF;
	_ =	strace $0x90000049  }
0xb9: {  	s29 =	simm.s32 $0x9;
	_ =	strace $0x8000004B  }
0xba: {  	_ =	swait.ge [sflag:s29], $0x1  }
0xbb: {  	[sflag:s29] =	ssyncadd.s32 $0xFFFFFFFF  }
0xbc: {  	_ =	strace $0x9000004B  }
0xbd: {  	_ =	sfence  }
0xbe: {  	s30 =	sld [smem:$0x0];
	_ =	sdelay $0x2  }
0xbf: {  	s31 =	sshll.u32 s1, $0xD;
	s1 =	sshrl.u32 s1, $0x2  }
0xc0: {  	s3 =	sand.u32 $0x4000, s31;
	s1 =	sadd.s32 s1, s30  }
0xc1: {  	s0 =	sor.u32 s3, s0;
	s1 =	sshll.u32 s1, $0x11  }
0xc2: {  	s0 =	sor.u32 s1, s0  }
0xc3: {  	s0 =	sadd.s32 $0x8F2B, s0  }
0xc4: {  	[sflag:s0] =	ssyncadd.remote.s32 $0x1  }
0xc5: {  	_ =	sfence.sel $0xFFFF  }
0xc6: {  	[dreg:$0x0] =	wrdreg $0xFFFFFFFF;
	(pc) =	sbr.abs _section_cstart, $3  }
0xc7: {  	[dreg:$0x1] =	wrdreg $0xFFFFFFFF  }
0xc8: {  	_ =	task.clear_ibuf [dreg:s7], $0x2FFFF;
	_ =	strace $0x9FFFFFFF  }
0xc9: {  	(tm) =	ssettm $0x7FFFFFFF  }
tec
execute0_lowered:
.L_overlay_start_1:
0x0: {  	(tag) =	ssettag $0x1  }
0x1: {  	s5 =	rddreg [dreg:$0x0]  }
0x2: {  	s2 =	rddreg [dreg:$0x1]  }
0x3: {  	s3 =	rddreg [dreg:$0x2]  }
0x4: {  	s0 =	rddreg [dreg:$0x3]  }
0x5: {  	s4 =	simm.s32 $0x0;
	s1 =	stileid.u32;
	s6 =	srdreg.scid  }
0x6: {  	s19 =	simm.s32 $0x9E00;
	s20 =	simm.s32 $0x1;
	s21 =	simm.s32 $0xBE00  }
0x7: {  	s22 =	simm.s32 $0x2;
	s23 =	simm.s32 $0x4E80;
	s11 =	smul.u32 $0x4F00, s1  }
0x8: {  	s24 =	simm.s32 $0x9D00;
	s25 =	simm.s32 $0x9D80;
	s13 =	smul.u32 $0x278, s1  }
0x9: {  	[smem:$0x7FF] =	sst s4;
	s6 =	sand.u32 $0x1, s6;
	s9 =	smul.u32 $0x27800, s1  }
0xa: {  	s12 =	sadd.s32 $0x4600, s5;
	s14 =	sadd.s32 $0x5CE00, s5;
	s28 =	smul.u32 $0x4F000, s6  }
0xb: {  	_ =	strace $0x8000004A;
	s16 =	smul.u32 $0x2780, s6;
	s30 =	sor.u32 $0x2, s6  }
0xc: {  	s8 =	ssub.s32 $0x2, s6;
	s7 =	sshrl.u32 s11, $0x3;
	s17 =	smul.u32 $0x4F000, s30  }
0xd: {  	s26 =	sshrl.u32 s8, $0x1;
	s29 =	sshrl.u32 s9, $0x2;
	s18 =	smul.u32 $0x2780, s30  }
0xe: {  	s7 =	sadd.s32 s7, s5;
	s15 =	ssub.s32 s8, s26;
	s6 =	sadd.s32 s29, s3  }
0xf: {  	s31 =	sadd.s32 s11, s28;
	s16 =	sadd.s32 s13, s16;
	s5 =	sadd.s32 $0x53000, s7  }
0x10: {  	s7 =	sadd.s32 $0x2780, s6;
	s10 =	sshrl.u32 s31, $0x3;
	s8 =	sadd.s32 $0x4F00, s6  }
0x11: {  	s9 =	sadd.s32 $0x7680, s6;
	s11 =	sadd.s32 s11, s17;
	s13 =	sadd.s32 s13, s18  }
0x12: {  	s16 =	sshll.u32 s16, $0x3;
	s18 =	simm.s32 $0x80;
	s10 =	sadd.s32 s12, s10  }
0x13: {  	s17 =	sshrl.u32 s11, $0x3;
	s13 =	sshll.u32 s13, $0x3;
	s11 =	sadd.s32 s14, s16  }
0x14: {  	s16 =	simm.s32 $0x3;
	s12 =	sadd.s32 s12, s17;
	s13 =	sadd.s32 s14, s13  }
0x15: {  	v0 =	vimm.f32 $0.0e+00;
	s14 =	smax.u32 s15, $0x1;
	s15 =	simm.s32 $0x4F00;
	s17 =	simm.s32 $0xDE00  }
.LBB2_1:
0x16: {  	s28 =	simm.s32 $0x100;
	s26 =	simm.s32 $0x0  }
.LBB2_2:
0x17: {  	p0 =	sne.s32 s28, $0x9D00;
	[tilespmem:s26+$0xDE30] =	vst v0;
	s29 =	smov.u32 s28;
	s28 =	sadd.s32 $0x100, s28  }
.Ltmp0:
0x18: {  	[tilespmem:s26+$0xDE20] =	vst v0;
	(pc) =	sbr.rel @p0 .LBB2_2-.Ltmp0, $3  }
0x19: {  	[tilespmem:s26+$0xDE00] =	vst v0  }
0x1a: {  	[tilespmem:s26+$0xDE10] =	vst v0;
	_ =	sdelay $0x1  }
0x1b: {  	s26 =	sshra.s32 s29, $0x2  }
0x1c: {  	[tilespmem:s26+$0xDE30] =	vst v0  }
0x1d: {  	[tilespmem:s26+$0xDE20] =	vst v0  }
0x1e: {  	[tilespmem:s26+$0xDE00] =	vst v0  }
0x1f: {  	[tilespmem:s26+$0xDE10] =	vst v0;
	s31 =	simm.s32 $0x0  }
0x20: {  	[tilespmem:s15], [sflag:$0x3] =	stream.linear.gather [hbm4b:s5+s31], $0x4F00, $0x38;
	[tilespmem:$0x1A380] =	vst v63  }
0x21: {  	_ =	swait.ge [sflag:s16], $0x4F00  }
0x22: {  	[sflag:s16] =	ssyncset.done $0x0  }
0x23: {  	[sflag:s16] =	ssyncadd.s32 $0xFFFFB100  }
0x24: {  	[spmem:s6] =	stream.linear.scatter [tilespmem:s17], [sflag:$0x3], $0x2780, $0x38;
	[tilespmem:$0x1A380] =	vst v63  }
0x25: {  	_ =	swait.ge [sflag:s16], $0x2780  }
0x26: {  	[sflag:s16] =	ssyncset.done $0x0  }
0x27: {  	[sflag:s16] =	ssyncadd.s32 $0xFFFFD880  }
0x28: {  	[spmem:s7] =	stream.linear.scatter [tilespmem:s17], [sflag:$0x3], $0x2780, $0x38;
	[tilespmem:$0x1A380] =	vst v63  }
0x29: {  	_ =	swait.ge [sflag:s16], $0x2780  }
0x2a: {  	[sflag:s16] =	ssyncset.done $0x0  }
0x2b: {  	[sflag:s16] =	ssyncadd.s32 $0xFFFFD880  }
0x2c: {  	[spmem:s8] =	stream.linear.scatter [tilespmem:s17], [sflag:$0x3], $0x2780, $0x38;
	[tilespmem:$0x1A380] =	vst v63  }
0x2d: {  	_ =	swait.ge [sflag:s16], $0x2780  }
0x2e: {  	[sflag:s16] =	ssyncset.done $0x0  }
0x2f: {  	[sflag:s16] =	ssyncadd.s32 $0xFFFFD880  }
0x30: {  	[spmem:s9] =	stream.linear.scatter [tilespmem:s17], [sflag:$0x3], $0x2780, $0x38;
	[tilespmem:$0x1A380] =	vst v63  }
0x31: {  	_ =	swait.ge [sflag:s16], $0x2780  }
0x32: {  	[sflag:s16] =	ssyncset.done $0x0  }
0x33: {  	[sflag:s16] =	ssyncadd.s32 $0xFFFFD880  }
0x34: {  	[tilespmem:s31], [sflag:$0x3] =	stream.linear.gather [hbm4b:s10+s31], $0x4F00, $0x38;
	[tilespmem:$0x1A380] =	vst v63  }
0x35: {  	_ =	swait.ge [sflag:s16], $0x4F00  }
0x36: {  	[sflag:s16] =	ssyncset.done $0x0  }
0x37: {  	[sflag:s16] =	ssyncadd.s32 $0xFFFFB100  }
0x38: {  	[bflag:$0x0] =	sbarrier.arrive $0xFFFF  }
0x39: {  	[tilespmem:s19], [sflag:$0x1] =	stream.indirect.gather [hbm4b:s2+s18], $0x40, s31, s18, $0xb8;
	[tilespmem:$0x1A380] =	vst v63  }
0x3a: {  	_ =	swait.ge [sflag:s20], $0x2000  }
0x3b: {  	[sflag:s20] =	ssyncset.done $0x0  }
0x3c: {  	s28 =	simm.s32 $0x80;
	[sflag:s20] =	ssyncadd.s32 $0xFFFFE000  }
0x3d: {  	[tilespmem:s21], [sflag:$0x2] =	stream.indirect.gather [hbm4b:s2+s18], $0x40, s28, s18, $0xb8;
	[tilespmem:$0x1A380] =	vst v63  }
0x3e: {  	s29 =	simm.s32 $0x4F00  }
0x3f: {  	[spmem:s3] =	stream.indirect.scatter.add.f32 [tilespmem:s19], [sflag:$0x3], $0x40, s29, s18, $0xb8;
	[tilespmem:$0x1A380] =	vst v63  }
0x40: {  	_ =	swait.ge [sflag:s16], $0x2000  }
0x41: {  	[sflag:s16] =	ssyncset.done $0x0  }
0x42: {  	[sflag:s16] =	ssyncadd.s32 $0xFFFFE000  }
0x43: {  	_ =	swait.ge [sflag:s22], $0x2000  }
0x44: {  	[sflag:s22] =	ssyncset.done $0x0  }
0x45: {  	s30 =	simm.s32 $0x100;
	[sflag:s22] =	ssyncadd.s32 $0xFFFFE000  }
0x46: {  	[tilespmem:s19], [sflag:$0x1] =	stream.indirect.gather [hbm4b:s2+s18], $0x40, s30, s18, $0xb8;
	[tilespmem:$0x1A380] =	vst v63  }
0x47: {  	s31 =	simm.s32 $0x4F80  }
0x48: {  	[spmem:s3] =	stream.indirect.scatter.add.f32 [tilespmem:s21], [sflag:$0x3], $0x40, s31, s18, $0xb8;
	[tilespmem:$0x1A380] =	vst v63  }
0x49: {  	_ =	swait.ge [sflag:s16], $0x2000  }
0x4a: {  	s26 =	simm.s32 $0x400;
	[sflag:s16] =	ssyncset.done $0x0  }
.LBB2_4:
0x4b: {  	p0 =	sne.s32 s26, $0x13400  }
0x4c: {  	[sflag:s16] =	ssyncadd.s32 $0xFFFFE000;
	s28 =	smov.u32 s26;
	s26 =	sadd.s32 $0x400, s26  }
0x4d: {  	_ = 	snop  }
0x4e: {  	_ =	swait.ge [sflag:s20], $0x2000  }
0x4f: {  	s28 =	sshra.s32 s28, $0x2;
	[sflag:s20] =	ssyncset.done $0x0  }
0x50: {  	s29 =	sadd.s32 $0x80, s28;
	[sflag:s20] =	ssyncadd.s32 $0xFFFFE000  }
0x51: {  	[tilespmem:s21], [sflag:$0x2] =	stream.indirect.gather [hbm4b:s2+s18], $0x40, s29, s18, $0xb8;
	[tilespmem:$0x1A380] =	vst v63  }
0x52: {  	s29 =	sadd.s32 $0x4F00, s28  }
0x53: {  	[spmem:s3] =	stream.indirect.scatter.add.f32 [tilespmem:s19], [sflag:$0x3], $0x40, s29, s18, $0xb8;
	[tilespmem:$0x1A380] =	vst v63  }
0x54: {  	_ =	swait.ge [sflag:s16], $0x2000  }
0x55: {  	[sflag:s16] =	ssyncset.done $0x0  }
0x56: {  	[sflag:s16] =	ssyncadd.s32 $0xFFFFE000  }
0x57: {  	_ =	swait.ge [sflag:s22], $0x2000  }
0x58: {  	[sflag:s22] =	ssyncset.done $0x0  }
0x59: {  	s29 =	sadd.s32 $0x100, s28;
	[sflag:s22] =	ssyncadd.s32 $0xFFFFE000  }
0x5a: {  	[tilespmem:s19], [sflag:$0x1] =	stream.indirect.gather [hbm4b:s2+s18], $0x40, s29, s18, $0xb8;
	[tilespmem:$0x1A380] =	vst v63  }
.Ltmp1:
0x5b: {  	_ = 	snop;
	(pc) =	sbr.rel @p0 .LBB2_4-.Ltmp1, $4  }
0x5c: {  	s28 =	sadd.s32 $0x4F80, s28  }
0x5d: {  	[spmem:s3] =	stream.indirect.scatter.add.f32 [tilespmem:s21], [sflag:$0x3], $0x40, s28, s18, $0xb8;
	[tilespmem:$0x1A380] =	vst v63  }
0x5e: {  	_ =	swait.ge [sflag:s16], $0x2000  }
0x5f: {  	[sflag:s16] =	ssyncset.done $0x0  }
0x60: {  	[sflag:s16] =	ssyncadd.s32 $0xFFFFE000  }
0x61: {  	_ =	swait.ge [sflag:s20], $0x2000  }
0x62: {  	[sflag:s20] =	ssyncset.done $0x0  }
0x63: {  	[sflag:s20] =	ssyncadd.s32 $0xFFFFE000  }
0x64: {  	[tilespmem:s21], [sflag:$0x2] =	stream.indirect.gather [hbm4b:s2+s18], $0x40, s23, s18, $0xb8;
	[tilespmem:$0x1A380] =	vst v63  }
0x65: {  	_ = 	snop  }
0x66: {  	[spmem:s3] =	stream.indirect.scatter.add.f32 [tilespmem:s19], [sflag:$0x3], $0x40, s24, s18, $0xb8;
	[tilespmem:$0x1A380] =	vst v63  }
0x67: {  	_ =	swait.ge [sflag:s16], $0x2000  }
0x68: {  	[sflag:s16] =	ssyncset.done $0x0  }
0x69: {  	[sflag:s16] =	ssyncadd.s32 $0xFFFFE000  }
0x6a: {  	_ =	swait.ge [sflag:s22], $0x2000  }
0x6b: {  	[sflag:s22] =	ssyncset.done $0x0  }
0x6c: {  	[sflag:s22] =	ssyncadd.s32 $0xFFFFE000  }
0x6d: {  	[spmem:s3] =	stream.indirect.scatter.add.f32 [tilespmem:s21], [sflag:$0x3], $0x40, s25, s18, $0xb8;
	[tilespmem:$0x1A380] =	vst v63  }
0x6e: {  	_ =	swait.ge [sflag:s16], $0x2000  }
0x6f: {  	[sflag:s16] =	ssyncset.done $0x0  }
0x70: {  	s26 =	sshll.u32 s1, $0x6;
	[sflag:s16] =	ssyncadd.s32 $0xFFFFE000  }
0x71: {  	s28 =	sshrl.u32 s6, $0x3;
	s26 =	sor.u32 $0x1C03, s26;
	[bflag:$0x0] =	sbarrier.arrive $0xFFFF  }
0x72: {  	[hbm:s11], [sflag:s26] =	dma.local [spmem:s28], $0x13C0  }
0x73: {  	_ =	swait.ge [sflag:s16], $0x13C0  }
0x74: {  	[sflag:s16] =	ssyncset.done $0x0  }
0x75: {  	[sflag:s16] =	ssyncadd.s32 $0xFFFFEC40  }
0x76: {  	[bflag:$0x0] =	sbarrier.arrive $0xFFFF  }
0x77: {  	[spmem:s6] =	stream.linear.scatter [tilespmem:s17], [sflag:$0x3], $0x2780, $0x38;
	[tilespmem:$0x1A380] =	vst v63  }
0x78: {  	_ =	swait.ge [sflag:s16], $0x2780  }
0x79: {  	[sflag:s16] =	ssyncset.done $0x0  }
0x7a: {  	[sflag:s16] =	ssyncadd.s32 $0xFFFFD880  }
0x7b: {  	[spmem:s7] =	stream.linear.scatter [tilespmem:s17], [sflag:$0x3], $0x2780, $0x38;
	[tilespmem:$0x1A380] =	vst v63  }
0x7c: {  	_ =	swait.ge [sflag:s16], $0x2780  }
0x7d: {  	[sflag:s16] =	ssyncset.done $0x0  }
0x7e: {  	[sflag:s16] =	ssyncadd.s32 $0xFFFFD880  }
0x7f: {  	[spmem:s8] =	stream.linear.scatter [tilespmem:s17], [sflag:$0x3], $0x2780, $0x38;
	[tilespmem:$0x1A380] =	vst v63  }
0x80: {  	_ =	swait.ge [sflag:s16], $0x2780  }
0x81: {  	[sflag:s16] =	ssyncset.done $0x0  }
0x82: {  	[sflag:s16] =	ssyncadd.s32 $0xFFFFD880  }
0x83: {  	[spmem:s9] =	stream.linear.scatter [tilespmem:s17], [sflag:$0x3], $0x2780, $0x38;
	[tilespmem:$0x1A380] =	vst v63  }
0x84: {  	_ =	swait.ge [sflag:s16], $0x2780  }
0x85: {  	[sflag:s16] =	ssyncset.done $0x0  }
0x86: {  	s29 =	simm.s32 $0x0;
	[sflag:s16] =	ssyncadd.s32 $0xFFFFD880  }
0x87: {  	[tilespmem:s29], [sflag:$0x3] =	stream.linear.gather [hbm4b:s12+s29], $0x4F00, $0x38;
	[tilespmem:$0x1A380] =	vst v63  }
0x88: {  	_ =	swait.ge [sflag:s16], $0x4F00  }
0x89: {  	[sflag:s16] =	ssyncset.done $0x0  }
0x8a: {  	[sflag:s16] =	ssyncadd.s32 $0xFFFFB100  }
0x8b: {  	[bflag:$0x0] =	sbarrier.arrive $0xFFFF  }
0x8c: {  	[tilespmem:s19], [sflag:$0x1] =	stream.indirect.gather [hbm4b:s2+s18], $0x40, s29, s18, $0xb8;
	[tilespmem:$0x1A380] =	vst v63  }
0x8d: {  	_ =	swait.ge [sflag:s20], $0x2000  }
0x8e: {  	[sflag:s20] =	ssyncset.done $0x0  }
0x8f: {  	s29 =	simm.s32 $0x80;
	[sflag:s20] =	ssyncadd.s32 $0xFFFFE000  }
0x90: {  	[tilespmem:s21], [sflag:$0x2] =	stream.indirect.gather [hbm4b:s2+s18], $0x40, s29, s18, $0xb8;
	[tilespmem:$0x1A380] =	vst v63  }
0x91: {  	s29 =	simm.s32 $0x4F00  }
0x92: {  	[spmem:s3] =	stream.indirect.scatter.add.f32 [tilespmem:s19], [sflag:$0x3], $0x40, s29, s18, $0xb8;
	[tilespmem:$0x1A380] =	vst v63  }
0x93: {  	_ =	swait.ge [sflag:s16], $0x2000  }
0x94: {  	[sflag:s16] =	ssyncset.done $0x0  }
0x95: {  	[sflag:s16] =	ssyncadd.s32 $0xFFFFE000  }
0x96: {  	_ =	swait.ge [sflag:s22], $0x2000  }
0x97: {  	[sflag:s22] =	ssyncset.done $0x0  }
0x98: {  	s29 =	simm.s32 $0x100;
	[sflag:s22] =	ssyncadd.s32 $0xFFFFE000  }
0x99: {  	[tilespmem:s19], [sflag:$0x1] =	stream.indirect.gather [hbm4b:s2+s18], $0x40, s29, s18, $0xb8;
	[tilespmem:$0x1A380] =	vst v63  }
0x9a: {  	s29 =	simm.s32 $0x4F80  }
0x9b: {  	[spmem:s3] =	stream.indirect.scatter.add.f32 [tilespmem:s21], [sflag:$0x3], $0x40, s29, s18, $0xb8;
	[tilespmem:$0x1A380] =	vst v63  }
0x9c: {  	_ =	swait.ge [sflag:s16], $0x2000  }
0x9d: {  	s29 =	simm.s32 $0x400;
	[sflag:s16] =	ssyncset.done $0x0  }
.LBB2_6:
0x9e: {  	p0 =	sne.s32 s29, $0x13400  }
0x9f: {  	[sflag:s16] =	ssyncadd.s32 $0xFFFFE000;
	s30 =	smov.u32 s29;
	s29 =	sadd.s32 $0x400, s29  }
0xa0: {  	_ = 	snop  }
0xa1: {  	_ =	swait.ge [sflag:s20], $0x2000  }
0xa2: {  	s30 =	sshra.s32 s30, $0x2;
	[sflag:s20] =	ssyncset.done $0x0  }
0xa3: {  	s31 =	sadd.s32 $0x80, s30;
	[sflag:s20] =	ssyncadd.s32 $0xFFFFE000  }
0xa4: {  	[tilespmem:s21], [sflag:$0x2] =	stream.indirect.gather [hbm4b:s2+s18], $0x40, s31, s18, $0xb8;
	[tilespmem:$0x1A380] =	vst v63  }
0xa5: {  	s31 =	sadd.s32 $0x4F00, s30  }
0xa6: {  	[spmem:s3] =	stream.indirect.scatter.add.f32 [tilespmem:s19], [sflag:$0x3], $0x40, s31, s18, $0xb8;
	[tilespmem:$0x1A380] =	vst v63  }
0xa7: {  	_ =	swait.ge [sflag:s16], $0x2000  }
0xa8: {  	[sflag:s16] =	ssyncset.done $0x0  }
0xa9: {  	[sflag:s16] =	ssyncadd.s32 $0xFFFFE000  }
0xaa: {  	_ =	swait.ge [sflag:s22], $0x2000  }
0xab: {  	[sflag:s22] =	ssyncset.done $0x0  }
0xac: {  	s31 =	sadd.s32 $0x100, s30;
	[sflag:s22] =	ssyncadd.s32 $0xFFFFE000  }
0xad: {  	[tilespmem:s19], [sflag:$0x1] =	stream.indirect.gather [hbm4b:s2+s18], $0x40, s31, s18, $0xb8;
	[tilespmem:$0x1A380] =	vst v63  }
.Ltmp2:
0xae: {  	_ = 	snop;
	(pc) =	sbr.rel @p0 .LBB2_6-.Ltmp2, $4  }
0xaf: {  	s30 =	sadd.s32 $0x4F80, s30  }
0xb0: {  	[spmem:s3] =	stream.indirect.scatter.add.f32 [tilespmem:s21], [sflag:$0x3], $0x40, s30, s18, $0xb8;
	[tilespmem:$0x1A380] =	vst v63  }
0xb1: {  	_ =	swait.ge [sflag:s16], $0x2000  }
0xb2: {  	[sflag:s16] =	ssyncset.done $0x0  }
0xb3: {  	[sflag:s16] =	ssyncadd.s32 $0xFFFFE000  }
0xb4: {  	_ =	swait.ge [sflag:s20], $0x2000  }
0xb5: {  	[sflag:s20] =	ssyncset.done $0x0  }
0xb6: {  	[sflag:s20] =	ssyncadd.s32 $0xFFFFE000  }
0xb7: {  	[tilespmem:s21], [sflag:$0x2] =	stream.indirect.gather [hbm4b:s2+s18], $0x40, s23, s18, $0xb8;
	[tilespmem:$0x1A380] =	vst v63  }
0xb8: {  	_ = 	snop  }
0xb9: {  	[spmem:s3] =	stream.indirect.scatter.add.f32 [tilespmem:s19], [sflag:$0x3], $0x40, s24, s18, $0xb8;
	[tilespmem:$0x1A380] =	vst v63  }
0xba: {  	_ =	swait.ge [sflag:s16], $0x2000  }
0xbb: {  	[sflag:s16] =	ssyncset.done $0x0  }
0xbc: {  	[sflag:s16] =	ssyncadd.s32 $0xFFFFE000  }
0xbd: {  	_ =	swait.ge [sflag:s22], $0x2000  }
0xbe: {  	[sflag:s22] =	ssyncset.done $0x0  }
0xbf: {  	[sflag:s22] =	ssyncadd.s32 $0xFFFFE000  }
0xc0: {  	[spmem:s3] =	stream.indirect.scatter.add.f32 [tilespmem:s21], [sflag:$0x3], $0x40, s25, s18, $0xb8;
	[tilespmem:$0x1A380] =	vst v63  }
0xc1: {  	_ =	swait.ge [sflag:s16], $0x2000  }
0xc2: {  	[sflag:s16] =	ssyncset.done $0x0  }
0xc3: {  	s4 =	sadd.s32 $0x1, s4;
	[sflag:s16] =	ssyncadd.s32 $0xFFFFE000  }
0xc4: {  	p0 =	sne.s32 s4, s14;
	[bflag:$0x0] =	sbarrier.arrive $0xFFFF  }
0xc5: {  	[hbm:s13], [sflag:s26] =	dma.local [spmem:s28], $0x13C0  }
.Ltmp3:
0xc6: {  	_ =	swait.ge [sflag:s16], $0x13C0;
	(pc) =	sbr.rel @p0 .LBB2_1-.Ltmp3, $3  }
0xc7: {  	[sflag:s16] =	ssyncset.done $0x0  }
0xc8: {  	[sflag:s16] =	ssyncadd.s32 $0xFFFFEC40  }
0xc9: {  	[bflag:$0x0] =	sbarrier.arrive $0xFFFF;
	_ =	sdelay $0x1  }
0xca: {  	_ =	sfence.sel $0x180000  }
0xcb: {  	[bflag:$0x0] =	sbarrier.arrive $0xFFFF  }
0xcc: {  	p0 =	sne.s32 s1, $0x0;
	_ =	strace $0x9000004A  }
0xcd: {  	s0 =	sadd.s32 @!p0 $0x100000, s0;
	[bflag:$0x2] =	sbarrier.arrive $0xFFFF  }
0xce: {  	[sflag:s0] =	ssyncadd.tile.s32 @!p0 $0x1;
	_ =	shalt  }
.Lfunc_end2:
_tile_overlayer_lowered:
.L_overlay_start_2:
0xcf: {  	(tag) =	ssettag $0x2  }
0xd0: {  	s0 =	rddreg [dreg:$0x0];
	s2 =	stileid.u32  }
0xd1: {  	s1 =	rddreg [dreg:$0x1];
	p0 =	sne.s32 s2, $0x0  }
0xd2: {  	s3 =	rddreg [dreg:$0x2];
	[bflag:$0x3] =	sbarrier.arrive $0xFFFF;
	s2 =	simm.s32 @!p0 $0x1C03  }
0xd3: {  	[timem:s3], [sflag:s2] =	dma.local @!p0 [hbm:s0], s1  }
0xd4: {  	s0 =	simm.s32 @!p0 $0x3  }
0xd5: {  	_ =	swait.ge @!p0 [sflag:s0], s1  }
0xd6: {  	s1 =	ssub.s32 @!p0 $0x0, s1;
	[sflag:s0] =	ssyncset.done @!p0 $0x0  }
0xd7: {  	[sflag:s0] =	ssyncadd.s32 @!p0 s1  }
0xd8: {  	[bflag:$0x3] =	sbarrier.arrive $0xFFFF  }
0xd9: {  	_ =	shalt  }

// kernel: kernel.17.cloned.1.call-start
scs
__scs_entry_jumppad:
0x0: {  	(pc) =	sbr.rel $0x88, $3  }
0x1: {  	(tag) =	ssettag $0x0;
	lr =	simm.s32 $0x1  }
0x2: {  	[smem:$0x3F96] =	sst lr;
	_ =	strace $0xD0000000  }
0x3: {  	_ = 	snop  }
0x4: {  	_ = 	snop  }
0x5: {  	_ = 	snop  }
0x6: {  	_ = 	snop  }
0x7: {  	_ = 	snop  }
__scs_overlays_trampoline_lowered:
0x8: {  	[smem:$0x3FA5] =	sst s0  }
0x9: {  	[smem:$0x3FA6] =	sst s1  }
0xa: {  	[smem:$0x3FA7] =	sst s2  }
0xb: {  	[smem:$0x3FA8] =	sst s3  }
0xc: {  	[smem:$0x3FA9] =	sst s4  }
0xd: {  	[smem:$0x3FAA] =	sst s5  }
0xe: {  	[smem:$0x3FAB] =	sst s6  }
0xf: {  	[smem:$0x3FAC] =	sst s7  }
0x10: {  	[smem:$0x3FAD] =	sst s8  }
0x11: {  	[smem:$0x3FAE] =	sst s9;
	s0 =	simm.s32 @!p0 $0x0  }
0x12: {  	s1 =	sld [smem:$0x3F94];
	s0 =	simm.s32 @p0 $0x1  }
0x13: {  	[smem:$0x3FAF] =	sst s0;
	s0 =	simm.s32 @!p1 $0x0  }
0x14: {  	s2 =	sld [smem:$0x3F93];
	s0 =	simm.s32 @p1 $0x1  }
0x15: {  	[smem:$0x3FB0] =	sst s0;
	s0 =	simm.s32 @!p2 $0x0  }
0x16: {  	s3 =	sld [smem:$0x3FDB];
	s0 =	simm.s32 @p2 $0x1  }
0x17: {  	s4 =	simm.s32 $0x1BF5;
	[smem:$0x3FB2] =	sst s0  }
0x18: {  	s0 =	sld [smem:$0x3F95];
	_ =	swait.ge [sflag:s4], $0x0  }
0x19: {  	s7 =	sld [smem:$0x3F96]  }
0x1a: {  	s8 =	sadd.s32 $0xFFFFE003, lr  }
0x1b: {  	s9 =	sadd.s32 $0xFFFFFEF7, lr;
	s5 =	simm.s32 $0xFFFFFFFF;
	p2 =	slt.u32 s8, $0xFFFFF086  }
0x1c: {  	p1 =	slt.u32 s9, $0xF7A;
	s5 =	simm.s32 @!p2 $0x0  }
0x1d: {  	s5 =	simm.s32 @p1 $0x1;
	p0 =	seq.s32 s7, s2  }
0x1e: {  	s7 =	smul.u32 @!p0 $0xF7A, s2;
	p2 =	seq.s32 @!p0 s5, $0x0  }
0x1f: {  	s9 =	smul.u32 $0xF7A, s1;
	s8 =	simm.s32 @!p0 $0x1BF5;
	p2 =	por !p2, p0  }
0x20: {  	[sflag:s8] =	ssyncset.s32 @!p0 $0xFFFFF086;
	s6 =	sadd.s32 @!p0 s3, s7;
	s7 =	simm.s32 @!p0 $0x108  }
0x21: {  	s3 =	sadd.s32 s3, s9;
	s6 =	sadd.s32 @!p0 $0x88, s6;
	s7 =	simm.s32 @p2 $0x1082  }
0x22: {  	[simem:s7], [sflag:s8] =	dma.local @!p0 [hbm:s6], $0xF7A  }
0x23: {  	s9 =	sor.u32 $0xD0000000, s2;
	s6 =	simm.s32 $0x108;
	_ =	swait.ge @!p0 [sflag:s8], $0x0  }
0x24: {  	s3 =	sadd.s32 $0x88, s3;
	s6 =	simm.s32 @!p1 $0x1082;
	[sflag:s4] =	ssyncset.s32 $0xFFFFF086  }
0x25: {  	[simem:s6], [sflag:s4] =	dma.local [hbm:s3], $0xF7A  }
0x26: {  	[smem:$0x3F96] =	sst s1;
	(tag) =	ssettag s2;
	_ =	strace s9  }
0x27: {  	s1 =	sld [smem:$0x3FA6]  }
0x28: {  	s2 =	sld [smem:$0x3FA7]  }
0x29: {  	s4 =	sld [smem:$0x3FA9]  }
0x2a: {  	p0 =	seq.s32 s5, $0x0;
	s5 =	sld [smem:$0x3FAA]  }
0x2b: {  	s6 =	sld [smem:$0x3FAB]  }
0x2c: {  	s7 =	sld [smem:$0x3FAC]  }
0x2d: {  	s3 =	simm.s32 $0x108;
	s8 =	sld [smem:$0x3FAD]  }
0x2e: {  	s3 =	simm.s32 @!p0 $0x1082;
	s9 =	sld [smem:$0x3FAE]  }
0x2f: {  	lr =	sadd.s32 s0, s3;
	s0 =	sld [smem:$0x3FA5]  }
0x30: {  	s3 =	sld [smem:$0x3FA8]  }
0x31: {  	[smem:$0x3FB1] =	sst s10  }
0x32: {  	s10 =	sld [smem:$0x3FAF];
	_ =	sdelay $0x3  }
0x33: {  	p0 =	seq.s32 s10, $0x1;
	s10 =	sld [smem:$0x3FB1];
	_ =	sdelay $0x3  }
0x34: {  	[smem:$0x3FB1] =	sst s10  }
0x35: {  	s10 =	sld [smem:$0x3FB0];
	_ =	sdelay $0x3  }
0x36: {  	p1 =	seq.s32 s10, $0x1;
	s10 =	sld [smem:$0x3FB1];
	_ =	sdelay $0x3  }
0x37: {  	[smem:$0x3FB1] =	sst s10  }
0x38: {  	s10 =	sld [smem:$0x3FB2]  }
0x39: {  	_ = 	snop;
	(pc) =	sbr.ind lr, $3  }
0x3a: {  	_ = 	snop  }
0x3b: {  	_ = 	snop  }
0x3c: {  	p2 =	seq.s32 s10, $0x1;
	s10 =	sld [smem:$0x3FB1]  }
0x3d: {  	_ =	shalt  }
0x3e: {  	_ =	shalt  }
0x3f: {  	_ =	shalt  }
0x40: {  	_ =	shalt  }
0x41: {  	_ =	shalt  }
0x42: {  	_ =	shalt  }
0x43: {  	_ =	shalt  }
0x44: {  	_ =	shalt  }
0x45: {  	_ =	shalt  }
0x46: {  	_ =	shalt  }
0x47: {  	_ =	shalt  }
0x48: {  	_ =	shalt  }
0x49: {  	_ =	shalt  }
0x4a: {  	_ =	shalt  }
0x4b: {  	_ =	shalt  }
0x4c: {  	_ =	shalt  }
0x4d: {  	_ =	shalt  }
0x4e: {  	_ =	shalt  }
0x4f: {  	_ =	shalt  }
0x50: {  	_ =	shalt  }
0x51: {  	_ =	shalt  }
0x52: {  	_ =	shalt  }
0x53: {  	_ =	shalt  }
0x54: {  	_ =	shalt  }
0x55: {  	_ =	shalt  }
0x56: {  	_ =	shalt  }
0x57: {  	_ =	shalt  }
0x58: {  	_ =	shalt  }
0x59: {  	_ =	shalt  }
0x5a: {  	_ =	shalt  }
0x5b: {  	_ =	shalt  }
0x5c: {  	_ =	shalt  }
0x5d: {  	_ =	shalt  }
0x5e: {  	_ =	shalt  }
0x5f: {  	_ =	shalt  }
0x60: {  	_ =	shalt  }
0x61: {  	_ =	shalt  }
0x62: {  	_ =	shalt  }
0x63: {  	_ =	shalt  }
0x64: {  	_ =	shalt  }
0x65: {  	_ =	shalt  }
0x66: {  	_ =	shalt  }
0x67: {  	_ =	shalt  }
0x68: {  	_ =	shalt  }
0x69: {  	_ =	shalt  }
0x6a: {  	_ =	shalt  }
0x6b: {  	_ =	shalt  }
0x6c: {  	_ =	shalt  }
0x6d: {  	_ =	shalt  }
0x6e: {  	_ =	shalt  }
0x6f: {  	_ =	shalt  }
0x70: {  	_ =	shalt  }
0x71: {  	_ =	shalt  }
0x72: {  	_ =	shalt  }
0x73: {  	_ =	shalt  }
0x74: {  	_ =	shalt  }
0x75: {  	_ =	shalt  }
0x76: {  	_ =	shalt  }
0x77: {  	_ =	shalt  }
0x78: {  	_ =	shalt  }
0x79: {  	_ =	shalt  }
0x7a: {  	_ =	shalt  }
0x7b: {  	_ =	shalt  }
0x7c: {  	_ =	shalt  }
0x7d: {  	_ =	shalt  }
0x7e: {  	_ =	shalt  }
0x7f: {  	_ =	shalt  }
0x80: {  	_ =	shalt  }
0x81: {  	_ =	shalt  }
0x82: {  	_ =	shalt  }
0x83: {  	_ =	shalt  }
0x84: {  	_ =	shalt  }
0x85: {  	_ =	shalt  }
0x86: {  	_ =	shalt  }
0x87: {  	_ =	shalt  }
.Lfunc_end0:
.L_simem_size_0:
called_computation.2_lowered:
.L_overlay_start_0:
0x88: {  	s2 =	sld [smem:$0x3FD9]  }
0x89: {  	s3 =	sld [smem:$0x3FFE];
	_ =	sdelay $0x1  }
0x8a: {  	s1 =	srdreg.scid  }
0x8b: {  	s0 =	sand.u32 $0x1, s1  }
0x8c: {  	s14 =	sshll.u32 s0, $0xA;
	s2 =	sadd.s32 s3, s2  }
0x8d: {  	s2 =	sadd.s32 s2, s14  }
0x8e: {  	[smem:$0x3FBD] =	sst s2  }
0x8f: {  	_ = 	snop  }
0x90: {  	s2 =	sld [smem:$0x3FD0];
	_ =	sdelay $0x2  }
0x91: {  	s15 =	simm.s32 $0xA;
	s4 =	simm.s32 $0x10  }
0x92: {  	[smem:s4], [sflag:s15] =	dma.local [hbm:s2], $0x1  }
0x93: {  	_ =	swait.eq [sflag:s15], $0x1  }
0x94: {  	[sflag:s15] =	ssyncset.done $0x0  }
0x95: {  	[sflag:s15] =	ssyncadd.s32 $0xFFFFFFFF  }
0x96: {  	s16 =	sld [smem:$0x10];
	(tm) =	ssettm $0x1  }
0x97: {  	s17 =	sld [smem:$0x3FFB];
	_ =	sdelay $0x3  }
0x98: {  	_ =	strace s17  }
0x99: {  	s3 =	sld [smem:$0x3FFC];
	_ =	sdelay $0x3  }
0x9a: {  	_ =	strace s3  }
0x9b: {  	s3 =	sld [smem:$0x3FFD];
	_ =	sdelay $0x3  }
0x9c: {  	_ =	strace s3  }
0x9d: {  	_ =	strace $0x8FFFFFFF  }
0x9e: {  	s18 =	sld [smem:$0x3FDB];
	_ =	sdelay $0x1  }
0x9f: {  	s19 =	simm.s32 $_scs_section_size  }
0xa0: {  	s5 =	simm.s32 $_size__tile_overlayer_lowered;
	s6 =	simm.s32 $_tile_overlayer_lowered  }
0xa1: {  	s22 =	simm.s32 $0x1BFF;
	s21 =	sshll.u32 s6, $0x1;
	s3 =	sadd.s32 s19, s18  }
0xa2: {  	s7 =	simm.s32 $0x0;
	s20 =	sshll.u32 s5, $0x1;
	s5 =	sadd.s32 s21, s3  }
0xa3: {  	[timem:s7], [sflag:s22] =	dma.local [hbm:s5], s20  }
0xa4: {  	_ =	swait.ge [sflag:s22], s20  }
0xa5: {  	s4 =	ssub.s32 $0x0, s20;
	[sflag:s22] =	ssyncset.done $0x0  }
0xa6: {  	[sflag:s22] =	ssyncadd.s32 s4;
	_ =	sdelay $0x1  }
0xa7: {  	s23 =	simm.s32 $0x1B8B  }
0xa8: {  	_ =	swait.ge [sflag:s23], $0x1  }
0xa9: {  	[sflag:s23] =	ssyncset.done $0x0  }
0xaa: {  	s25 =	simm.s32 $0x1B8E;
	s24 =	sld [smem:$0x3FFE];
	[sflag:s23] =	ssyncadd.s32 $0xFFFFFFFF  }
0xab: {  	s26 =	simm.s32 $execute0_lowered;
	[smem:$0x3FD2] =	sst s25  }
0xac: {  	s5 =	sshll.u32 s26, $0x1;
	_ =	strace $0x8000004C;
	[dreg:$0x1] =	wrdreg $0xFFFFFFFF  }
0xad: {  	s28 =	simm.s32 $_size_execute0_lowered;
	s3 =	sadd.s32 s3, s5;
	[dreg:$0x0] =	wrdreg $0x0  }
0xae: {  	s5 =	sshll.u32 s28, $0x1;
	[dreg:$0x2] =	wrdreg s3  }
0xaf: {  	[dreg:$0x3] =	wrdreg s5  }
0xb0: {  	[dreg:$0x4] =	wrdreg $0xC0  }
0xb1: {  	_ =	task [dreg:s7], $0x5FFFF  }
0xb2: {  	[dreg:$0x1] =	wrdreg $0xFFFFFFFF  }
0xb3: {  	[dreg:$0x0] =	wrdreg $0x60  }
0xb4: {  	[dreg:$0x2] =	wrdreg s24  }
0xb5: {  	[dreg:$0x3] =	wrdreg s16  }
0xb6: {  	[dreg:$0x4] =	wrdreg $0xD1C00  }
0xb7: {  	[dreg:$0x5] =	wrdreg $0x9  }
0xb8: {  	_ =	task.clear_ibuf [dreg:s7], $0x6FFFF;
	_ =	strace $0x9000004C  }
0xb9: {  	s29 =	simm.s32 $0x9;
	_ =	strace $0x8000004E  }
0xba: {  	_ =	swait.ge [sflag:s29], $0x1  }
0xbb: {  	[sflag:s29] =	ssyncadd.s32 $0xFFFFFFFF  }
0xbc: {  	_ =	strace $0x9000004E  }
0xbd: {  	_ =	sfence  }
0xbe: {  	s30 =	sld [smem:$0x0];
	_ =	sdelay $0x2  }
0xbf: {  	s31 =	sshll.u32 s1, $0xD;
	s1 =	sshrl.u32 s1, $0x2  }
0xc0: {  	s3 =	sand.u32 $0x4000, s31;
	s1 =	sadd.s32 s1, s30  }
0xc1: {  	s0 =	sor.u32 s3, s0;
	s1 =	sshll.u32 s1, $0x11  }
0xc2: {  	s0 =	sor.u32 s1, s0  }
0xc3: {  	s0 =	sadd.s32 $0x8F2B, s0  }
0xc4: {  	[sflag:s0] =	ssyncadd.remote.s32 $0x1  }
0xc5: {  	_ =	sfence.sel $0xFFFF  }
0xc6: {  	[dreg:$0x0] =	wrdreg $0xFFFFFFFF;
	(pc) =	sbr.abs _section_cstart, $3  }
0xc7: {  	[dreg:$0x1] =	wrdreg $0xFFFFFFFF  }
0xc8: {  	_ =	task.clear_ibuf [dreg:s7], $0x2FFFF;
	_ =	strace $0x9FFFFFFF  }
0xc9: {  	(tm) =	ssettm $0x7FFFFFFF  }
tec
execute0_lowered:
.L_overlay_start_1:
0x0: {  	(tag) =	ssettag $0x1  }
0x1: {  	s4 =	rddreg [dreg:$0x0]  }
0x2: {  	s1 =	srdreg.scid;
	s11 =	rddreg [dreg:$0x1]  }
0x3: {  	s0 =	stileid.u32;
	s2 =	rddreg [dreg:$0x2];
	s3 =	simm.s32 $0x0  }
0x4: {  	s14 =	simm.s32 $0x3;
	s15 =	simm.s32 $0xBE00;
	s16 =	simm.s32 $0x80  }
0x5: {  	s17 =	simm.s32 $0x9E00;
	s18 =	simm.s32 $0x1;
	s19 =	simm.s32 $0xAE00  }
0x6: {  	s20 =	simm.s32 $0x2;
	s21 =	simm.s32 $0x4E80;
	s6 =	smul.u32 $0x4F00, s0  }
0x7: {  	s22 =	simm.s32 $0x9D00;
	s23 =	simm.s32 $0x9D80;
	s31 =	smul.u32 $0x13C00, s0  }
0x8: {  	s5 =	sand.u32 $0x1, s1;
	s1 =	rddreg [dreg:$0x3];
	s9 =	smul.u32 $0x9E0, s0  }
0x9: {  	[smem:$0x7FF] =	sst s3;
	s7 =	smul.u32 $0x4F000, s5;
	s8 =	ssub.s32 $0x2, s5  }
0xa: {  	_ =	strace $0x8000004D;
	s13 =	smul.u32 $0x9E00, s5;
	s12 =	sshrl.u32 s8, $0x1  }
0xb: {  	s7 =	sadd.s32 s6, s7;
	s6 =	sshrl.u32 s6, $0x3;
	s12 =	ssub.s32 s8, s12  }
0xc: {  	s13 =	sadd.s32 s9, s13;
	s7 =	sshrl.u32 s7, $0x3;
	s6 =	sadd.s32 s6, s4  }
0xd: {  	s11 =	sadd.s32 s11, s13;
	s12 =	smax.u32 s12, $0x1;
	s13 =	simm.s32 $0x4F00  }
0xe: {  	s10 =	sadd.s32 s7, s4;
	s4 =	sadd.s32 $0x2BE00, s4;
	s7 =	sshrl.u32 s31, $0x2  }
0xf: {  	s5 =	sadd.s32 $0x53000, s6;
	s6 =	sadd.s32 s7, s2;
	s10 =	sadd.s32 $0x4600, s10  }
0x10: {  	v0 =	vimm.f32 $0.0e+00;
	s7 =	sadd.s32 $0x13C0, s6;
	s8 =	sadd.s32 $0x2780, s6;
	s9 =	sadd.s32 $0x3B40, s6  }
.LBB2_1:
0x11: {  	s24 =	simm.s32 $0x80;
	s25 =	simm.s32 $0x0  }
.LBB2_2:
0x12: {  	p0 =	sne.s32 s24, $0x4E80;
	[tilespmem:s25+$0xBE00] =	vst v0;
	s26 =	smov.u32 s24;
	s24 =	sadd.s32 $0x80, s24  }
.Ltmp0:
0x13: {  	[tilespmem:s25+$0xBE10] =	vst v0;
	(pc) =	sbr.rel @p0 .LBB2_2-.Ltmp0, $2  }
0x14: {  	_ =	sdelay $0x2  }
0x15: {  	s25 =	sshra.s32 s26, $0x2  }
0x16: {  	[tilespmem:s25+$0xBE00] =	vst v0  }
0x17: {  	[tilespmem:s25+$0xBE10] =	vst v0;
	s24 =	simm.s32 $0x0  }
0x18: {  	[tilespmem:s13], [sflag:$0x3] =	stream.linear.gather [hbm4b:s5+s24], $0x4F00, $0x38;
	[tilespmem:$0x120C0] =	vst v63  }
0x19: {  	_ =	swait.ge [sflag:s14], $0x4F00  }
0x1a: {  	[sflag:s14] =	ssyncset.done $0x0  }
0x1b: {  	[sflag:s14] =	ssyncadd.s32 $0xFFFFB100  }
0x1c: {  	[spmem:s6] =	stream.linear.scatter [tilespmem:s15], [sflag:$0x3], $0x13C0, $0x38;
	[tilespmem:$0x120C0] =	vst v63  }
0x1d: {  	_ =	swait.ge [sflag:s14], $0x13C0  }
0x1e: {  	[sflag:s14] =	ssyncset.done $0x0  }
0x1f: {  	[sflag:s14] =	ssyncadd.s32 $0xFFFFEC40  }
0x20: {  	[spmem:s7] =	stream.linear.scatter [tilespmem:s15], [sflag:$0x3], $0x13C0, $0x38;
	[tilespmem:$0x120C0] =	vst v63  }
0x21: {  	_ =	swait.ge [sflag:s14], $0x13C0  }
0x22: {  	[sflag:s14] =	ssyncset.done $0x0  }
0x23: {  	[sflag:s14] =	ssyncadd.s32 $0xFFFFEC40  }
0x24: {  	[spmem:s8] =	stream.linear.scatter [tilespmem:s15], [sflag:$0x3], $0x13C0, $0x38;
	[tilespmem:$0x120C0] =	vst v63  }
0x25: {  	_ =	swait.ge [sflag:s14], $0x13C0  }
0x26: {  	[sflag:s14] =	ssyncset.done $0x0  }
0x27: {  	[sflag:s14] =	ssyncadd.s32 $0xFFFFEC40  }
0x28: {  	[spmem:s9] =	stream.linear.scatter [tilespmem:s15], [sflag:$0x3], $0x13C0, $0x38;
	[tilespmem:$0x120C0] =	vst v63  }
0x29: {  	_ =	swait.ge [sflag:s14], $0x13C0  }
0x2a: {  	[sflag:s14] =	ssyncset.done $0x0  }
0x2b: {  	[sflag:s14] =	ssyncadd.s32 $0xFFFFEC40  }
0x2c: {  	[tilespmem:s24], [sflag:$0x3] =	stream.linear.gather [hbm4b:s10+s24], $0x4F00, $0x38;
	[tilespmem:$0x120C0] =	vst v63  }
0x2d: {  	_ =	swait.ge [sflag:s14], $0x4F00  }
0x2e: {  	[sflag:s14] =	ssyncset.done $0x0  }
0x2f: {  	[sflag:s14] =	ssyncadd.s32 $0xFFFFB100  }
0x30: {  	[bflag:$0x0] =	sbarrier.arrive $0xFFFF  }
0x31: {  	[tilespmem:s17], [sflag:$0x1] =	stream.indirect.gather [hbm4b:s4+s16], $0x20, s24, s16, $0xb8;
	[tilespmem:$0x120C0] =	vst v63  }
0x32: {  	_ =	swait.ge [sflag:s18], $0x1000  }
0x33: {  	[sflag:s18] =	ssyncset.done $0x0  }
0x34: {  	s28 =	simm.s32 $0x80;
	[sflag:s18] =	ssyncadd.s32 $0xFFFFF000  }
0x35: {  	[tilespmem:s19], [sflag:$0x2] =	stream.indirect.gather [hbm4b:s4+s16], $0x20, s28, s16, $0xb8;
	[tilespmem:$0x120C0] =	vst v63  }
0x36: {  	s29 =	simm.s32 $0x4F00  }
0x37: {  	[spmem:s2] =	stream.indirect.scatter.add.f32 [tilespmem:s17], [sflag:$0x3], $0x20, s29, s16, $0xb8;
	[tilespmem:$0x120C0] =	vst v63  }
0x38: {  	_ =	swait.ge [sflag:s14], $0x1000  }
0x39: {  	[sflag:s14] =	ssyncset.done $0x0  }
0x3a: {  	[sflag:s14] =	ssyncadd.s32 $0xFFFFF000  }
0x3b: {  	_ =	swait.ge [sflag:s20], $0x1000  }
0x3c: {  	[sflag:s20] =	ssyncset.done $0x0  }
0x3d: {  	s30 =	simm.s32 $0x100;
	[sflag:s20] =	ssyncadd.s32 $0xFFFFF000  }
0x3e: {  	[tilespmem:s17], [sflag:$0x1] =	stream.indirect.gather [hbm4b:s4+s16], $0x20, s30, s16, $0xb8;
	[tilespmem:$0x120C0] =	vst v63  }
0x3f: {  	s31 =	simm.s32 $0x4F80  }
0x40: {  	[spmem:s2] =	stream.indirect.scatter.add.f32 [tilespmem:s19], [sflag:$0x3], $0x20, s31, s16, $0xb8;
	[tilespmem:$0x120C0] =	vst v63  }
0x41: {  	_ =	swait.ge [sflag:s14], $0x1000  }
0x42: {  	s24 =	simm.s32 $0x400;
	[sflag:s14] =	ssyncset.done $0x0  }
.LBB2_4:
0x43: {  	p0 =	sne.s32 s24, $0x13400  }
0x44: {  	[sflag:s14] =	ssyncadd.s32 $0xFFFFF000;
	s25 =	smov.u32 s24;
	s24 =	sadd.s32 $0x400, s24  }
0x45: {  	_ = 	snop  }
0x46: {  	_ =	swait.ge [sflag:s18], $0x1000  }
0x47: {  	s25 =	sshra.s32 s25, $0x2;
	[sflag:s18] =	ssyncset.done $0x0  }
0x48: {  	s26 =	sadd.s32 $0x80, s25;
	[sflag:s18] =	ssyncadd.s32 $0xFFFFF000  }
0x49: {  	[tilespmem:s19], [sflag:$0x2] =	stream.indirect.gather [hbm4b:s4+s16], $0x20, s26, s16, $0xb8;
	[tilespmem:$0x120C0] =	vst v63  }
0x4a: {  	s26 =	sadd.s32 $0x4F00, s25  }
0x4b: {  	[spmem:s2] =	stream.indirect.scatter.add.f32 [tilespmem:s17], [sflag:$0x3], $0x20, s26, s16, $0xb8;
	[tilespmem:$0x120C0] =	vst v63  }
0x4c: {  	_ =	swait.ge [sflag:s14], $0x1000  }
0x4d: {  	[sflag:s14] =	ssyncset.done $0x0  }
0x4e: {  	[sflag:s14] =	ssyncadd.s32 $0xFFFFF000  }
0x4f: {  	_ =	swait.ge [sflag:s20], $0x1000  }
0x50: {  	[sflag:s20] =	ssyncset.done $0x0  }
0x51: {  	s26 =	sadd.s32 $0x100, s25;
	[sflag:s20] =	ssyncadd.s32 $0xFFFFF000  }
0x52: {  	[tilespmem:s17], [sflag:$0x1] =	stream.indirect.gather [hbm4b:s4+s16], $0x20, s26, s16, $0xb8;
	[tilespmem:$0x120C0] =	vst v63  }
.Ltmp1:
0x53: {  	_ = 	snop;
	(pc) =	sbr.rel @p0 .LBB2_4-.Ltmp1, $4  }
0x54: {  	s25 =	sadd.s32 $0x4F80, s25  }
0x55: {  	[spmem:s2] =	stream.indirect.scatter.add.f32 [tilespmem:s19], [sflag:$0x3], $0x20, s25, s16, $0xb8;
	[tilespmem:$0x120C0] =	vst v63  }
0x56: {  	_ =	swait.ge [sflag:s14], $0x1000  }
0x57: {  	[sflag:s14] =	ssyncset.done $0x0  }
0x58: {  	[sflag:s14] =	ssyncadd.s32 $0xFFFFF000  }
0x59: {  	_ =	swait.ge [sflag:s18], $0x1000  }
0x5a: {  	[sflag:s18] =	ssyncset.done $0x0  }
0x5b: {  	[sflag:s18] =	ssyncadd.s32 $0xFFFFF000  }
0x5c: {  	[tilespmem:s19], [sflag:$0x2] =	stream.indirect.gather [hbm4b:s4+s16], $0x20, s21, s16, $0xb8;
	[tilespmem:$0x120C0] =	vst v63  }
0x5d: {  	_ = 	snop  }
0x5e: {  	[spmem:s2] =	stream.indirect.scatter.add.f32 [tilespmem:s17], [sflag:$0x3], $0x20, s22, s16, $0xb8;
	[tilespmem:$0x120C0] =	vst v63  }
0x5f: {  	_ =	swait.ge [sflag:s14], $0x1000  }
0x60: {  	[sflag:s14] =	ssyncset.done $0x0  }
0x61: {  	[sflag:s14] =	ssyncadd.s32 $0xFFFFF000  }
0x62: {  	_ =	swait.ge [sflag:s20], $0x1000  }
0x63: {  	[sflag:s20] =	ssyncset.done $0x0  }
0x64: {  	[sflag:s20] =	ssyncadd.s32 $0xFFFFF000  }
0x65: {  	[spmem:s2] =	stream.indirect.scatter.add.f32 [tilespmem:s19], [sflag:$0x3], $0x20, s23, s16, $0xb8;
	[tilespmem:$0x120C0] =	vst v63  }
0x66: {  	_ =	swait.ge [sflag:s14], $0x1000  }
0x67: {  	s24 =	sshll.u32 s0, $0x6;
	[sflag:s14] =	ssyncset.done $0x0  }
0x68: {  	s25 =	sshrl.u32 s6, $0x3;
	s3 =	sadd.s32 $0x1, s3;
	[sflag:s14] =	ssyncadd.s32 $0xFFFFF000  }
0x69: {  	s24 =	sor.u32 $0x1C03, s24;
	p0 =	sne.s32 s3, s12;
	[bflag:$0x0] =	sbarrier.arrive $0xFFFF  }
0x6a: {  	[hbm:s11], [sflag:s24] =	dma.local [spmem:s25], $0x9E0  }
.Ltmp2:
0x6b: {  	_ =	swait.ge [sflag:s14], $0x9E0;
	(pc) =	sbr.rel @p0 .LBB2_1-.Ltmp2, $3  }
0x6c: {  	[sflag:s14] =	ssyncset.done $0x0  }
0x6d: {  	[sflag:s14] =	ssyncadd.s32 $0xFFFFF620  }
0x6e: {  	[bflag:$0x0] =	sbarrier.arrive $0xFFFF;
	_ =	sdelay $0x1  }
0x6f: {  	_ =	sfence.sel $0x180000  }
0x70: {  	[bflag:$0x0] =	sbarrier.arrive $0xFFFF  }
0x71: {  	p0 =	sne.s32 s0, $0x0;
	_ =	strace $0x9000004D  }
0x72: {  	s0 =	sadd.s32 @!p0 $0x100000, s1;
	[bflag:$0x2] =	sbarrier.arrive $0xFFFF  }
0x73: {  	[sflag:s0] =	ssyncadd.tile.s32 @!p0 $0x1;
	_ =	shalt  }
.Lfunc_end2:
_tile_overlayer_lowered:
.L_overlay_start_2:
0x74: {  	(tag) =	ssettag $0x2  }
0x75: {  	s0 =	rddreg [dreg:$0x0];
	s2 =	stileid.u32  }
0x76: {  	s1 =	rddreg [dreg:$0x1];
	p0 =	sne.s32 s2, $0x0  }
0x77: {  	s3 =	rddreg [dreg:$0x2];
	[bflag:$0x3] =	sbarrier.arrive $0xFFFF;
	s2 =	simm.s32 @!p0 $0x1C03  }
0x78: {  	[timem:s3], [sflag:s2] =	dma.local @!p0 [hbm:s0], s1  }
0x79: {  	s0 =	simm.s32 @!p0 $0x3  }
0x7a: {  	_ =	swait.ge @!p0 [sflag:s0], s1  }
0x7b: {  	s1 =	ssub.s32 @!p0 $0x0, s1;
	[sflag:s0] =	ssyncset.done @!p0 $0x0  }
0x7c: {  	[sflag:s0] =	ssyncadd.s32 @!p0 s1  }
0x7d: {  	[bflag:$0x3] =	sbarrier.arrive $0xFFFF  }
0x7e: {  	_ =	shalt  }

</sc_bundles>
